<compile_context>
chip_gen: v7x
topology: tpu7x:2x2x1
jax: 0.10.2.dev20260603
libtpu: 0.0.44.dev20260713+nightly
codegen_flags: <defaults>
</compile_context>

<pallas_src>
import functools

import jax
import jax.numpy as jnp
from jax import lax
from jax.experimental import pallas as pl
from jax.experimental.pallas import tpu as pltpu
from jax.experimental.pallas import tpu_sc as plsc

N_NODES = 10000
N_EDGES = 320000
NODE_IN = 128
TOPO_IN = 16
HIDDEN = 64

NC = 2
NS = 16
NW = NC * NS
EPW = N_EDGES // NW
CH = 125
NCH = EPW // CH
RPT = 640
NP = RPT * NS

_mesh = plsc.VectorSubcoreMesh(
    core_axis_name="c", subcore_axis_name="s", num_cores=NC, num_subcores=NS)
_sc_params = pltpu.CompilerParams(use_tc_tiling_on_sc=False)


@functools.partial(
    pl.kernel,
    out_type=jax.ShapeDtypeStruct((NC, NP, 16), jnp.float32),
    mesh=_mesh,
    scratch_types=[
        pltpu.VMEM_SHARED((NP, 16), jnp.float32),
        pltpu.VMEM((NCH, CH), jnp.int32),
        pltpu.VMEM((CH, 16), jnp.float32),
        pltpu.SemaphoreType.DMA,
        pltpu.SemaphoreType.DMA,
    ],
    compiler_params=_sc_params,
)
def _deg_kernel(ei_hbm, ones_hbm, zeros_hbm, out_hbm, tab, didx, ones_v,
                semd, semp):
    c = lax.axis_index("c")
    s = lax.axis_index("s")
    w = s * NC + c
    pltpu.async_copy(zeros_hbm, tab.at[pl.ds(s * RPT, RPT)], semp)
    pltpu.async_copy(ones_hbm, ones_v, semp)
    pltpu.async_copy(ei_hbm.at[1, w], didx, semp)
    pltpu.make_async_copy(zeros_hbm, tab.at[pl.ds(s * RPT, RPT)], semp).wait()
    pltpu.make_async_copy(ones_hbm, ones_v, semp).wait()
    pltpu.make_async_copy(ei_hbm.at[1, w], didx, semp).wait()
    plsc.subcore_barrier()

    def body(g, carry):
        for j in range(16):
            pltpu.async_copy(ones_v, tab.at[didx.at[g * 16 + j]], semd,
                             add=True)
        for j in range(16):
            pltpu.make_async_copy(ones_v, tab.at[didx.at[g * 16 + j]],
                                  semd).wait()
        return carry

    lax.fori_loop(0, NCH // 16, body, 0)
    plsc.subcore_barrier()
    pltpu.sync_copy(tab.at[pl.ds(s * RPT, RPT)],
                    out_hbm.at[c, pl.ds(s * RPT, RPT)])


@functools.partial(
    pl.kernel,
    out_type=jax.ShapeDtypeStruct((NC, NP, HIDDEN), jnp.float32),
    mesh=_mesh,
    scratch_types=[
        pltpu.VMEM_SHARED((NP, HIDDEN), jnp.float32),
        pltpu.VMEM((NCH, CH), jnp.int32),
        pltpu.VMEM((NCH, CH), jnp.int32),
        pltpu.VMEM((CH, HIDDEN), jnp.float32),
        pltpu.VMEM((CH, HIDDEN), jnp.float32),
        pltpu.VMEM((CH, HIDDEN), jnp.float32),
        pltpu.VMEM((CH, HIDDEN), jnp.float32),
        pltpu.SemaphoreType.DMA,
        pltpu.SemaphoreType.DMA,
        pltpu.SemaphoreType.DMA,
        pltpu.SemaphoreType.DMA,
    ],
    compiler_params=_sc_params,
)
def _agg_kernel(g_hbm, ei_hbm, zeros_hbm, out_hbm,
                acc, sidx, didx, rows0, rows1, rows2, rows3,
                sem0, sem1, sem2, sem3):
    c = lax.axis_index("c")
    s = lax.axis_index("s")
    w = s * NC + c
    pltpu.async_copy(zeros_hbm, acc.at[pl.ds(s * RPT, RPT)], sem0)
    pltpu.async_copy(ei_hbm.at[0, w], sidx, sem1)
    pltpu.async_copy(ei_hbm.at[1, w], didx, sem2)
    pltpu.make_async_copy(zeros_hbm, acc.at[pl.ds(s * RPT, RPT)], sem0).wait()
    pltpu.make_async_copy(ei_hbm.at[0, w], sidx, sem1).wait()
    pltpu.make_async_copy(ei_hbm.at[1, w], didx, sem2).wait()
    plsc.subcore_barrier()

    bufs = (rows0, rows1, rows2, rows3)
    sems = (sem0, sem1, sem2, sem3)
    pltpu.async_copy(g_hbm.at[sidx.at[0]], rows0, sem0)
    pltpu.async_copy(g_hbm.at[sidx.at[1]], rows1, sem1)
    pltpu.async_copy(g_hbm.at[sidx.at[2]], rows2, sem2)

    def body(i4, carry):
        q0 = 4 * i4
        for j in range(4):
            q = q0 + j
            buf, sem = bufs[j], sems[j]
            nbuf, nsem = bufs[(j + 3) % 4], sems[(j + 3) % 4]
            pltpu.make_async_copy(g_hbm.at[sidx.at[q]], buf, sem).wait()

            @pl.when(q + 3 < NCH)
            def _():
                nq = jnp.minimum(q + 3, NCH - 1)
                pltpu.async_copy(g_hbm.at[sidx.at[nq]], nbuf, nsem)

            pltpu.sync_copy(buf, acc.at[didx.at[q]], add=True)
        return carry

    lax.fori_loop(0, NCH // 4, body, 0)
    plsc.subcore_barrier()
    pltpu.sync_copy(acc.at[pl.ds(s * RPT, RPT)],
                    out_hbm.at[c, pl.ds(s * RPT, RPT)])


BN = 2000
_GRID = N_NODES // BN


def _stage1a_body(x_ref, topo_ref, tw1, tb1, tw2, tb2, c1w, hw_ref):
    z = jnp.maximum(topo_ref[...] @ tw1[...] + tb1[...], 0.0)
    z = jnp.maximum(z @ tw2[...] + tb2[...], 0.0)
    h = jnp.concatenate([x_ref[...], z], axis=1)
    hw_ref[...] = h @ c1w[...]


def _stage1b_body(degp_ref, hw_ref, g1_ref, dinv_ref):
    deg = degp_ref[0, :, 0:1] + degp_ref[1, :, 0:1] + 1.0
    dinv = lax.rsqrt(deg)
    g1_ref[...] = dinv * hw_ref[...]
    dinv_ref[...] = dinv


def _stage2_body(p_ref, g1_ref, dinv_ref, c2w, c1b, g2_ref):
    dinv = dinv_ref[...]
    h1 = jnp.maximum(dinv * (p_ref[0] + p_ref[1] + g1_ref[...]) + c1b[...], 0.0)
    g2_ref[...] = dinv * (h1 @ c2w[...])


def _stage3_body(p_ref, g2_ref, dinv_ref, c2b, ow, ob, y_ref):
    dinv = dinv_ref[...]
    h2 = jnp.maximum(dinv * (p_ref[0] + p_ref[1] + g2_ref[...]) + c2b[...], 0.0)
    y_ref[...] = jax.nn.sigmoid(h2 @ ow[...] + ob[...])


def _full(shape):
    return pl.BlockSpec(shape, lambda i: (0,) * len(shape))


def _rows(width):
    return pl.BlockSpec((BN, width), lambda i: (i, 0))


_stage1a = pl.pallas_call(
    _stage1a_body,
    grid=(_GRID,),
    in_specs=[
        _rows(NODE_IN),
        _rows(TOPO_IN),
        _full((TOPO_IN, 32)), _full((1, 32)),
        _full((32, 32)), _full((1, 32)),
        _full((NODE_IN + 32, HIDDEN)),
    ],
    out_specs=[_rows(HIDDEN)],
    out_shape=[jax.ShapeDtypeStruct((N_NODES, HIDDEN), jnp.float32)],
)

_stage1b = pl.pallas_call(
    _stage1b_body,
    grid=(_GRID,),
    in_specs=[
        pl.BlockSpec((NC, BN, 16), lambda i: (0, i, 0)),
        _rows(HIDDEN),
    ],
    out_specs=[_rows(HIDDEN), _rows(1)],
    out_shape=[
        jax.ShapeDtypeStruct((N_NODES, HIDDEN), jnp.float32),
        jax.ShapeDtypeStruct((N_NODES, 1), jnp.float32),
    ],
)

_stage2 = pl.pallas_call(
    _stage2_body,
    grid=(_GRID,),
    in_specs=[
        pl.BlockSpec((NC, BN, HIDDEN), lambda i: (0, i, 0)),
        _rows(HIDDEN),
        _rows(1),
        _full((HIDDEN, HIDDEN)), _full((1, HIDDEN)),
    ],
    out_specs=[_rows(HIDDEN)],
    out_shape=[jax.ShapeDtypeStruct((N_NODES, HIDDEN), jnp.float32)],
)

_stage3 = pl.pallas_call(
    _stage3_body,
    grid=(_GRID,),
    in_specs=[
        pl.BlockSpec((NC, BN, HIDDEN), lambda i: (0, i, 0)),
        _rows(HIDDEN),
        _rows(1),
        _full((1, HIDDEN)), _full((HIDDEN, 1)), _full((1, 1)),
    ],
    out_specs=[_rows(1)],
    out_shape=[jax.ShapeDtypeStruct((N_NODES, 1), jnp.float32)],
)


def kernel(x, topo, edge_index, topo_W1, topo_b1, topo_W2, topo_b2,
           conv1_W, conv1_b, conv2_W, conv2_b, out_W, out_b):
    ei = edge_index.astype(jnp.int32).reshape(2, NW, NCH, CH)
    zeros16 = jnp.zeros((RPT, 16), jnp.float32)
    zeros64 = jnp.zeros((RPT, HIDDEN), jnp.float32)
    ones16 = jnp.ones((CH, 16), jnp.float32)

    degp = _deg_kernel(ei, ones16, zeros16)
    (hw1,) = _stage1a(x, topo,
                      topo_W1, topo_b1.reshape(1, -1),
                      topo_W2, topo_b2.reshape(1, -1), conv1_W)
    g1, dinv = _stage1b(degp, hw1)
    p1 = _agg_kernel(g1, ei, zeros64)
    (g2,) = _stage2(p1, g1, dinv, conv2_W, conv1_b.reshape(1, -1))
    p2 = _agg_kernel(g2, ei, zeros64)
    (y,) = _stage3(p2, g2, dinv, conv2_b.reshape(1, -1),
                   out_W, out_b.reshape(1, 1))
    return y

# --- scband reference (transcript-rebuilt; emitter-appended) ---
"""Pipeline reference for scband-gnnleak-detector-topo-52682068852861 (READ-ONLY COPY).

The authoritative reference and input builder live on the scoring server;
editing this copy changes nothing except your own understanding.
"""

import jax, jax.numpy as jnp
import numpy as np

N_NODES = 10000
N_EDGES = 320000
NODE_IN = 128
TOPO_IN = 16
HIDDEN = 64
TOPO_PROJ = 32


def setup_inputs(seed: int = 0) -> dict:
    key = jax.random.key(seed)
    ks = jax.random.split(key, 16)
    x = jax.random.normal(ks[0], (N_NODES, NODE_IN), dtype=jnp.float32)
    topo = jax.random.normal(ks[1], (N_NODES, TOPO_IN), dtype=jnp.float32)
    edge_index = jax.random.randint(ks[2], (2, N_EDGES), 0, N_NODES, dtype=jnp.int64)
    fused_in = NODE_IN + TOPO_PROJ
    def glorot(k, shape):
        fan_in, fan_out = shape[0], shape[1]
        lim = (6.0 / (fan_in + fan_out)) ** 0.5
        return jax.random.uniform(k, shape, dtype=jnp.float32, minval=-lim, maxval=lim)
    return {
        "x": x,
        "topo": topo,
        "edge_index": edge_index,
        "topo_W1": glorot(ks[3], (TOPO_IN, TOPO_PROJ)),
        "topo_b1": jnp.zeros((TOPO_PROJ,), dtype=jnp.float32),
        "topo_W2": glorot(ks[4], (TOPO_PROJ, TOPO_PROJ)),
        "topo_b2": jnp.zeros((TOPO_PROJ,), dtype=jnp.float32),
        "conv1_W": glorot(ks[5], (fused_in, HIDDEN)),
        "conv1_b": jnp.zeros((HIDDEN,), dtype=jnp.float32),
        "conv2_W": glorot(ks[6], (HIDDEN, HIDDEN)),
        "conv2_b": jnp.zeros((HIDDEN,), dtype=jnp.float32),
        "out_W": glorot(ks[7], (HIDDEN, 1)),
        "out_b": jnp.zeros((1,), dtype=jnp.float32),
    }


def _gcn_conv(h, edge_index, W, b, num_nodes):
    # PyG GCNConv: add self-loops, symmetric normalization, scatter-add aggregation
    loop = jnp.arange(num_nodes, dtype=edge_index.dtype)
    src = jnp.concatenate([edge_index[0], loop])
    dst = jnp.concatenate([edge_index[1], loop])
    deg = jnp.zeros((num_nodes,), dtype=h.dtype).at[dst].add(1.0)
    deg_inv_sqrt = jnp.where(deg > 0, 1.0 / jnp.sqrt(deg), 0.0)
    norm = deg_inv_sqrt[src] * deg_inv_sqrt[dst]
    hw = h @ W
    msg = hw[src] * norm[:, None]
    out = jnp.zeros((num_nodes, W.shape[1]), dtype=h.dtype).at[dst].add(msg)
    return out + b


def reference(x, topo, edge_index, topo_W1, topo_b1, topo_W2, topo_b2,
              conv1_W, conv1_b, conv2_W, conv2_b, out_W, out_b):
    num_nodes = x.shape[0]
    # SimpleTopoLayer (dropout inert in eval)
    z = jax.nn.relu(topo @ topo_W1 + topo_b1)
    z = jax.nn.relu(z @ topo_W2 + topo_b2)
    h = jnp.concatenate([x, z], axis=1)
    h = jax.nn.relu(_gcn_conv(h, edge_index, conv1_W, conv1_b, num_nodes))
    h = jax.nn.relu(_gcn_conv(h, edge_index, conv2_W, conv2_b, num_nodes))
    return jax.nn.sigmoid(h @ out_W + out_b)

if __name__ == "__main__":
    import jax
    _d = setup_inputs()
    print(jax.jit(kernel)(*tuple(_d.values())))

</pallas_src>

<mosaic_0001>
#map = affine_map<(d0, d1) -> (0, 0, 0, 0)>
#map1 = affine_map<(d0, d1) -> (0, 0)>
#map2 = affine_map<(d0, d1) -> (0, 0, 0)>
module attributes {stable_mosaic.version = 14 : i64} {
  func.func @_deg_kernel(%arg0: i32, %arg1: i32, %arg2: memref<2x32x80x125xi32, #tpu.memory_space<hbm>>, %arg3: memref<125x16xf32, #tpu.memory_space<hbm>>, %arg4: memref<640x16xf32, #tpu.memory_space<hbm>>, %arg5: memref<2x10240x16xf32, #tpu.memory_space<hbm>>, %arg6: memref<10240x16xf32, #tpu.memory_space<vmem_shared>>, %arg7: memref<80x125xi32, #tpu.memory_space<vmem>>, %arg8: memref<125x16xf32, #tpu.memory_space<vmem>>, %arg9: memref<!tpu.dma_semaphore, #tpu.memory_space<semaphore_mem>>, %arg10: memref<!tpu.dma_semaphore, #tpu.memory_space<semaphore_mem>>) attributes {dimension_semantics = [#tpu.dimension_semantics<core_parallel>, #tpu.dimension_semantics<subcore_parallel>], iteration_bounds = array<i64: 2, 16>, scalar_prefetch = 0 : i64, scratch_operands = 5 : i64, tpu.core_type = #tpu.core_type<sc_vector_subcore>, window_params = [{transform_indices = #map}, {transform_indices = #map1}, {transform_indices = #map1}, {transform_indices = #map2}]} {
    %mul3A = arith.constant 2 : i32
    %mul3A_0 = arith.muli %arg1, %mul3A : i32
    %add3A = arith.addi %mul3A_0, %arg0 : i32
    %mul3A_1 = arith.constant 640 : i32
    %mul3A_2 = arith.muli %arg1, %mul3A_1 : i32
    %dma_start3A = arith.constant 0 : i32
    %dma_start3A_3 = tpu.memref_slice %arg6[%mul3A_2, %dma_start3A] : memref<10240x16xf32, #tpu.memory_space<vmem_shared>> -> memref<640x16xf32, #tpu.memory_space<vmem_shared>>
    tpu.enqueue_dma source(%arg4 : memref<640x16xf32, #tpu.memory_space<hbm>>) target(%dma_start3A_3 : memref<640x16xf32, #tpu.memory_space<vmem_shared>>) target_semaphore(%arg10 : memref<!tpu.dma_semaphore, #tpu.memory_space<semaphore_mem>>)
    tpu.enqueue_dma source(%arg3 : memref<125x16xf32, #tpu.memory_space<hbm>>) target(%arg8 : memref<125x16xf32, #tpu.memory_space<vmem>>) target_semaphore(%arg10 : memref<!tpu.dma_semaphore, #tpu.memory_space<semaphore_mem>>)
    %dma_start3A_4 = arith.constant 1 : i32
    %dma_start3A_5 = arith.constant 0 : i32
    %dma_start3A_6 = arith.constant 0 : i32
    %dma_start3A_7 = tpu.memref_slice %arg2[%dma_start3A_4, %add3A, %dma_start3A_5, %dma_start3A_6] : memref<2x32x80x125xi32, #tpu.memory_space<hbm>> -> memref<1x1x80x125xi32, #tpu.memory_space<hbm>>
    %dma_start3A_8 = tpu.memref_squeeze %dma_start3A_7 : memref<1x1x80x125xi32, #tpu.memory_space<hbm>> -> memref<80x125xi32, #tpu.memory_space<hbm>>
    %dma_start3A_9 = arith.constant 0 : i32
    %dma_start3A_10 = arith.constant 0 : i32
    %dma_start3A_11 = tpu.memref_slice %arg2[%dma_start3A_4, %add3A, %dma_start3A_9, %dma_start3A_10] : memref<2x32x80x125xi32, #tpu.memory_space<hbm>> -> memref<1x1x80x125xi32, #tpu.memory_space<hbm>>
    %dma_start3A_12 = tpu.memref_squeeze %dma_start3A_11 : memref<1x1x80x125xi32, #tpu.memory_space<hbm>> -> memref<80x125xi32, #tpu.memory_space<hbm>>
    tpu.enqueue_dma source(%dma_start3A_12 : memref<80x125xi32, #tpu.memory_space<hbm>>) target(%arg7 : memref<80x125xi32, #tpu.memory_space<vmem>>) target_semaphore(%arg10 : memref<!tpu.dma_semaphore, #tpu.memory_space<semaphore_mem>>)
    %mul3A_13 = arith.constant 640 : i32
    %mul3A_14 = arith.muli %arg1, %mul3A_13 : i32
    %dma_wait3A = arith.constant 0 : i32
    %dma_wait3A_15 = tpu.memref_slice %arg6[%mul3A_14, %dma_wait3A] : memref<10240x16xf32, #tpu.memory_space<vmem_shared>> -> memref<640x16xf32, #tpu.memory_space<vmem_shared>>
    tpu.wait_dma2 semaphore(%arg10 : memref<!tpu.dma_semaphore, #tpu.memory_space<semaphore_mem>>) src(%arg4 : memref<640x16xf32, #tpu.memory_space<hbm>>) dst(%dma_wait3A_15 : memref<640x16xf32, #tpu.memory_space<vmem_shared>>)
    tpu.wait_dma2 semaphore(%arg10 : memref<!tpu.dma_semaphore, #tpu.memory_space<semaphore_mem>>) src(%arg3 : memref<125x16xf32, #tpu.memory_space<hbm>>) dst(%arg8 : memref<125x16xf32, #tpu.memory_space<vmem>>)
    %dma_wait3A_16 = arith.constant 1 : i32
    %dma_wait3A_17 = arith.constant 0 : i32
    %dma_wait3A_18 = arith.constant 0 : i32
    %dma_wait3A_19 = tpu.memref_slice %arg2[%dma_wait3A_16, %add3A, %dma_wait3A_17, %dma_wait3A_18] : memref<2x32x80x125xi32, #tpu.memory_space<hbm>> -> memref<1x1x80x125xi32, #tpu.memory_space<hbm>>
    %dma_wait3A_20 = tpu.memref_squeeze %dma_wait3A_19 : memref<1x1x80x125xi32, #tpu.memory_space<hbm>> -> memref<80x125xi32, #tpu.memory_space<hbm>>
    %dma_wait3A_21 = arith.constant 0 : i32
    %dma_wait3A_22 = arith.constant 0 : i32
    %dma_wait3A_23 = tpu.memref_slice %arg2[%dma_wait3A_16, %add3A, %dma_wait3A_21, %dma_wait3A_22] : memref<2x32x80x125xi32, #tpu.memory_space<hbm>> -> memref<1x1x80x125xi32, #tpu.memory_space<hbm>>
    %dma_wait3A_24 = tpu.memref_squeeze %dma_wait3A_23 : memref<1x1x80x125xi32, #tpu.memory_space<hbm>> -> memref<80x125xi32, #tpu.memory_space<hbm>>
    tpu.wait_dma2 semaphore(%arg10 : memref<!tpu.dma_semaphore, #tpu.memory_space<semaphore_mem>>) src(%dma_wait3A_24 : memref<80x125xi32, #tpu.memory_space<hbm>>) dst(%arg7 : memref<80x125xi32, #tpu.memory_space<vmem>>)
    %barrier3A = arith.constant 0 : index
    tpu.barrier barrier_id(%barrier3A)
    %scan3A = arith.constant 0 : i32
    %scan3A_25 = arith.constant 0 : i32
    %scan3A_26 = arith.constant 5 : i32
    %scan3A_27 = arith.addi %scan3A_25, %scan3A_26 : i32
    %scan3A_28 = arith.constant 1 : i32
    scf.for %scan3A_35 = %scan3A_25 to %scan3A_27 step %scan3A_28  : i32 {
      %mul3A_36 = arith.constant 16 : i32
      %mul3A_37 = arith.muli %scan3A_35, %mul3A_36 : i32
      %add3A_38 = arith.constant 0 : i32
      %add3A_39 = arith.addi %mul3A_37, %add3A_38 : i32
      %dma_start3A_40 = arith.constant 0 : i32
      %dma_start3A_41 = tpu.memref_slice %arg7[%add3A_39, %dma_start3A_40] : memref<80x125xi32, #tpu.memory_space<vmem>> -> memref<1x125xi32, #tpu.memory_space<vmem>>
      %dma_start3A_42 = tpu.memref_squeeze %dma_start3A_41 : memref<1x125xi32, #tpu.memory_space<vmem>> -> memref<125xi32, #tpu.memory_space<vmem>>
      %dma_start3A_43 = arith.constant 0 : i32
      %dma_start3A_44 = arith.constant 0 : i32
      %dma_start3A_45 = tpu.memref_slice %arg6[%dma_start3A_43, %dma_start3A_44] : memref<10240x16xf32, #tpu.memory_space<vmem_shared>> -> memref<10240x16xf32, #tpu.memory_space<vmem_shared>>
      tpu.enqueue_indirect_dma source(%arg8 : memref<125x16xf32, #tpu.memory_space<vmem>>) target(%dma_start3A_45 : memref<10240x16xf32, #tpu.memory_space<vmem_shared>>) offsets(%dma_start3A_42 : memref<125xi32, #tpu.memory_space<vmem>>) semaphore(%arg9 : memref<!tpu.dma_semaphore, #tpu.memory_space<semaphore_mem>>) {add = true}
      %mul3A_46 = arith.constant 16 : i32
      %mul3A_47 = arith.muli %scan3A_35, %mul3A_46 : i32
      %add3A_48 = arith.constant 1 : i32
      %add3A_49 = arith.addi %mul3A_47, %add3A_48 : i32
      %dma_start3A_50 = arith.constant 0 : i32
      %dma_start3A_51 = tpu.memref_slice %arg7[%add3A_49, %dma_start3A_50] : memref<80x125xi32, #tpu.memory_space<vmem>> -> memref<1x125xi32, #tpu.memory_space<vmem>>
      %dma_start3A_52 = tpu.memref_squeeze %dma_start3A_51 : memref<1x125xi32, #tpu.memory_space<vmem>> -> memref<125xi32, #tpu.memory_space<vmem>>
      %dma_start3A_53 = arith.constant 0 : i32
      %dma_start3A_54 = arith.constant 0 : i32
      %dma_start3A_55 = tpu.memref_slice %arg6[%dma_start3A_53, %dma_start3A_54] : memref<10240x16xf32, #tpu.memory_space<vmem_shared>> -> memref<10240x16xf32, #tpu.memory_space<vmem_shared>>
      tpu.enqueue_indirect_dma source(%arg8 : memref<125x16xf32, #tpu.memory_space<vmem>>) target(%dma_start3A_55 : memref<10240x16xf32, #tpu.memory_space<vmem_shared>>) offsets(%dma_start3A_52 : memref<125xi32, #tpu.memory_space<vmem>>) semaphore(%arg9 : memref<!tpu.dma_semaphore, #tpu.memory_space<semaphore_mem>>) {add = true}
      %mul3A_56 = arith.constant 16 : i32
      %mul3A_57 = arith.muli %scan3A_35, %mul3A_56 : i32
      %add3A_58 = arith.constant 2 : i32
      %add3A_59 = arith.addi %mul3A_57, %add3A_58 : i32
      %dma_start3A_60 = arith.constant 0 : i32
      %dma_start3A_61 = tpu.memref_slice %arg7[%add3A_59, %dma_start3A_60] : memref<80x125xi32, #tpu.memory_space<vmem>> -> memref<1x125xi32, #tpu.memory_space<vmem>>
      %dma_start3A_62 = tpu.memref_squeeze %dma_start3A_61 : memref<1x125xi32, #tpu.memory_space<vmem>> -> memref<125xi32, #tpu.memory_space<vmem>>
      %dma_start3A_63 = arith.constant 0 : i32
      %dma_start3A_64 = arith.constant 0 : i32
      %dma_start3A_65 = tpu.memref_slice %arg6[%dma_start3A_63, %dma_start3A_64] : memref<10240x16xf32, #tpu.memory_space<vmem_shared>> -> memref<10240x16xf32, #tpu.memory_space<vmem_shared>>
      tpu.enqueue_indirect_dma source(%arg8 : memref<125x16xf32, #tpu.memory_space<vmem>>) target(%dma_start3A_65 : memref<10240x16xf32, #tpu.memory_space<vmem_shared>>) offsets(%dma_start3A_62 : memref<125xi32, #tpu.memory_space<vmem>>) semaphore(%arg9 : memref<!tpu.dma_semaphore, #tpu.memory_space<semaphore_mem>>) {add = true}
      %mul3A_66 = arith.constant 16 : i32
      %mul3A_67 = arith.muli %scan3A_35, %mul3A_66 : i32
      %add3A_68 = arith.constant 3 : i32
      %add3A_69 = arith.addi %mul3A_67, %add3A_68 : i32
      %dma_start3A_70 = arith.constant 0 : i32
      %dma_start3A_71 = tpu.memref_slice %arg7[%add3A_69, %dma_start3A_70] : memref<80x125xi32, #tpu.memory_space<vmem>> -> memref<1x125xi32, #tpu.memory_space<vmem>>
      %dma_start3A_72 = tpu.memref_squeeze %dma_start3A_71 : memref<1x125xi32, #tpu.memory_space<vmem>> -> memref<125xi32, #tpu.memory_space<vmem>>
      %dma_start3A_73 = arith.constant 0 : i32
      %dma_start3A_74 = arith.constant 0 : i32
      %dma_start3A_75 = tpu.memref_slice %arg6[%dma_start3A_73, %dma_start3A_74] : memref<10240x16xf32, #tpu.memory_space<vmem_shared>> -> memref<10240x16xf32, #tpu.memory_space<vmem_shared>>
      tpu.enqueue_indirect_dma source(%arg8 : memref<125x16xf32, #tpu.memory_space<vmem>>) target(%dma_start3A_75 : memref<10240x16xf32, #tpu.memory_space<vmem_shared>>) offsets(%dma_start3A_72 : memref<125xi32, #tpu.memory_space<vmem>>) semaphore(%arg9 : memref<!tpu.dma_semaphore, #tpu.memory_space<semaphore_mem>>) {add = true}
      %mul3A_76 = arith.constant 16 : i32
      %mul3A_77 = arith.muli %scan3A_35, %mul3A_76 : i32
      %add3A_78 = arith.constant 4 : i32
      %add3A_79 = arith.addi %mul3A_77, %add3A_78 : i32
      %dma_start3A_80 = arith.constant 0 : i32
      %dma_start3A_81 = tpu.memref_slice %arg7[%add3A_79, %dma_start3A_80] : memref<80x125xi32, #tpu.memory_space<vmem>> -> memref<1x125xi32, #tpu.memory_space<vmem>>
      %dma_start3A_82 = tpu.memref_squeeze %dma_start3A_81 : memref<1x125xi32, #tpu.memory_space<vmem>> -> memref<125xi32, #tpu.memory_space<vmem>>
      %dma_start3A_83 = arith.constant 0 : i32
      %dma_start3A_84 = arith.constant 0 : i32
      %dma_start3A_85 = tpu.memref_slice %arg6[%dma_start3A_83, %dma_start3A_84] : memref<10240x16xf32, #tpu.memory_space<vmem_shared>> -> memref<10240x16xf32, #tpu.memory_space<vmem_shared>>
      tpu.enqueue_indirect_dma source(%arg8 : memref<125x16xf32, #tpu.memory_space<vmem>>) target(%dma_start3A_85 : memref<10240x16xf32, #tpu.memory_space<vmem_shared>>) offsets(%dma_start3A_82 : memref<125xi32, #tpu.memory_space<vmem>>) semaphore(%arg9 : memref<!tpu.dma_semaphore, #tpu.memory_space<semaphore_mem>>) {add = true}
      %mul3A_86 = arith.constant 16 : i32
      %mul3A_87 = arith.muli %scan3A_35, %mul3A_86 : i32
      %add3A_88 = arith.constant 5 : i32
      %add3A_89 = arith.addi %mul3A_87, %add3A_88 : i32
      %dma_start3A_90 = arith.constant 0 : i32
      %dma_start3A_91 = tpu.memref_slice %arg7[%add3A_89, %dma_start3A_90] : memref<80x125xi32, #tpu.memory_space<vmem>> -> memref<1x125xi32, #tpu.memory_space<vmem>>
      %dma_start3A_92 = tpu.memref_squeeze %dma_start3A_91 : memref<1x125xi32, #tpu.memory_space<vmem>> -> memref<125xi32, #tpu.memory_space<vmem>>
      %dma_start3A_93 = arith.constant 0 : i32
      %dma_start3A_94 = arith.constant 0 : i32
      %dma_start3A_95 = tpu.memref_slice %arg6[%dma_start3A_93, %dma_start3A_94] : memref<10240x16xf32, #tpu.memory_space<vmem_shared>> -> memref<10240x16xf32, #tpu.memory_space<vmem_shared>>
      tpu.enqueue_indirect_dma source(%arg8 : memref<125x16xf32, #tpu.memory_space<vmem>>) target(%dma_start3A_95 : memref<10240x16xf32, #tpu.memory_space<vmem_shared>>) offsets(%dma_start3A_92 : memref<125xi32, #tpu.memory_space<vmem>>) semaphore(%arg9 : memref<!tpu.dma_semaphore, #tpu.memory_space<semaphore_mem>>) {add = true}
      %mul3A_96 = arith.constant 16 : i32
      %mul3A_97 = arith.muli %scan3A_35, %mul3A_96 : i32
      %add3A_98 = arith.constant 6 : i32
      %add3A_99 = arith.addi %mul3A_97, %add3A_98 : i32
      %dma_start3A_100 = arith.constant 0 : i32
      %dma_start3A_101 = tpu.memref_slice %arg7[%add3A_99, %dma_start3A_100] : memref<80x125xi32, #tpu.memory_space<vmem>> -> memref<1x125xi32, #tpu.memory_space<vmem>>
      %dma_start3A_102 = tpu.memref_squeeze %dma_start3A_101 : memref<1x125xi32, #tpu.memory_space<vmem>> -> memref<125xi32, #tpu.memory_space<vmem>>
      %dma_start3A_103 = arith.constant 0 : i32
      %dma_start3A_104 = arith.constant 0 : i32
      %dma_start3A_105 = tpu.memref_slice %arg6[%dma_start3A_103, %dma_start3A_104] : memref<10240x16xf32, #tpu.memory_space<vmem_shared>> -> memref<10240x16xf32, #tpu.memory_space<vmem_shared>>
      tpu.enqueue_indirect_dma source(%arg8 : memref<125x16xf32, #tpu.memory_space<vmem>>) target(%dma_start3A_105 : memref<10240x16xf32, #tpu.memory_space<vmem_shared>>) offsets(%dma_start3A_102 : memref<125xi32, #tpu.memory_space<vmem>>) semaphore(%arg9 : memref<!tpu.dma_semaphore, #tpu.memory_space<semaphore_mem>>) {add = true}
      %mul3A_106 = arith.constant 16 : i32
      %mul3A_107 = arith.muli %scan3A_35, %mul3A_106 : i32
      %add3A_108 = arith.constant 7 : i32
      %add3A_109 = arith.addi %mul3A_107, %add3A_108 : i32
      %dma_start3A_110 = arith.constant 0 : i32
      %dma_start3A_111 = tpu.memref_slice %arg7[%add3A_109, %dma_start3A_110] : memref<80x125xi32, #tpu.memory_space<vmem>> -> memref<1x125xi32, #tpu.memory_space<vmem>>
      %dma_start3A_112 = tpu.memref_squeeze %dma_start3A_111 : memref<1x125xi32, #tpu.memory_space<vmem>> -> memref<125xi32, #tpu.memory_space<vmem>>
      %dma_start3A_113 = arith.constant 0 : i32
      %dma_start3A_114 = arith.constant 0 : i32
      %dma_start3A_115 = tpu.memref_slice %arg6[%dma_start3A_113, %dma_start3A_114] : memref<10240x16xf32, #tpu.memory_space<vmem_shared>> -> memref<10240x16xf32, #tpu.memory_space<vmem_shared>>
      tpu.enqueue_indirect_dma source(%arg8 : memref<125x16xf32, #tpu.memory_space<vmem>>) target(%dma_start3A_115 : memref<10240x16xf32, #tpu.memory_space<vmem_shared>>) offsets(%dma_start3A_112 : memref<125xi32, #tpu.memory_space<vmem>>) semaphore(%arg9 : memref<!tpu.dma_semaphore, #tpu.memory_space<semaphore_mem>>) {add = true}
      %mul3A_116 = arith.constant 16 : i32
      %mul3A_117 = arith.muli %scan3A_35, %mul3A_116 : i32
      %add3A_118 = arith.constant 8 : i32
      %add3A_119 = arith.addi %mul3A_117, %add3A_118 : i32
      %dma_start3A_120 = arith.constant 0 : i32
      %dma_start3A_121 = tpu.memref_slice %arg7[%add3A_119, %dma_start3A_120] : memref<80x125xi32, #tpu.memory_space<vmem>> -> memref<1x125xi32, #tpu.memory_space<vmem>>
      %dma_start3A_122 = tpu.memref_squeeze %dma_start3A_121 : memref<1x125xi32, #tpu.memory_space<vmem>> -> memref<125xi32, #tpu.memory_space<vmem>>
      %dma_start3A_123 = arith.constant 0 : i32
      %dma_start3A_124 = arith.constant 0 : i32
      %dma_start3A_125 = tpu.memref_slice %arg6[%dma_start3A_123, %dma_start3A_124] : memref<10240x16xf32, #tpu.memory_space<vmem_shared>> -> memref<10240x16xf32, #tpu.memory_space<vmem_shared>>
      tpu.enqueue_indirect_dma source(%arg8 : memref<125x16xf32, #tpu.memory_space<vmem>>) target(%dma_start3A_125 : memref<10240x16xf32, #tpu.memory_space<vmem_shared>>) offsets(%dma_start3A_122 : memref<125xi32, #tpu.memory_space<vmem>>) semaphore(%arg9 : memref<!tpu.dma_semaphore, #tpu.memory_space<semaphore_mem>>) {add = true}
      %mul3A_126 = arith.constant 16 : i32
      %mul3A_127 = arith.muli %scan3A_35, %mul3A_126 : i32
      %add3A_128 = arith.constant 9 : i32
      %add3A_129 = arith.addi %mul3A_127, %add3A_128 : i32
      %dma_start3A_130 = arith.constant 0 : i32
      %dma_start3A_131 = tpu.memref_slice %arg7[%add3A_129, %dma_start3A_130] : memref<80x125xi32, #tpu.memory_space<vmem>> -> memref<1x125xi32, #tpu.memory_space<vmem>>
      %dma_start3A_132 = tpu.memref_squeeze %dma_start3A_131 : memref<1x125xi32, #tpu.memory_space<vmem>> -> memref<125xi32, #tpu.memory_space<vmem>>
      %dma_start3A_133 = arith.constant 0 : i32
      %dma_start3A_134 = arith.constant 0 : i32
      %dma_start3A_135 = tpu.memref_slice %arg6[%dma_start3A_133, %dma_start3A_134] : memref<10240x16xf32, #tpu.memory_space<vmem_shared>> -> memref<10240x16xf32, #tpu.memory_space<vmem_shared>>
      tpu.enqueue_indirect_dma source(%arg8 : memref<125x16xf32, #tpu.memory_space<vmem>>) target(%dma_start3A_135 : memref<10240x16xf32, #tpu.memory_space<vmem_shared>>) offsets(%dma_start3A_132 : memref<125xi32, #tpu.memory_space<vmem>>) semaphore(%arg9 : memref<!tpu.dma_semaphore, #tpu.memory_space<semaphore_mem>>) {add = true}
      %mul3A_136 = arith.constant 16 : i32
      %mul3A_137 = arith.muli %scan3A_35, %mul3A_136 : i32
      %add3A_138 = arith.constant 10 : i32
      %add3A_139 = arith.addi %mul3A_137, %add3A_138 : i32
      %dma_start3A_140 = arith.constant 0 : i32
      %dma_start3A_141 = tpu.memref_slice %arg7[%add3A_139, %dma_start3A_140] : memref<80x125xi32, #tpu.memory_space<vmem>> -> memref<1x125xi32, #tpu.memory_space<vmem>>
      %dma_start3A_142 = tpu.memref_squeeze %dma_start3A_141 : memref<1x125xi32, #tpu.memory_space<vmem>> -> memref<125xi32, #tpu.memory_space<vmem>>
      %dma_start3A_143 = arith.constant 0 : i32
      %dma_start3A_144 = arith.constant 0 : i32
      %dma_start3A_145 = tpu.memref_slice %arg6[%dma_start3A_143, %dma_start3A_144] : memref<10240x16xf32, #tpu.memory_space<vmem_shared>> -> memref<10240x16xf32, #tpu.memory_space<vmem_shared>>
      tpu.enqueue_indirect_dma source(%arg8 : memref<125x16xf32, #tpu.memory_space<vmem>>) target(%dma_start3A_145 : memref<10240x16xf32, #tpu.memory_space<vmem_shared>>) offsets(%dma_start3A_142 : memref<125xi32, #tpu.memory_space<vmem>>) semaphore(%arg9 : memref<!tpu.dma_semaphore, #tpu.memory_space<semaphore_mem>>) {add = true}
      %mul3A_146 = arith.constant 16 : i32
      %mul3A_147 = arith.muli %scan3A_35, %mul3A_146 : i32
      %add3A_148 = arith.constant 11 : i32
      %add3A_149 = arith.addi %mul3A_147, %add3A_148 : i32
      %dma_start3A_150 = arith.constant 0 : i32
      %dma_start3A_151 = tpu.memref_slice %arg7[%add3A_149, %dma_start3A_150] : memref<80x125xi32, #tpu.memory_space<vmem>> -> memref<1x125xi32, #tpu.memory_space<vmem>>
      %dma_start3A_152 = tpu.memref_squeeze %dma_start3A_151 : memref<1x125xi32, #tpu.memory_space<vmem>> -> memref<125xi32, #tpu.memory_space<vmem>>
      %dma_start3A_153 = arith.constant 0 : i32
      %dma_start3A_154 = arith.constant 0 : i32
      %dma_start3A_155 = tpu.memref_slice %arg6[%dma_start3A_153, %dma_start3A_154] : memref<10240x16xf32, #tpu.memory_space<vmem_shared>> -> memref<10240x16xf32, #tpu.memory_space<vmem_shared>>
      tpu.enqueue_indirect_dma source(%arg8 : memref<125x16xf32, #tpu.memory_space<vmem>>) target(%dma_start3A_155 : memref<10240x16xf32, #tpu.memory_space<vmem_shared>>) offsets(%dma_start3A_152 : memref<125xi32, #tpu.memory_space<vmem>>) semaphore(%arg9 : memref<!tpu.dma_semaphore, #tpu.memory_space<semaphore_mem>>) {add = true}
      %mul3A_156 = arith.constant 16 : i32
      %mul3A_157 = arith.muli %scan3A_35, %mul3A_156 : i32
      %add3A_158 = arith.constant 12 : i32
      %add3A_159 = arith.addi %mul3A_157, %add3A_158 : i32
      %dma_start3A_160 = arith.constant 0 : i32
      %dma_start3A_161 = tpu.memref_slice %arg7[%add3A_159, %dma_start3A_160] : memref<80x125xi32, #tpu.memory_space<vmem>> -> memref<1x125xi32, #tpu.memory_space<vmem>>
      %dma_start3A_162 = tpu.memref_squeeze %dma_start3A_161 : memref<1x125xi32, #tpu.memory_space<vmem>> -> memref<125xi32, #tpu.memory_space<vmem>>
      %dma_start3A_163 = arith.constant 0 : i32
      %dma_start3A_164 = arith.constant 0 : i32
      %dma_start3A_165 = tpu.memref_slice %arg6[%dma_start3A_163, %dma_start3A_164] : memref<10240x16xf32, #tpu.memory_space<vmem_shared>> -> memref<10240x16xf32, #tpu.memory_space<vmem_shared>>
      tpu.enqueue_indirect_dma source(%arg8 : memref<125x16xf32, #tpu.memory_space<vmem>>) target(%dma_start3A_165 : memref<10240x16xf32, #tpu.memory_space<vmem_shared>>) offsets(%dma_start3A_162 : memref<125xi32, #tpu.memory_space<vmem>>) semaphore(%arg9 : memref<!tpu.dma_semaphore, #tpu.memory_space<semaphore_mem>>) {add = true}
      %mul3A_166 = arith.constant 16 : i32
      %mul3A_167 = arith.muli %scan3A_35, %mul3A_166 : i32
      %add3A_168 = arith.constant 13 : i32
      %add3A_169 = arith.addi %mul3A_167, %add3A_168 : i32
      %dma_start3A_170 = arith.constant 0 : i32
      %dma_start3A_171 = tpu.memref_slice %arg7[%add3A_169, %dma_start3A_170] : memref<80x125xi32, #tpu.memory_space<vmem>> -> memref<1x125xi32, #tpu.memory_space<vmem>>
      %dma_start3A_172 = tpu.memref_squeeze %dma_start3A_171 : memref<1x125xi32, #tpu.memory_space<vmem>> -> memref<125xi32, #tpu.memory_space<vmem>>
      %dma_start3A_173 = arith.constant 0 : i32
      %dma_start3A_174 = arith.constant 0 : i32
      %dma_start3A_175 = tpu.memref_slice %arg6[%dma_start3A_173, %dma_start3A_174] : memref<10240x16xf32, #tpu.memory_space<vmem_shared>> -> memref<10240x16xf32, #tpu.memory_space<vmem_shared>>
      tpu.enqueue_indirect_dma source(%arg8 : memref<125x16xf32, #tpu.memory_space<vmem>>) target(%dma_start3A_175 : memref<10240x16xf32, #tpu.memory_space<vmem_shared>>) offsets(%dma_start3A_172 : memref<125xi32, #tpu.memory_space<vmem>>) semaphore(%arg9 : memref<!tpu.dma_semaphore, #tpu.memory_space<semaphore_mem>>) {add = true}
      %mul3A_176 = arith.constant 16 : i32
      %mul3A_177 = arith.muli %scan3A_35, %mul3A_176 : i32
      %add3A_178 = arith.constant 14 : i32
      %add3A_179 = arith.addi %mul3A_177, %add3A_178 : i32
      %dma_start3A_180 = arith.constant 0 : i32
      %dma_start3A_181 = tpu.memref_slice %arg7[%add3A_179, %dma_start3A_180] : memref<80x125xi32, #tpu.memory_space<vmem>> -> memref<1x125xi32, #tpu.memory_space<vmem>>
      %dma_start3A_182 = tpu.memref_squeeze %dma_start3A_181 : memref<1x125xi32, #tpu.memory_space<vmem>> -> memref<125xi32, #tpu.memory_space<vmem>>
      %dma_start3A_183 = arith.constant 0 : i32
      %dma_start3A_184 = arith.constant 0 : i32
      %dma_start3A_185 = tpu.memref_slice %arg6[%dma_start3A_183, %dma_start3A_184] : memref<10240x16xf32, #tpu.memory_space<vmem_shared>> -> memref<10240x16xf32, #tpu.memory_space<vmem_shared>>
      tpu.enqueue_indirect_dma source(%arg8 : memref<125x16xf32, #tpu.memory_space<vmem>>) target(%dma_start3A_185 : memref<10240x16xf32, #tpu.memory_space<vmem_shared>>) offsets(%dma_start3A_182 : memref<125xi32, #tpu.memory_space<vmem>>) semaphore(%arg9 : memref<!tpu.dma_semaphore, #tpu.memory_space<semaphore_mem>>) {add = true}
      %mul3A_186 = arith.constant 16 : i32
      %mul3A_187 = arith.muli %scan3A_35, %mul3A_186 : i32
      %add3A_188 = arith.constant 15 : i32
      %add3A_189 = arith.addi %mul3A_187, %add3A_188 : i32
      %dma_start3A_190 = arith.constant 0 : i32
      %dma_start3A_191 = tpu.memref_slice %arg7[%add3A_189, %dma_start3A_190] : memref<80x125xi32, #tpu.memory_space<vmem>> -> memref<1x125xi32, #tpu.memory_space<vmem>>
      %dma_start3A_192 = tpu.memref_squeeze %dma_start3A_191 : memref<1x125xi32, #tpu.memory_space<vmem>> -> memref<125xi32, #tpu.memory_space<vmem>>
      %dma_start3A_193 = arith.constant 0 : i32
      %dma_start3A_194 = arith.constant 0 : i32
      %dma_start3A_195 = tpu.memref_slice %arg6[%dma_start3A_193, %dma_start3A_194] : memref<10240x16xf32, #tpu.memory_space<vmem_shared>> -> memref<10240x16xf32, #tpu.memory_space<vmem_shared>>
      tpu.enqueue_indirect_dma source(%arg8 : memref<125x16xf32, #tpu.memory_space<vmem>>) target(%dma_start3A_195 : memref<10240x16xf32, #tpu.memory_space<vmem_shared>>) offsets(%dma_start3A_192 : memref<125xi32, #tpu.memory_space<vmem>>) semaphore(%arg9 : memref<!tpu.dma_semaphore, #tpu.memory_space<semaphore_mem>>) {add = true}
      %mul3A_196 = arith.constant 16 : i32
      %mul3A_197 = arith.muli %scan3A_35, %mul3A_196 : i32
      %add3A_198 = arith.constant 0 : i32
      %add3A_199 = arith.addi %mul3A_197, %add3A_198 : i32
      %dma_wait3A_200 = arith.constant 0 : i32
      %dma_wait3A_201 = tpu.memref_slice %arg7[%add3A_199, %dma_wait3A_200] : memref<80x125xi32, #tpu.memory_space<vmem>> -> memref<1x125xi32, #tpu.memory_space<vmem>>
      %dma_wait3A_202 = tpu.memref_squeeze %dma_wait3A_201 : memref<1x125xi32, #tpu.memory_space<vmem>> -> memref<125xi32, #tpu.memory_space<vmem>>
      %dma_wait3A_203 = arith.constant 0 : i32
      %dma_wait3A_204 = arith.constant 0 : i32
      %dma_wait3A_205 = tpu.memref_slice %arg6[%dma_wait3A_203, %dma_wait3A_204] : memref<10240x16xf32, #tpu.memory_space<vmem_shared>> -> memref<10240x16xf32, #tpu.memory_space<vmem_shared>>
      tpu.wait_indirect_dma semaphore(%arg9 : memref<!tpu.dma_semaphore, #tpu.memory_space<semaphore_mem>>) src(%arg8 : memref<125x16xf32, #tpu.memory_space<vmem>>) dst(%dma_wait3A_205 : memref<10240x16xf32, #tpu.memory_space<vmem_shared>>)
      %mul3A_206 = arith.constant 16 : i32
      %mul3A_207 = arith.muli %scan3A_35, %mul3A_206 : i32
      %add3A_208 = arith.constant 1 : i32
      %add3A_209 = arith.addi %mul3A_207, %add3A_208 : i32
      %dma_wait3A_210 = arith.constant 0 : i32
      %dma_wait3A_211 = tpu.memref_slice %arg7[%add3A_209, %dma_wait3A_210] : memref<80x125xi32, #tpu.memory_space<vmem>> -> memref<1x125xi32, #tpu.memory_space<vmem>>
      %dma_wait3A_212 = tpu.memref_squeeze %dma_wait3A_211 : memref<1x125xi32, #tpu.memory_space<vmem>> -> memref<125xi32, #tpu.memory_space<vmem>>
      %dma_wait3A_213 = arith.constant 0 : i32
      %dma_wait3A_214 = arith.constant 0 : i32
      %dma_wait3A_215 = tpu.memref_slice %arg6[%dma_wait3A_213, %dma_wait3A_214] : memref<10240x16xf32, #tpu.memory_space<vmem_shared>> -> memref<10240x16xf32, #tpu.memory_space<vmem_shared>>
      tpu.wait_indirect_dma semaphore(%arg9 : memref<!tpu.dma_semaphore, #tpu.memory_space<semaphore_mem>>) src(%arg8 : memref<125x16xf32, #tpu.memory_space<vmem>>) dst(%dma_wait3A_215 : memref<10240x16xf32, #tpu.memory_space<vmem_shared>>)
      %mul3A_216 = arith.constant 16 : i32
      %mul3A_217 = arith.muli %scan3A_35, %mul3A_216 : i32
      %add3A_218 = arith.constant 2 : i32
      %add3A_219 = arith.addi %mul3A_217, %add3A_218 : i32
      %dma_wait3A_220 = arith.constant 0 : i32
      %dma_wait3A_221 = tpu.memref_slice %arg7[%add3A_219, %dma_wait3A_220] : memref<80x125xi32, #tpu.memory_space<vmem>> -> memref<1x125xi32, #tpu.memory_space<vmem>>
      %dma_wait3A_222 = tpu.memref_squeeze %dma_wait3A_221 : memref<1x125xi32, #tpu.memory_space<vmem>> -> memref<125xi32, #tpu.memory_space<vmem>>
      %dma_wait3A_223 = arith.constant 0 : i32
      %dma_wait3A_224 = arith.constant 0 : i32
      %dma_wait3A_225 = tpu.memref_slice %arg6[%dma_wait3A_223, %dma_wait3A_224] : memref<10240x16xf32, #tpu.memory_space<vmem_shared>> -> memref<10240x16xf32, #tpu.memory_space<vmem_shared>>
      tpu.wait_indirect_dma semaphore(%arg9 : memref<!tpu.dma_semaphore, #tpu.memory_space<semaphore_mem>>) src(%arg8 : memref<125x16xf32, #tpu.memory_space<vmem>>) dst(%dma_wait3A_225 : memref<10240x16xf32, #tpu.memory_space<vmem_shared>>)
      %mul3A_226 = arith.constant 16 : i32
      %mul3A_227 = arith.muli %scan3A_35, %mul3A_226 : i32
      %add3A_228 = arith.constant 3 : i32
      %add3A_229 = arith.addi %mul3A_227, %add3A_228 : i32
      %dma_wait3A_230 = arith.constant 0 : i32
      %dma_wait3A_231 = tpu.memref_slice %arg7[%add3A_229, %dma_wait3A_230] : memref<80x125xi32, #tpu.memory_space<vmem>> -> memref<1x125xi32, #tpu.memory_space<vmem>>
      %dma_wait3A_232 = tpu.memref_squeeze %dma_wait3A_231 : memref<1x125xi32, #tpu.memory_space<vmem>> -> memref<125xi32, #tpu.memory_space<vmem>>
      %dma_wait3A_233 = arith.constant 0 : i32
      %dma_wait3A_234 = arith.constant 0 : i32
      %dma_wait3A_235 = tpu.memref_slice %arg6[%dma_wait3A_233, %dma_wait3A_234] : memref<10240x16xf32, #tpu.memory_space<vmem_shared>> -> memref<10240x16xf32, #tpu.memory_space<vmem_shared>>
      tpu.wait_indirect_dma semaphore(%arg9 : memref<!tpu.dma_semaphore, #tpu.memory_space<semaphore_mem>>) src(%arg8 : memref<125x16xf32, #tpu.memory_space<vmem>>) dst(%dma_wait3A_235 : memref<10240x16xf32, #tpu.memory_space<vmem_shared>>)
      %mul3A_236 = arith.constant 16 : i32
      %mul3A_237 = arith.muli %scan3A_35, %mul3A_236 : i32
      %add3A_238 = arith.constant 4 : i32
      %add3A_239 = arith.addi %mul3A_237, %add3A_238 : i32
      %dma_wait3A_240 = arith.constant 0 : i32
      %dma_wait3A_241 = tpu.memref_slice %arg7[%add3A_239, %dma_wait3A_240] : memref<80x125xi32, #tpu.memory_space<vmem>> -> memref<1x125xi32, #tpu.memory_space<vmem>>
      %dma_wait3A_242 = tpu.memref_squeeze %dma_wait3A_241 : memref<1x125xi32, #tpu.memory_space<vmem>> -> memref<125xi32, #tpu.memory_space<vmem>>
      %dma_wait3A_243 = arith.constant 0 : i32
      %dma_wait3A_244 = arith.constant 0 : i32
      %dma_wait3A_245 = tpu.memref_slice %arg6[%dma_wait3A_243, %dma_wait3A_244] : memref<10240x16xf32, #tpu.memory_space<vmem_shared>> -> memref<10240x16xf32, #tpu.memory_space<vmem_shared>>
      tpu.wait_indirect_dma semaphore(%arg9 : memref<!tpu.dma_semaphore, #tpu.memory_space<semaphore_mem>>) src(%arg8 : memref<125x16xf32, #tpu.memory_space<vmem>>) dst(%dma_wait3A_245 : memref<10240x16xf32, #tpu.memory_space<vmem_shared>>)
      %mul3A_246 = arith.constant 16 : i32
      %mul3A_247 = arith.muli %scan3A_35, %mul3A_246 : i32
      %add3A_248 = arith.constant 5 : i32
      %add3A_249 = arith.addi %mul3A_247, %add3A_248 : i32
      %dma_wait3A_250 = arith.constant 0 : i32
      %dma_wait3A_251 = tpu.memref_slice %arg7[%add3A_249, %dma_wait3A_250] : memref<80x125xi32, #tpu.memory_space<vmem>> -> memref<1x125xi32, #tpu.memory_space<vmem>>
      %dma_wait3A_252 = tpu.memref_squeeze %dma_wait3A_251 : memref<1x125xi32, #tpu.memory_space<vmem>> -> memref<125xi32, #tpu.memory_space<vmem>>
      %dma_wait3A_253 = arith.constant 0 : i32
      %dma_wait3A_254 = arith.constant 0 : i32
      %dma_wait3A_255 = tpu.memref_slice %arg6[%dma_wait3A_253, %dma_wait3A_254] : memref<10240x16xf32, #tpu.memory_space<vmem_shared>> -> memref<10240x16xf32, #tpu.memory_space<vmem_shared>>
      tpu.wait_indirect_dma semaphore(%arg9 : memref<!tpu.dma_semaphore, #tpu.memory_space<semaphore_mem>>) src(%arg8 : memref<125x16xf32, #tpu.memory_space<vmem>>) dst(%dma_wait3A_255 : memref<10240x16xf32, #tpu.memory_space<vmem_shared>>)
      %mul3A_256 = arith.constant 16 : i32
      %mul3A_257 = arith.muli %scan3A_35, %mul3A_256 : i32
      %add3A_258 = arith.constant 6 : i32
      %add3A_259 = arith.addi %mul3A_257, %add3A_258 : i32
      %dma_wait3A_260 = arith.constant 0 : i32
      %dma_wait3A_261 = tpu.memref_slice %arg7[%add3A_259, %dma_wait3A_260] : memref<80x125xi32, #tpu.memory_space<vmem>> -> memref<1x125xi32, #tpu.memory_space<vmem>>
      %dma_wait3A_262 = tpu.memref_squeeze %dma_wait3A_261 : memref<1x125xi32, #tpu.memory_space<vmem>> -> memref<125xi32, #tpu.memory_space<vmem>>
      %dma_wait3A_263 = arith.constant 0 : i32
      %dma_wait3A_264 = arith.constant 0 : i32
      %dma_wait3A_265 = tpu.memref_slice %arg6[%dma_wait3A_263, %dma_wait3A_264] : memref<10240x16xf32, #tpu.memory_space<vmem_shared>> -> memref<10240x16xf32, #tpu.memory_space<vmem_shared>>
      tpu.wait_indirect_dma semaphore(%arg9 : memref<!tpu.dma_semaphore, #tpu.memory_space<semaphore_mem>>) src(%arg8 : memref<125x16xf32, #tpu.memory_space<vmem>>) dst(%dma_wait3A_265 : memref<10240x16xf32, #tpu.memory_space<vmem_shared>>)
      %mul3A_266 = arith.constant 16 : i32
      %mul3A_267 = arith.muli %scan3A_35, %mul3A_266 : i32
      %add3A_268 = arith.constant 7 : i32
      %add3A_269 = arith.addi %mul3A_267, %add3A_268 : i32
      %dma_wait3A_270 = arith.constant 0 : i32
      %dma_wait3A_271 = tpu.memref_slice %arg7[%add3A_269, %dma_wait3A_270] : memref<80x125xi32, #tpu.memory_space<vmem>> -> memref<1x125xi32, #tpu.memory_space<vmem>>
      %dma_wait3A_272 = tpu.memref_squeeze %dma_wait3A_271 : memref<1x125xi32, #tpu.memory_space<vmem>> -> memref<125xi32, #tpu.memory_space<vmem>>
      %dma_wait3A_273 = arith.constant 0 : i32
      %dma_wait3A_274 = arith.constant 0 : i32
      %dma_wait3A_275 = tpu.memref_slice %arg6[%dma_wait3A_273, %dma_wait3A_274] : memref<10240x16xf32, #tpu.memory_space<vmem_shared>> -> memref<10240x16xf32, #tpu.memory_space<vmem_shared>>
      tpu.wait_indirect_dma semaphore(%arg9 : memref<!tpu.dma_semaphore, #tpu.memory_space<semaphore_mem>>) src(%arg8 : memref<125x16xf32, #tpu.memory_space<vmem>>) dst(%dma_wait3A_275 : memref<10240x16xf32, #tpu.memory_space<vmem_shared>>)
      %mul3A_276 = arith.constant 16 : i32
      %mul3A_277 = arith.muli %scan3A_35, %mul3A_276 : i32
      %add3A_278 = arith.constant 8 : i32
      %add3A_279 = arith.addi %mul3A_277, %add3A_278 : i32
      %dma_wait3A_280 = arith.constant 0 : i32
      %dma_wait3A_281 = tpu.memref_slice %arg7[%add3A_279, %dma_wait3A_280] : memref<80x125xi32, #tpu.memory_space<vmem>> -> memref<1x125xi32, #tpu.memory_space<vmem>>
      %dma_wait3A_282 = tpu.memref_squeeze %dma_wait3A_281 : memref<1x125xi32, #tpu.memory_space<vmem>> -> memref<125xi32, #tpu.memory_space<vmem>>
      %dma_wait3A_283 = arith.constant 0 : i32
      %dma_wait3A_284 = arith.constant 0 : i32
      %dma_wait3A_285 = tpu.memref_slice %arg6[%dma_wait3A_283, %dma_wait3A_284] : memref<10240x16xf32, #tpu.memory_space<vmem_shared>> -> memref<10240x16xf32, #tpu.memory_space<vmem_shared>>
      tpu.wait_indirect_dma semaphore(%arg9 : memref<!tpu.dma_semaphore, #tpu.memory_space<semaphore_mem>>) src(%arg8 : memref<125x16xf32, #tpu.memory_space<vmem>>) dst(%dma_wait3A_285 : memref<10240x16xf32, #tpu.memory_space<vmem_shared>>)
      %mul3A_286 = arith.constant 16 : i32
      %mul3A_287 = arith.muli %scan3A_35, %mul3A_286 : i32
      %add3A_288 = arith.constant 9 : i32
      %add3A_289 = arith.addi %mul3A_287, %add3A_288 : i32
      %dma_wait3A_290 = arith.constant 0 : i32
      %dma_wait3A_291 = tpu.memref_slice %arg7[%add3A_289, %dma_wait3A_290] : memref<80x125xi32, #tpu.memory_space<vmem>> -> memref<1x125xi32, #tpu.memory_space<vmem>>
      %dma_wait3A_292 = tpu.memref_squeeze %dma_wait3A_291 : memref<1x125xi32, #tpu.memory_space<vmem>> -> memref<125xi32, #tpu.memory_space<vmem>>
      %dma_wait3A_293 = arith.constant 0 : i32
      %dma_wait3A_294 = arith.constant 0 : i32
      %dma_wait3A_295 = tpu.memref_slice %arg6[%dma_wait3A_293, %dma_wait3A_294] : memref<10240x16xf32, #tpu.memory_space<vmem_shared>> -> memref<10240x16xf32, #tpu.memory_space<vmem_shared>>
      tpu.wait_indirect_dma semaphore(%arg9 : memref<!tpu.dma_semaphore, #tpu.memory_space<semaphore_mem>>) src(%arg8 : memref<125x16xf32, #tpu.memory_space<vmem>>) dst(%dma_wait3A_295 : memref<10240x16xf32, #tpu.memory_space<vmem_shared>>)
      %mul3A_296 = arith.constant 16 : i32
      %mul3A_297 = arith.muli %scan3A_35, %mul3A_296 : i32
      %add3A_298 = arith.constant 10 : i32
      %add3A_299 = arith.addi %mul3A_297, %add3A_298 : i32
      %dma_wait3A_300 = arith.constant 0 : i32
      %dma_wait3A_301 = tpu.memref_slice %arg7[%add3A_299, %dma_wait3A_300] : memref<80x125xi32, #tpu.memory_space<vmem>> -> memref<1x125xi32, #tpu.memory_space<vmem>>
      %dma_wait3A_302 = tpu.memref_squeeze %dma_wait3A_301 : memref<1x125xi32, #tpu.memory_space<vmem>> -> memref<125xi32, #tpu.memory_space<vmem>>
      %dma_wait3A_303 = arith.constant 0 : i32
      %dma_wait3A_304 = arith.constant 0 : i32
      %dma_wait3A_305 = tpu.memref_slice %arg6[%dma_wait3A_303, %dma_wait3A_304] : memref<10240x16xf32, #tpu.memory_space<vmem_shared>> -> memref<10240x16xf32, #tpu.memory_space<vmem_shared>>
      tpu.wait_indirect_dma semaphore(%arg9 : memref<!tpu.dma_semaphore, #tpu.memory_space<semaphore_mem>>) src(%arg8 : memref<125x16xf32, #tpu.memory_space<vmem>>) dst(%dma_wait3A_305 : memref<10240x16xf32, #tpu.memory_space<vmem_shared>>)
      %mul3A_306 = arith.constant 16 : i32
      %mul3A_307 = arith.muli %scan3A_35, %mul3A_306 : i32
      %add3A_308 = arith.constant 11 : i32
      %add3A_309 = arith.addi %mul3A_307, %add3A_308 : i32
      %dma_wait3A_310 = arith.constant 0 : i32
      %dma_wait3A_311 = tpu.memref_slice %arg7[%add3A_309, %dma_wait3A_310] : memref<80x125xi32, #tpu.memory_space<vmem>> -> memref<1x125xi32, #tpu.memory_space<vmem>>
      %dma_wait3A_312 = tpu.memref_squeeze %dma_wait3A_311 : memref<1x125xi32, #tpu.memory_space<vmem>> -> memref<125xi32, #tpu.memory_space<vmem>>
      %dma_wait3A_313 = arith.constant 0 : i32
      %dma_wait3A_314 = arith.constant 0 : i32
      %dma_wait3A_315 = tpu.memref_slice %arg6[%dma_wait3A_313, %dma_wait3A_314] : memref<10240x16xf32, #tpu.memory_space<vmem_shared>> -> memref<10240x16xf32, #tpu.memory_space<vmem_shared>>
      tpu.wait_indirect_dma semaphore(%arg9 : memref<!tpu.dma_semaphore, #tpu.memory_space<semaphore_mem>>) src(%arg8 : memref<125x16xf32, #tpu.memory_space<vmem>>) dst(%dma_wait3A_315 : memref<10240x16xf32, #tpu.memory_space<vmem_shared>>)
      %mul3A_316 = arith.constant 16 : i32
      %mul3A_317 = arith.muli %scan3A_35, %mul3A_316 : i32
      %add3A_318 = arith.constant 12 : i32
      %add3A_319 = arith.addi %mul3A_317, %add3A_318 : i32
      %dma_wait3A_320 = arith.constant 0 : i32
      %dma_wait3A_321 = tpu.memref_slice %arg7[%add3A_319, %dma_wait3A_320] : memref<80x125xi32, #tpu.memory_space<vmem>> -> memref<1x125xi32, #tpu.memory_space<vmem>>
      %dma_wait3A_322 = tpu.memref_squeeze %dma_wait3A_321 : memref<1x125xi32, #tpu.memory_space<vmem>> -> memref<125xi32, #tpu.memory_space<vmem>>
      %dma_wait3A_323 = arith.constant 0 : i32
      %dma_wait3A_324 = arith.constant 0 : i32
      %dma_wait3A_325 = tpu.memref_slice %arg6[%dma_wait3A_323, %dma_wait3A_324] : memref<10240x16xf32, #tpu.memory_space<vmem_shared>> -> memref<10240x16xf32, #tpu.memory_space<vmem_shared>>
      tpu.wait_indirect_dma semaphore(%arg9 : memref<!tpu.dma_semaphore, #tpu.memory_space<semaphore_mem>>) src(%arg8 : memref<125x16xf32, #tpu.memory_space<vmem>>) dst(%dma_wait3A_325 : memref<10240x16xf32, #tpu.memory_space<vmem_shared>>)
      %mul3A_326 = arith.constant 16 : i32
      %mul3A_327 = arith.muli %scan3A_35, %mul3A_326 : i32
      %add3A_328 = arith.constant 13 : i32
      %add3A_329 = arith.addi %mul3A_327, %add3A_328 : i32
      %dma_wait3A_330 = arith.constant 0 : i32
      %dma_wait3A_331 = tpu.memref_slice %arg7[%add3A_329, %dma_wait3A_330] : memref<80x125xi32, #tpu.memory_space<vmem>> -> memref<1x125xi32, #tpu.memory_space<vmem>>
      %dma_wait3A_332 = tpu.memref_squeeze %dma_wait3A_331 : memref<1x125xi32, #tpu.memory_space<vmem>> -> memref<125xi32, #tpu.memory_space<vmem>>
      %dma_wait3A_333 = arith.constant 0 : i32
      %dma_wait3A_334 = arith.constant 0 : i32
      %dma_wait3A_335 = tpu.memref_slice %arg6[%dma_wait3A_333, %dma_wait3A_334] : memref<10240x16xf32, #tpu.memory_space<vmem_shared>> -> memref<10240x16xf32, #tpu.memory_space<vmem_shared>>
      tpu.wait_indirect_dma semaphore(%arg9 : memref<!tpu.dma_semaphore, #tpu.memory_space<semaphore_mem>>) src(%arg8 : memref<125x16xf32, #tpu.memory_space<vmem>>) dst(%dma_wait3A_335 : memref<10240x16xf32, #tpu.memory_space<vmem_shared>>)
      %mul3A_336 = arith.constant 16 : i32
      %mul3A_337 = arith.muli %scan3A_35, %mul3A_336 : i32
      %add3A_338 = arith.constant 14 : i32
      %add3A_339 = arith.addi %mul3A_337, %add3A_338 : i32
      %dma_wait3A_340 = arith.constant 0 : i32
      %dma_wait3A_341 = tpu.memref_slice %arg7[%add3A_339, %dma_wait3A_340] : memref<80x125xi32, #tpu.memory_space<vmem>> -> memref<1x125xi32, #tpu.memory_space<vmem>>
      %dma_wait3A_342 = tpu.memref_squeeze %dma_wait3A_341 : memref<1x125xi32, #tpu.memory_space<vmem>> -> memref<125xi32, #tpu.memory_space<vmem>>
      %dma_wait3A_343 = arith.constant 0 : i32
      %dma_wait3A_344 = arith.constant 0 : i32
      %dma_wait3A_345 = tpu.memref_slice %arg6[%dma_wait3A_343, %dma_wait3A_344] : memref<10240x16xf32, #tpu.memory_space<vmem_shared>> -> memref<10240x16xf32, #tpu.memory_space<vmem_shared>>
      tpu.wait_indirect_dma semaphore(%arg9 : memref<!tpu.dma_semaphore, #tpu.memory_space<semaphore_mem>>) src(%arg8 : memref<125x16xf32, #tpu.memory_space<vmem>>) dst(%dma_wait3A_345 : memref<10240x16xf32, #tpu.memory_space<vmem_shared>>)
      %mul3A_346 = arith.constant 16 : i32
      %mul3A_347 = arith.muli %scan3A_35, %mul3A_346 : i32
      %add3A_348 = arith.constant 15 : i32
      %add3A_349 = arith.addi %mul3A_347, %add3A_348 : i32
      %dma_wait3A_350 = arith.constant 0 : i32
      %dma_wait3A_351 = tpu.memref_slice %arg7[%add3A_349, %dma_wait3A_350] : memref<80x125xi32, #tpu.memory_space<vmem>> -> memref<1x125xi32, #tpu.memory_space<vmem>>
      %dma_wait3A_352 = tpu.memref_squeeze %dma_wait3A_351 : memref<1x125xi32, #tpu.memory_space<vmem>> -> memref<125xi32, #tpu.memory_space<vmem>>
      %dma_wait3A_353 = arith.constant 0 : i32
      %dma_wait3A_354 = arith.constant 0 : i32
      %dma_wait3A_355 = tpu.memref_slice %arg6[%dma_wait3A_353, %dma_wait3A_354] : memref<10240x16xf32, #tpu.memory_space<vmem_shared>> -> memref<10240x16xf32, #tpu.memory_space<vmem_shared>>
      tpu.wait_indirect_dma semaphore(%arg9 : memref<!tpu.dma_semaphore, #tpu.memory_space<semaphore_mem>>) src(%arg8 : memref<125x16xf32, #tpu.memory_space<vmem>>) dst(%dma_wait3A_355 : memref<10240x16xf32, #tpu.memory_space<vmem_shared>>)
    }
    %scan3A_29 = arith.constant 5 : i32
    %barrier3A_30 = arith.constant 0 : index
    tpu.barrier barrier_id(%barrier3A_30)
    %mul3A_31 = arith.constant 640 : i32
    %mul3A_32 = arith.muli %arg1, %mul3A_31 : i32
    %mul3A_33 = arith.constant 640 : i32
    %mul3A_34 = arith.muli %arg1, %mul3A_33 : i32
    "tpu.region"() ({
      %run_scoped3A = tpu.sem_alloc : memref<!tpu.dma_semaphore, #tpu.memory_space<semaphore_mem>>
      %dma_start3A_35 = arith.constant 0 : i32
      %dma_start3A_36 = tpu.memref_slice %arg5[%arg0, %mul3A_34, %dma_start3A_35] : memref<2x10240x16xf32, #tpu.memory_space<hbm>> -> memref<1x640x16xf32, #tpu.memory_space<hbm>>
      %dma_start3A_37 = tpu.memref_squeeze %dma_start3A_36 : memref<1x640x16xf32, #tpu.memory_space<hbm>> -> memref<640x16xf32, #tpu.memory_space<hbm>>
      %dma_start3A_38 = arith.constant 0 : i32
      %dma_start3A_39 = tpu.memref_slice %arg6[%mul3A_32, %dma_start3A_38] : memref<10240x16xf32, #tpu.memory_space<vmem_shared>> -> memref<640x16xf32, #tpu.memory_space<vmem_shared>>
      tpu.enqueue_dma source(%dma_start3A_39 : memref<640x16xf32, #tpu.memory_space<vmem_shared>>) target(%dma_start3A_37 : memref<640x16xf32, #tpu.memory_space<hbm>>) target_semaphore(%run_scoped3A : memref<!tpu.dma_semaphore, #tpu.memory_space<semaphore_mem>>)
      %dma_wait3A_40 = arith.constant 0 : i32
      %dma_wait3A_41 = tpu.memref_slice %arg5[%arg0, %mul3A_34, %dma_wait3A_40] : memref<2x10240x16xf32, #tpu.memory_space<hbm>> -> memref<1x640x16xf32, #tpu.memory_space<hbm>>
      %dma_wait3A_42 = tpu.memref_squeeze %dma_wait3A_41 : memref<1x640x16xf32, #tpu.memory_space<hbm>> -> memref<640x16xf32, #tpu.memory_space<hbm>>
      %dma_wait3A_43 = arith.constant 0 : i32
      %dma_wait3A_44 = tpu.memref_slice %arg6[%mul3A_32, %dma_wait3A_43] : memref<10240x16xf32, #tpu.memory_space<vmem_shared>> -> memref<640x16xf32, #tpu.memory_space<vmem_shared>>
      tpu.wait_dma2 semaphore(%run_scoped3A : memref<!tpu.dma_semaphore, #tpu.memory_space<semaphore_mem>>) src(%dma_wait3A_44 : memref<640x16xf32, #tpu.memory_space<vmem_shared>>) dst(%dma_wait3A_42 : memref<640x16xf32, #tpu.memory_space<hbm>>)
      tpu.yield
    }) : () -> ()
    return
  }
}

#map = affine_map<(d0, d1) -> (0, 0)>
#map1 = affine_map<(d0, d1) -> (0, 0, 0, 0)>
#map2 = affine_map<(d0, d1) -> (0, 0, 0)>
module attributes {stable_mosaic.version = 14 : i64} {
  func.func @_agg_kernel(%arg0: i32, %arg1: i32, %arg2: memref<10000x64xf32, #tpu.memory_space<hbm>>, %arg3: memref<2x32x80x125xi32, #tpu.memory_space<hbm>>, %arg4: memref<640x64xf32, #tpu.memory_space<hbm>>, %arg5: memref<2x10240x64xf32, #tpu.memory_space<hbm>>, %arg6: memref<10240x64xf32, #tpu.memory_space<vmem_shared>>, %arg7: memref<80x125xi32, #tpu.memory_space<vmem>>, %arg8: memref<80x125xi32, #tpu.memory_space<vmem>>, %arg9: memref<125x64xf32, #tpu.memory_space<vmem>>, %arg10: memref<125x64xf32, #tpu.memory_space<vmem>>, %arg11: memref<125x64xf32, #tpu.memory_space<vmem>>, %arg12: memref<125x64xf32, #tpu.memory_space<vmem>>, %arg13: memref<!tpu.dma_semaphore, #tpu.memory_space<semaphore_mem>>, %arg14: memref<!tpu.dma_semaphore, #tpu.memory_space<semaphore_mem>>, %arg15: memref<!tpu.dma_semaphore, #tpu.memory_space<semaphore_mem>>, %arg16: memref<!tpu.dma_semaphore, #tpu.memory_space<semaphore_mem>>) attributes {dimension_semantics = [#tpu.dimension_semantics<core_parallel>, #tpu.dimension_semantics<subcore_parallel>], iteration_bounds = array<i64: 2, 16>, scalar_prefetch = 0 : i64, scratch_operands = 11 : i64, tpu.core_type = #tpu.core_type<sc_vector_subcore>, window_params = [{transform_indices = #map}, {transform_indices = #map1}, {transform_indices = #map}, {transform_indices = #map2}]} {
    %mul3A = arith.constant 2 : i32
    %mul3A_0 = arith.muli %arg1, %mul3A : i32
    %add3A = arith.addi %mul3A_0, %arg0 : i32
    %mul3A_1 = arith.constant 640 : i32
    %mul3A_2 = arith.muli %arg1, %mul3A_1 : i32
    %dma_start3A = arith.constant 0 : i32
    %dma_start3A_3 = tpu.memref_slice %arg6[%mul3A_2, %dma_start3A] : memref<10240x64xf32, #tpu.memory_space<vmem_shared>> -> memref<640x64xf32, #tpu.memory_space<vmem_shared>>
    tpu.enqueue_dma source(%arg4 : memref<640x64xf32, #tpu.memory_space<hbm>>) target(%dma_start3A_3 : memref<640x64xf32, #tpu.memory_space<vmem_shared>>) target_semaphore(%arg13 : memref<!tpu.dma_semaphore, #tpu.memory_space<semaphore_mem>>)
    %dma_start3A_4 = arith.constant 0 : i32
    %dma_start3A_5 = arith.constant 0 : i32
    %dma_start3A_6 = arith.constant 0 : i32
    %dma_start3A_7 = tpu.memref_slice %arg3[%dma_start3A_4, %add3A, %dma_start3A_5, %dma_start3A_6] : memref<2x32x80x125xi32, #tpu.memory_space<hbm>> -> memref<1x1x80x125xi32, #tpu.memory_space<hbm>>
    %dma_start3A_8 = tpu.memref_squeeze %dma_start3A_7 : memref<1x1x80x125xi32, #tpu.memory_space<hbm>> -> memref<80x125xi32, #tpu.memory_space<hbm>>
    %dma_start3A_9 = arith.constant 0 : i32
    %dma_start3A_10 = arith.constant 0 : i32
    %dma_start3A_11 = tpu.memref_slice %arg3[%dma_start3A_4, %add3A, %dma_start3A_9, %dma_start3A_10] : memref<2x32x80x125xi32, #tpu.memory_space<hbm>> -> memref<1x1x80x125xi32, #tpu.memory_space<hbm>>
    %dma_start3A_12 = tpu.memref_squeeze %dma_start3A_11 : memref<1x1x80x125xi32, #tpu.memory_space<hbm>> -> memref<80x125xi32, #tpu.memory_space<hbm>>
    tpu.enqueue_dma source(%dma_start3A_12 : memref<80x125xi32, #tpu.memory_space<hbm>>) target(%arg7 : memref<80x125xi32, #tpu.memory_space<vmem>>) target_semaphore(%arg14 : memref<!tpu.dma_semaphore, #tpu.memory_space<semaphore_mem>>)
    %dma_start3A_13 = arith.constant 1 : i32
    %dma_start3A_14 = arith.constant 0 : i32
    %dma_start3A_15 = arith.constant 0 : i32
    %dma_start3A_16 = tpu.memref_slice %arg3[%dma_start3A_13, %add3A, %dma_start3A_14, %dma_start3A_15] : memref<2x32x80x125xi32, #tpu.memory_space<hbm>> -> memref<1x1x80x125xi32, #tpu.memory_space<hbm>>
    %dma_start3A_17 = tpu.memref_squeeze %dma_start3A_16 : memref<1x1x80x125xi32, #tpu.memory_space<hbm>> -> memref<80x125xi32, #tpu.memory_space<hbm>>
    %dma_start3A_18 = arith.constant 0 : i32
    %dma_start3A_19 = arith.constant 0 : i32
    %dma_start3A_20 = tpu.memref_slice %arg3[%dma_start3A_13, %add3A, %dma_start3A_18, %dma_start3A_19] : memref<2x32x80x125xi32, #tpu.memory_space<hbm>> -> memref<1x1x80x125xi32, #tpu.memory_space<hbm>>
    %dma_start3A_21 = tpu.memref_squeeze %dma_start3A_20 : memref<1x1x80x125xi32, #tpu.memory_space<hbm>> -> memref<80x125xi32, #tpu.memory_space<hbm>>
    tpu.enqueue_dma source(%dma_start3A_21 : memref<80x125xi32, #tpu.memory_space<hbm>>) target(%arg8 : memref<80x125xi32, #tpu.memory_space<vmem>>) target_semaphore(%arg15 : memref<!tpu.dma_semaphore, #tpu.memory_space<semaphore_mem>>)
    %mul3A_22 = arith.constant 640 : i32
    %mul3A_23 = arith.muli %arg1, %mul3A_22 : i32
    %dma_wait3A = arith.constant 0 : i32
    %dma_wait3A_24 = tpu.memref_slice %arg6[%mul3A_23, %dma_wait3A] : memref<10240x64xf32, #tpu.memory_space<vmem_shared>> -> memref<640x64xf32, #tpu.memory_space<vmem_shared>>
    tpu.wait_dma2 semaphore(%arg13 : memref<!tpu.dma_semaphore, #tpu.memory_space<semaphore_mem>>) src(%arg4 : memref<640x64xf32, #tpu.memory_space<hbm>>) dst(%dma_wait3A_24 : memref<640x64xf32, #tpu.memory_space<vmem_shared>>)
    %dma_wait3A_25 = arith.constant 0 : i32
    %dma_wait3A_26 = arith.constant 0 : i32
    %dma_wait3A_27 = arith.constant 0 : i32
    %dma_wait3A_28 = tpu.memref_slice %arg3[%dma_wait3A_25, %add3A, %dma_wait3A_26, %dma_wait3A_27] : memref<2x32x80x125xi32, #tpu.memory_space<hbm>> -> memref<1x1x80x125xi32, #tpu.memory_space<hbm>>
    %dma_wait3A_29 = tpu.memref_squeeze %dma_wait3A_28 : memref<1x1x80x125xi32, #tpu.memory_space<hbm>> -> memref<80x125xi32, #tpu.memory_space<hbm>>
    %dma_wait3A_30 = arith.constant 0 : i32
    %dma_wait3A_31 = arith.constant 0 : i32
    %dma_wait3A_32 = tpu.memref_slice %arg3[%dma_wait3A_25, %add3A, %dma_wait3A_30, %dma_wait3A_31] : memref<2x32x80x125xi32, #tpu.memory_space<hbm>> -> memref<1x1x80x125xi32, #tpu.memory_space<hbm>>
    %dma_wait3A_33 = tpu.memref_squeeze %dma_wait3A_32 : memref<1x1x80x125xi32, #tpu.memory_space<hbm>> -> memref<80x125xi32, #tpu.memory_space<hbm>>
    tpu.wait_dma2 semaphore(%arg14 : memref<!tpu.dma_semaphore, #tpu.memory_space<semaphore_mem>>) src(%dma_wait3A_33 : memref<80x125xi32, #tpu.memory_space<hbm>>) dst(%arg7 : memref<80x125xi32, #tpu.memory_space<vmem>>)
    %dma_wait3A_34 = arith.constant 1 : i32
    %dma_wait3A_35 = arith.constant 0 : i32
    %dma_wait3A_36 = arith.constant 0 : i32
    %dma_wait3A_37 = tpu.memref_slice %arg3[%dma_wait3A_34, %add3A, %dma_wait3A_35, %dma_wait3A_36] : memref<2x32x80x125xi32, #tpu.memory_space<hbm>> -> memref<1x1x80x125xi32, #tpu.memory_space<hbm>>
    %dma_wait3A_38 = tpu.memref_squeeze %dma_wait3A_37 : memref<1x1x80x125xi32, #tpu.memory_space<hbm>> -> memref<80x125xi32, #tpu.memory_space<hbm>>
    %dma_wait3A_39 = arith.constant 0 : i32
    %dma_wait3A_40 = arith.constant 0 : i32
    %dma_wait3A_41 = tpu.memref_slice %arg3[%dma_wait3A_34, %add3A, %dma_wait3A_39, %dma_wait3A_40] : memref<2x32x80x125xi32, #tpu.memory_space<hbm>> -> memref<1x1x80x125xi32, #tpu.memory_space<hbm>>
    %dma_wait3A_42 = tpu.memref_squeeze %dma_wait3A_41 : memref<1x1x80x125xi32, #tpu.memory_space<hbm>> -> memref<80x125xi32, #tpu.memory_space<hbm>>
    tpu.wait_dma2 semaphore(%arg15 : memref<!tpu.dma_semaphore, #tpu.memory_space<semaphore_mem>>) src(%dma_wait3A_42 : memref<80x125xi32, #tpu.memory_space<hbm>>) dst(%arg8 : memref<80x125xi32, #tpu.memory_space<vmem>>)
    %barrier3A = arith.constant 0 : index
    tpu.barrier barrier_id(%barrier3A)
    %dma_start3A_43 = arith.constant 0 : i32
    %dma_start3A_44 = arith.constant 0 : i32
    %dma_start3A_45 = tpu.memref_slice %arg7[%dma_start3A_43, %dma_start3A_44] : memref<80x125xi32, #tpu.memory_space<vmem>> -> memref<1x125xi32, #tpu.memory_space<vmem>>
    %dma_start3A_46 = tpu.memref_squeeze %dma_start3A_45 : memref<1x125xi32, #tpu.memory_space<vmem>> -> memref<125xi32, #tpu.memory_space<vmem>>
    %dma_start3A_47 = arith.constant 0 : i32
    %dma_start3A_48 = arith.constant 0 : i32
    %dma_start3A_49 = tpu.memref_slice %arg2[%dma_start3A_47, %dma_start3A_48] : memref<10000x64xf32, #tpu.memory_space<hbm>> -> memref<10000x64xf32, #tpu.memory_space<hbm>>
    tpu.enqueue_indirect_dma source(%dma_start3A_49 : memref<10000x64xf32, #tpu.memory_space<hbm>>) target(%arg9 : memref<125x64xf32, #tpu.memory_space<vmem>>) offsets(%dma_start3A_46 : memref<125xi32, #tpu.memory_space<vmem>>) semaphore(%arg13 : memref<!tpu.dma_semaphore, #tpu.memory_space<semaphore_mem>>)
    %dma_start3A_50 = arith.constant 1 : i32
    %dma_start3A_51 = arith.constant 0 : i32
    %dma_start3A_52 = tpu.memref_slice %arg7[%dma_start3A_50, %dma_start3A_51] : memref<80x125xi32, #tpu.memory_space<vmem>> -> memref<1x125xi32, #tpu.memory_space<vmem>>
    %dma_start3A_53 = tpu.memref_squeeze %dma_start3A_52 : memref<1x125xi32, #tpu.memory_space<vmem>> -> memref<125xi32, #tpu.memory_space<vmem>>
    %dma_start3A_54 = arith.constant 0 : i32
    %dma_start3A_55 = arith.constant 0 : i32
    %dma_start3A_56 = tpu.memref_slice %arg2[%dma_start3A_54, %dma_start3A_55] : memref<10000x64xf32, #tpu.memory_space<hbm>> -> memref<10000x64xf32, #tpu.memory_space<hbm>>
    tpu.enqueue_indirect_dma source(%dma_start3A_56 : memref<10000x64xf32, #tpu.memory_space<hbm>>) target(%arg10 : memref<125x64xf32, #tpu.memory_space<vmem>>) offsets(%dma_start3A_53 : memref<125xi32, #tpu.memory_space<vmem>>) semaphore(%arg14 : memref<!tpu.dma_semaphore, #tpu.memory_space<semaphore_mem>>)
    %dma_start3A_57 = arith.constant 2 : i32
    %dma_start3A_58 = arith.constant 0 : i32
    %dma_start3A_59 = tpu.memref_slice %arg7[%dma_start3A_57, %dma_start3A_58] : memref<80x125xi32, #tpu.memory_space<vmem>> -> memref<1x125xi32, #tpu.memory_space<vmem>>
    %dma_start3A_60 = tpu.memref_squeeze %dma_start3A_59 : memref<1x125xi32, #tpu.memory_space<vmem>> -> memref<125xi32, #tpu.memory_space<vmem>>
    %dma_start3A_61 = arith.constant 0 : i32
    %dma_start3A_62 = arith.constant 0 : i32
    %dma_start3A_63 = tpu.memref_slice %arg2[%dma_start3A_61, %dma_start3A_62] : memref<10000x64xf32, #tpu.memory_space<hbm>> -> memref<10000x64xf32, #tpu.memory_space<hbm>>
    tpu.enqueue_indirect_dma source(%dma_start3A_63 : memref<10000x64xf32, #tpu.memory_space<hbm>>) target(%arg11 : memref<125x64xf32, #tpu.memory_space<vmem>>) offsets(%dma_start3A_60 : memref<125xi32, #tpu.memory_space<vmem>>) semaphore(%arg15 : memref<!tpu.dma_semaphore, #tpu.memory_space<semaphore_mem>>)
    %scan3A = arith.constant 0 : i32
    %scan3A_64 = arith.constant 0 : i32
    %scan3A_65 = arith.constant 20 : i32
    %scan3A_66 = arith.addi %scan3A_64, %scan3A_65 : i32
    %scan3A_67 = arith.constant 1 : i32
    scf.for %scan3A_74 = %scan3A_64 to %scan3A_66 step %scan3A_67  : i32 {
      %mul3A_75 = arith.constant 4 : i32
      %mul3A_76 = arith.muli %mul3A_75, %scan3A_74 : i32
      %add3A_77 = arith.constant 0 : i32
      %add3A_78 = arith.addi %mul3A_76, %add3A_77 : i32
      %dma_wait3A_79 = arith.constant 0 : i32
      %dma_wait3A_80 = tpu.memref_slice %arg7[%add3A_78, %dma_wait3A_79] : memref<80x125xi32, #tpu.memory_space<vmem>> -> memref<1x125xi32, #tpu.memory_space<vmem>>
      %dma_wait3A_81 = tpu.memref_squeeze %dma_wait3A_80 : memref<1x125xi32, #tpu.memory_space<vmem>> -> memref<125xi32, #tpu.memory_space<vmem>>
      %dma_wait3A_82 = arith.constant 0 : i32
      %dma_wait3A_83 = arith.constant 0 : i32
      %dma_wait3A_84 = tpu.memref_slice %arg2[%dma_wait3A_82, %dma_wait3A_83] : memref<10000x64xf32, #tpu.memory_space<hbm>> -> memref<10000x64xf32, #tpu.memory_space<hbm>>
      tpu.wait_indirect_dma semaphore(%arg13 : memref<!tpu.dma_semaphore, #tpu.memory_space<semaphore_mem>>) src(%dma_wait3A_84 : memref<10000x64xf32, #tpu.memory_space<hbm>>) dst(%arg9 : memref<125x64xf32, #tpu.memory_space<vmem>>)
      %add3A_85 = arith.constant 3 : i32
      %add3A_86 = arith.addi %add3A_78, %add3A_85 : i32
      %lt3A = arith.constant 80 : i32
      %lt3A_87 = arith.cmpi slt, %add3A_86, %lt3A : i32
      %convert_element_type3A = arith.extui %lt3A_87 : i1 to i32
      %cond3A = arith.constant 0 : i32
      %cond3A_88 = arith.cmpi ne, %convert_element_type3A, %cond3A : i32
      scf.if %cond3A_88 {
        %add3A_134 = arith.constant 3 : i32
        %add3A_135 = arith.addi %add3A_78, %add3A_134 : i32
        %min3A = arith.constant 79 : i32
        %min3A_136 = arith.minsi %add3A_135, %min3A : i32
        %dma_start3A_137 = arith.constant 0 : i32
        %dma_start3A_138 = tpu.memref_slice %arg7[%min3A_136, %dma_start3A_137] : memref<80x125xi32, #tpu.memory_space<vmem>> -> memref<1x125xi32, #tpu.memory_space<vmem>>
        %dma_start3A_139 = tpu.memref_squeeze %dma_start3A_138 : memref<1x125xi32, #tpu.memory_space<vmem>> -> memref<125xi32, #tpu.memory_space<vmem>>
        %dma_start3A_140 = arith.constant 0 : i32
        %dma_start3A_141 = arith.constant 0 : i32
        %dma_start3A_142 = tpu.memref_slice %arg2[%dma_start3A_140, %dma_start3A_141] : memref<10000x64xf32, #tpu.memory_space<hbm>> -> memref<10000x64xf32, #tpu.memory_space<hbm>>
        tpu.enqueue_indirect_dma source(%dma_start3A_142 : memref<10000x64xf32, #tpu.memory_space<hbm>>) target(%arg12 : memref<125x64xf32, #tpu.memory_space<vmem>>) offsets(%dma_start3A_139 : memref<125xi32, #tpu.memory_space<vmem>>) semaphore(%arg16 : memref<!tpu.dma_semaphore, #tpu.memory_space<semaphore_mem>>)
      } else {
      }
      "tpu.region"() ({
        %run_scoped3A = tpu.sem_alloc : memref<!tpu.dma_semaphore, #tpu.memory_space<semaphore_mem>>
        %dma_start3A_134 = arith.constant 0 : i32
        %dma_start3A_135 = tpu.memref_slice %arg8[%add3A_78, %dma_start3A_134] : memref<80x125xi32, #tpu.memory_space<vmem>> -> memref<1x125xi32, #tpu.memory_space<vmem>>
        %dma_start3A_136 = tpu.memref_squeeze %dma_start3A_135 : memref<1x125xi32, #tpu.memory_space<vmem>> -> memref<125xi32, #tpu.memory_space<vmem>>
        %dma_start3A_137 = arith.constant 0 : i32
        %dma_start3A_138 = arith.constant 0 : i32
        %dma_start3A_139 = tpu.memref_slice %arg6[%dma_start3A_137, %dma_start3A_138] : memref<10240x64xf32, #tpu.memory_space<vmem_shared>> -> memref<10240x64xf32, #tpu.memory_space<vmem_shared>>
        tpu.enqueue_indirect_dma source(%arg9 : memref<125x64xf32, #tpu.memory_space<vmem>>) target(%dma_start3A_139 : memref<10240x64xf32, #tpu.memory_space<vmem_shared>>) offsets(%dma_start3A_136 : memref<125xi32, #tpu.memory_space<vmem>>) semaphore(%run_scoped3A : memref<!tpu.dma_semaphore, #tpu.memory_space<semaphore_mem>>) {add = true}
        %dma_wait3A_140 = arith.constant 0 : i32
        %dma_wait3A_141 = tpu.memref_slice %arg8[%add3A_78, %dma_wait3A_140] : memref<80x125xi32, #tpu.memory_space<vmem>> -> memref<1x125xi32, #tpu.memory_space<vmem>>
        %dma_wait3A_142 = tpu.memref_squeeze %dma_wait3A_141 : memref<1x125xi32, #tpu.memory_space<vmem>> -> memref<125xi32, #tpu.memory_space<vmem>>
        %dma_wait3A_143 = arith.constant 0 : i32
        %dma_wait3A_144 = arith.constant 0 : i32
        %dma_wait3A_145 = tpu.memref_slice %arg6[%dma_wait3A_143, %dma_wait3A_144] : memref<10240x64xf32, #tpu.memory_space<vmem_shared>> -> memref<10240x64xf32, #tpu.memory_space<vmem_shared>>
        tpu.wait_indirect_dma semaphore(%run_scoped3A : memref<!tpu.dma_semaphore, #tpu.memory_space<semaphore_mem>>) src(%arg9 : memref<125x64xf32, #tpu.memory_space<vmem>>) dst(%dma_wait3A_145 : memref<10240x64xf32, #tpu.memory_space<vmem_shared>>)
        tpu.yield
      }) : () -> ()
      %add3A_89 = arith.constant 1 : i32
      %add3A_90 = arith.addi %mul3A_76, %add3A_89 : i32
      %dma_wait3A_91 = arith.constant 0 : i32
      %dma_wait3A_92 = tpu.memref_slice %arg7[%add3A_90, %dma_wait3A_91] : memref<80x125xi32, #tpu.memory_space<vmem>> -> memref<1x125xi32, #tpu.memory_space<vmem>>
      %dma_wait3A_93 = tpu.memref_squeeze %dma_wait3A_92 : memref<1x125xi32, #tpu.memory_space<vmem>> -> memref<125xi32, #tpu.memory_space<vmem>>
      %dma_wait3A_94 = arith.constant 0 : i32
      %dma_wait3A_95 = arith.constant 0 : i32
      %dma_wait3A_96 = tpu.memref_slice %arg2[%dma_wait3A_94, %dma_wait3A_95] : memref<10000x64xf32, #tpu.memory_space<hbm>> -> memref<10000x64xf32, #tpu.memory_space<hbm>>
      tpu.wait_indirect_dma semaphore(%arg14 : memref<!tpu.dma_semaphore, #tpu.memory_space<semaphore_mem>>) src(%dma_wait3A_96 : memref<10000x64xf32, #tpu.memory_space<hbm>>) dst(%arg10 : memref<125x64xf32, #tpu.memory_space<vmem>>)
      %add3A_97 = arith.constant 3 : i32
      %add3A_98 = arith.addi %add3A_90, %add3A_97 : i32
      %lt3A_99 = arith.constant 80 : i32
      %lt3A_100 = arith.cmpi slt, %add3A_98, %lt3A_99 : i32
      %convert_element_type3A_101 = arith.extui %lt3A_100 : i1 to i32
      %cond3A_102 = arith.constant 0 : i32
      %cond3A_103 = arith.cmpi ne, %convert_element_type3A_101, %cond3A_102 : i32
      scf.if %cond3A_103 {
        %add3A_134 = arith.constant 3 : i32
        %add3A_135 = arith.addi %add3A_90, %add3A_134 : i32
        %min3A = arith.constant 79 : i32
        %min3A_136 = arith.minsi %add3A_135, %min3A : i32
        %dma_start3A_137 = arith.constant 0 : i32
        %dma_start3A_138 = tpu.memref_slice %arg7[%min3A_136, %dma_start3A_137] : memref<80x125xi32, #tpu.memory_space<vmem>> -> memref<1x125xi32, #tpu.memory_space<vmem>>
        %dma_start3A_139 = tpu.memref_squeeze %dma_start3A_138 : memref<1x125xi32, #tpu.memory_space<vmem>> -> memref<125xi32, #tpu.memory_space<vmem>>
        %dma_start3A_140 = arith.constant 0 : i32
        %dma_start3A_141 = arith.constant 0 : i32
        %dma_start3A_142 = tpu.memref_slice %arg2[%dma_start3A_140, %dma_start3A_141] : memref<10000x64xf32, #tpu.memory_space<hbm>> -> memref<10000x64xf32, #tpu.memory_space<hbm>>
        tpu.enqueue_indirect_dma source(%dma_start3A_142 : memref<10000x64xf32, #tpu.memory_space<hbm>>) target(%arg9 : memref<125x64xf32, #tpu.memory_space<vmem>>) offsets(%dma_start3A_139 : memref<125xi32, #tpu.memory_space<vmem>>) semaphore(%arg13 : memref<!tpu.dma_semaphore, #tpu.memory_space<semaphore_mem>>)
      } else {
      }
      "tpu.region"() ({
        %run_scoped3A = tpu.sem_alloc : memref<!tpu.dma_semaphore, #tpu.memory_space<semaphore_mem>>
        %dma_start3A_134 = arith.constant 0 : i32
        %dma_start3A_135 = tpu.memref_slice %arg8[%add3A_90, %dma_start3A_134] : memref<80x125xi32, #tpu.memory_space<vmem>> -> memref<1x125xi32, #tpu.memory_space<vmem>>
        %dma_start3A_136 = tpu.memref_squeeze %dma_start3A_135 : memref<1x125xi32, #tpu.memory_space<vmem>> -> memref<125xi32, #tpu.memory_space<vmem>>
        %dma_start3A_137 = arith.constant 0 : i32
        %dma_start3A_138 = arith.constant 0 : i32
        %dma_start3A_139 = tpu.memref_slice %arg6[%dma_start3A_137, %dma_start3A_138] : memref<10240x64xf32, #tpu.memory_space<vmem_shared>> -> memref<10240x64xf32, #tpu.memory_space<vmem_shared>>
        tpu.enqueue_indirect_dma source(%arg10 : memref<125x64xf32, #tpu.memory_space<vmem>>) target(%dma_start3A_139 : memref<10240x64xf32, #tpu.memory_space<vmem_shared>>) offsets(%dma_start3A_136 : memref<125xi32, #tpu.memory_space<vmem>>) semaphore(%run_scoped3A : memref<!tpu.dma_semaphore, #tpu.memory_space<semaphore_mem>>) {add = true}
        %dma_wait3A_140 = arith.constant 0 : i32
        %dma_wait3A_141 = tpu.memref_slice %arg8[%add3A_90, %dma_wait3A_140] : memref<80x125xi32, #tpu.memory_space<vmem>> -> memref<1x125xi32, #tpu.memory_space<vmem>>
        %dma_wait3A_142 = tpu.memref_squeeze %dma_wait3A_141 : memref<1x125xi32, #tpu.memory_space<vmem>> -> memref<125xi32, #tpu.memory_space<vmem>>
        %dma_wait3A_143 = arith.constant 0 : i32
        %dma_wait3A_144 = arith.constant 0 : i32
        %dma_wait3A_145 = tpu.memref_slice %arg6[%dma_wait3A_143, %dma_wait3A_144] : memref<10240x64xf32, #tpu.memory_space<vmem_shared>> -> memref<10240x64xf32, #tpu.memory_space<vmem_shared>>
        tpu.wait_indirect_dma semaphore(%run_scoped3A : memref<!tpu.dma_semaphore, #tpu.memory_space<semaphore_mem>>) src(%arg10 : memref<125x64xf32, #tpu.memory_space<vmem>>) dst(%dma_wait3A_145 : memref<10240x64xf32, #tpu.memory_space<vmem_shared>>)
        tpu.yield
      }) : () -> ()
      %add3A_104 = arith.constant 2 : i32
      %add3A_105 = arith.addi %mul3A_76, %add3A_104 : i32
      %dma_wait3A_106 = arith.constant 0 : i32
      %dma_wait3A_107 = tpu.memref_slice %arg7[%add3A_105, %dma_wait3A_106] : memref<80x125xi32, #tpu.memory_space<vmem>> -> memref<1x125xi32, #tpu.memory_space<vmem>>
      %dma_wait3A_108 = tpu.memref_squeeze %dma_wait3A_107 : memref<1x125xi32, #tpu.memory_space<vmem>> -> memref<125xi32, #tpu.memory_space<vmem>>
      %dma_wait3A_109 = arith.constant 0 : i32
      %dma_wait3A_110 = arith.constant 0 : i32
      %dma_wait3A_111 = tpu.memref_slice %arg2[%dma_wait3A_109, %dma_wait3A_110] : memref<10000x64xf32, #tpu.memory_space<hbm>> -> memref<10000x64xf32, #tpu.memory_space<hbm>>
      tpu.wait_indirect_dma semaphore(%arg15 : memref<!tpu.dma_semaphore, #tpu.memory_space<semaphore_mem>>) src(%dma_wait3A_111 : memref<10000x64xf32, #tpu.memory_space<hbm>>) dst(%arg11 : memref<125x64xf32, #tpu.memory_space<vmem>>)
      %add3A_112 = arith.constant 3 : i32
      %add3A_113 = arith.addi %add3A_105, %add3A_112 : i32
      %lt3A_114 = arith.constant 80 : i32
      %lt3A_115 = arith.cmpi slt, %add3A_113, %lt3A_114 : i32
      %convert_element_type3A_116 = arith.extui %lt3A_115 : i1 to i32
      %cond3A_117 = arith.constant 0 : i32
      %cond3A_118 = arith.cmpi ne, %convert_element_type3A_116, %cond3A_117 : i32
      scf.if %cond3A_118 {
        %add3A_134 = arith.constant 3 : i32
        %add3A_135 = arith.addi %add3A_105, %add3A_134 : i32
        %min3A = arith.constant 79 : i32
        %min3A_136 = arith.minsi %add3A_135, %min3A : i32
        %dma_start3A_137 = arith.constant 0 : i32
        %dma_start3A_138 = tpu.memref_slice %arg7[%min3A_136, %dma_start3A_137] : memref<80x125xi32, #tpu.memory_space<vmem>> -> memref<1x125xi32, #tpu.memory_space<vmem>>
        %dma_start3A_139 = tpu.memref_squeeze %dma_start3A_138 : memref<1x125xi32, #tpu.memory_space<vmem>> -> memref<125xi32, #tpu.memory_space<vmem>>
        %dma_start3A_140 = arith.constant 0 : i32
        %dma_start3A_141 = arith.constant 0 : i32
        %dma_start3A_142 = tpu.memref_slice %arg2[%dma_start3A_140, %dma_start3A_141] : memref<10000x64xf32, #tpu.memory_space<hbm>> -> memref<10000x64xf32, #tpu.memory_space<hbm>>
        tpu.enqueue_indirect_dma source(%dma_start3A_142 : memref<10000x64xf32, #tpu.memory_space<hbm>>) target(%arg10 : memref<125x64xf32, #tpu.memory_space<vmem>>) offsets(%dma_start3A_139 : memref<125xi32, #tpu.memory_space<vmem>>) semaphore(%arg14 : memref<!tpu.dma_semaphore, #tpu.memory_space<semaphore_mem>>)
      } else {
      }
      "tpu.region"() ({
        %run_scoped3A = tpu.sem_alloc : memref<!tpu.dma_semaphore, #tpu.memory_space<semaphore_mem>>
        %dma_start3A_134 = arith.constant 0 : i32
        %dma_start3A_135 = tpu.memref_slice %arg8[%add3A_105, %dma_start3A_134] : memref<80x125xi32, #tpu.memory_space<vmem>> -> memref<1x125xi32, #tpu.memory_space<vmem>>
        %dma_start3A_136 = tpu.memref_squeeze %dma_start3A_135 : memref<1x125xi32, #tpu.memory_space<vmem>> -> memref<125xi32, #tpu.memory_space<vmem>>
        %dma_start3A_137 = arith.constant 0 : i32
        %dma_start3A_138 = arith.constant 0 : i32
        %dma_start3A_139 = tpu.memref_slice %arg6[%dma_start3A_137, %dma_start3A_138] : memref<10240x64xf32, #tpu.memory_space<vmem_shared>> -> memref<10240x64xf32, #tpu.memory_space<vmem_shared>>
        tpu.enqueue_indirect_dma source(%arg11 : memref<125x64xf32, #tpu.memory_space<vmem>>) target(%dma_start3A_139 : memref<10240x64xf32, #tpu.memory_space<vmem_shared>>) offsets(%dma_start3A_136 : memref<125xi32, #tpu.memory_space<vmem>>) semaphore(%run_scoped3A : memref<!tpu.dma_semaphore, #tpu.memory_space<semaphore_mem>>) {add = true}
        %dma_wait3A_140 = arith.constant 0 : i32
        %dma_wait3A_141 = tpu.memref_slice %arg8[%add3A_105, %dma_wait3A_140] : memref<80x125xi32, #tpu.memory_space<vmem>> -> memref<1x125xi32, #tpu.memory_space<vmem>>
        %dma_wait3A_142 = tpu.memref_squeeze %dma_wait3A_141 : memref<1x125xi32, #tpu.memory_space<vmem>> -> memref<125xi32, #tpu.memory_space<vmem>>
        %dma_wait3A_143 = arith.constant 0 : i32
        %dma_wait3A_144 = arith.constant 0 : i32
        %dma_wait3A_145 = tpu.memref_slice %arg6[%dma_wait3A_143, %dma_wait3A_144] : memref<10240x64xf32, #tpu.memory_space<vmem_shared>> -> memref<10240x64xf32, #tpu.memory_space<vmem_shared>>
        tpu.wait_indirect_dma semaphore(%run_scoped3A : memref<!tpu.dma_semaphore, #tpu.memory_space<semaphore_mem>>) src(%arg11 : memref<125x64xf32, #tpu.memory_space<vmem>>) dst(%dma_wait3A_145 : memref<10240x64xf32, #tpu.memory_space<vmem_shared>>)
        tpu.yield
      }) : () -> ()
      %add3A_119 = arith.constant 3 : i32
      %add3A_120 = arith.addi %mul3A_76, %add3A_119 : i32
      %dma_wait3A_121 = arith.constant 0 : i32
      %dma_wait3A_122 = tpu.memref_slice %arg7[%add3A_120, %dma_wait3A_121] : memref<80x125xi32, #tpu.memory_space<vmem>> -> memref<1x125xi32, #tpu.memory_space<vmem>>
      %dma_wait3A_123 = tpu.memref_squeeze %dma_wait3A_122 : memref<1x125xi32, #tpu.memory_space<vmem>> -> memref<125xi32, #tpu.memory_space<vmem>>
      %dma_wait3A_124 = arith.constant 0 : i32
      %dma_wait3A_125 = arith.constant 0 : i32
      %dma_wait3A_126 = tpu.memref_slice %arg2[%dma_wait3A_124, %dma_wait3A_125] : memref<10000x64xf32, #tpu.memory_space<hbm>> -> memref<10000x64xf32, #tpu.memory_space<hbm>>
      tpu.wait_indirect_dma semaphore(%arg16 : memref<!tpu.dma_semaphore, #tpu.memory_space<semaphore_mem>>) src(%dma_wait3A_126 : memref<10000x64xf32, #tpu.memory_space<hbm>>) dst(%arg12 : memref<125x64xf32, #tpu.memory_space<vmem>>)
      %add3A_127 = arith.constant 3 : i32
      %add3A_128 = arith.addi %add3A_120, %add3A_127 : i32
      %lt3A_129 = arith.constant 80 : i32
      %lt3A_130 = arith.cmpi slt, %add3A_128, %lt3A_129 : i32
      %convert_element_type3A_131 = arith.extui %lt3A_130 : i1 to i32
      %cond3A_132 = arith.constant 0 : i32
      %cond3A_133 = arith.cmpi ne, %convert_element_type3A_131, %cond3A_132 : i32
      scf.if %cond3A_133 {
        %add3A_134 = arith.constant 3 : i32
        %add3A_135 = arith.addi %add3A_120, %add3A_134 : i32
        %min3A = arith.constant 79 : i32
        %min3A_136 = arith.minsi %add3A_135, %min3A : i32
        %dma_start3A_137 = arith.constant 0 : i32
        %dma_start3A_138 = tpu.memref_slice %arg7[%min3A_136, %dma_start3A_137] : memref<80x125xi32, #tpu.memory_space<vmem>> -> memref<1x125xi32, #tpu.memory_space<vmem>>
        %dma_start3A_139 = tpu.memref_squeeze %dma_start3A_138 : memref<1x125xi32, #tpu.memory_space<vmem>> -> memref<125xi32, #tpu.memory_space<vmem>>
        %dma_start3A_140 = arith.constant 0 : i32
        %dma_start3A_141 = arith.constant 0 : i32
        %dma_start3A_142 = tpu.memref_slice %arg2[%dma_start3A_140, %dma_start3A_141] : memref<10000x64xf32, #tpu.memory_space<hbm>> -> memref<10000x64xf32, #tpu.memory_space<hbm>>
        tpu.enqueue_indirect_dma source(%dma_start3A_142 : memref<10000x64xf32, #tpu.memory_space<hbm>>) target(%arg11 : memref<125x64xf32, #tpu.memory_space<vmem>>) offsets(%dma_start3A_139 : memref<125xi32, #tpu.memory_space<vmem>>) semaphore(%arg15 : memref<!tpu.dma_semaphore, #tpu.memory_space<semaphore_mem>>)
      } else {
      }
      "tpu.region"() ({
        %run_scoped3A = tpu.sem_alloc : memref<!tpu.dma_semaphore, #tpu.memory_space<semaphore_mem>>
        %dma_start3A_134 = arith.constant 0 : i32
        %dma_start3A_135 = tpu.memref_slice %arg8[%add3A_120, %dma_start3A_134] : memref<80x125xi32, #tpu.memory_space<vmem>> -> memref<1x125xi32, #tpu.memory_space<vmem>>
        %dma_start3A_136 = tpu.memref_squeeze %dma_start3A_135 : memref<1x125xi32, #tpu.memory_space<vmem>> -> memref<125xi32, #tpu.memory_space<vmem>>
        %dma_start3A_137 = arith.constant 0 : i32
        %dma_start3A_138 = arith.constant 0 : i32
        %dma_start3A_139 = tpu.memref_slice %arg6[%dma_start3A_137, %dma_start3A_138] : memref<10240x64xf32, #tpu.memory_space<vmem_shared>> -> memref<10240x64xf32, #tpu.memory_space<vmem_shared>>
        tpu.enqueue_indirect_dma source(%arg12 : memref<125x64xf32, #tpu.memory_space<vmem>>) target(%dma_start3A_139 : memref<10240x64xf32, #tpu.memory_space<vmem_shared>>) offsets(%dma_start3A_136 : memref<125xi32, #tpu.memory_space<vmem>>) semaphore(%run_scoped3A : memref<!tpu.dma_semaphore, #tpu.memory_space<semaphore_mem>>) {add = true}
        %dma_wait3A_140 = arith.constant 0 : i32
        %dma_wait3A_141 = tpu.memref_slice %arg8[%add3A_120, %dma_wait3A_140] : memref<80x125xi32, #tpu.memory_space<vmem>> -> memref<1x125xi32, #tpu.memory_space<vmem>>
        %dma_wait3A_142 = tpu.memref_squeeze %dma_wait3A_141 : memref<1x125xi32, #tpu.memory_space<vmem>> -> memref<125xi32, #tpu.memory_space<vmem>>
        %dma_wait3A_143 = arith.constant 0 : i32
        %dma_wait3A_144 = arith.constant 0 : i32
        %dma_wait3A_145 = tpu.memref_slice %arg6[%dma_wait3A_143, %dma_wait3A_144] : memref<10240x64xf32, #tpu.memory_space<vmem_shared>> -> memref<10240x64xf32, #tpu.memory_space<vmem_shared>>
        tpu.wait_indirect_dma semaphore(%run_scoped3A : memref<!tpu.dma_semaphore, #tpu.memory_space<semaphore_mem>>) src(%arg12 : memref<125x64xf32, #tpu.memory_space<vmem>>) dst(%dma_wait3A_145 : memref<10240x64xf32, #tpu.memory_space<vmem_shared>>)
        tpu.yield
      }) : () -> ()
    }
    %scan3A_68 = arith.constant 20 : i32
    %barrier3A_69 = arith.constant 0 : index
    tpu.barrier barrier_id(%barrier3A_69)
    %mul3A_70 = arith.constant 640 : i32
    %mul3A_71 = arith.muli %arg1, %mul3A_70 : i32
    %mul3A_72 = arith.constant 640 : i32
    %mul3A_73 = arith.muli %arg1, %mul3A_72 : i32
    "tpu.region"() ({
      %run_scoped3A = tpu.sem_alloc : memref<!tpu.dma_semaphore, #tpu.memory_space<semaphore_mem>>
      %dma_start3A_74 = arith.constant 0 : i32
      %dma_start3A_75 = tpu.memref_slice %arg5[%arg0, %mul3A_73, %dma_start3A_74] : memref<2x10240x64xf32, #tpu.memory_space<hbm>> -> memref<1x640x64xf32, #tpu.memory_space<hbm>>
      %dma_start3A_76 = tpu.memref_squeeze %dma_start3A_75 : memref<1x640x64xf32, #tpu.memory_space<hbm>> -> memref<640x64xf32, #tpu.memory_space<hbm>>
      %dma_start3A_77 = arith.constant 0 : i32
      %dma_start3A_78 = tpu.memref_slice %arg6[%mul3A_71, %dma_start3A_77] : memref<10240x64xf32, #tpu.memory_space<vmem_shared>> -> memref<640x64xf32, #tpu.memory_space<vmem_shared>>
      tpu.enqueue_dma source(%dma_start3A_78 : memref<640x64xf32, #tpu.memory_space<vmem_shared>>) target(%dma_start3A_76 : memref<640x64xf32, #tpu.memory_space<hbm>>) target_semaphore(%run_scoped3A : memref<!tpu.dma_semaphore, #tpu.memory_space<semaphore_mem>>)
      %dma_wait3A_79 = arith.constant 0 : i32
      %dma_wait3A_80 = tpu.memref_slice %arg5[%arg0, %mul3A_73, %dma_wait3A_79] : memref<2x10240x64xf32, #tpu.memory_space<hbm>> -> memref<1x640x64xf32, #tpu.memory_space<hbm>>
      %dma_wait3A_81 = tpu.memref_squeeze %dma_wait3A_80 : memref<1x640x64xf32, #tpu.memory_space<hbm>> -> memref<640x64xf32, #tpu.memory_space<hbm>>
      %dma_wait3A_82 = arith.constant 0 : i32
      %dma_wait3A_83 = tpu.memref_slice %arg6[%mul3A_71, %dma_wait3A_82] : memref<10240x64xf32, #tpu.memory_space<vmem_shared>> -> memref<640x64xf32, #tpu.memory_space<vmem_shared>>
      tpu.wait_dma2 semaphore(%run_scoped3A : memref<!tpu.dma_semaphore, #tpu.memory_space<semaphore_mem>>) src(%dma_wait3A_83 : memref<640x64xf32, #tpu.memory_space<vmem_shared>>) dst(%dma_wait3A_81 : memref<640x64xf32, #tpu.memory_space<hbm>>)
      tpu.yield
    }) : () -> ()
    return
  }
}

#map = affine_map<(d0, d1) -> (0, 0)>
#map1 = affine_map<(d0, d1) -> (0, 0, 0, 0)>
#map2 = affine_map<(d0, d1) -> (0, 0, 0)>
module attributes {stable_mosaic.version = 14 : i64} {
  func.func @_agg_kernel(%arg0: i32, %arg1: i32, %arg2: memref<10000x64xf32, #tpu.memory_space<hbm>>, %arg3: memref<2x32x80x125xi32, #tpu.memory_space<hbm>>, %arg4: memref<640x64xf32, #tpu.memory_space<hbm>>, %arg5: memref<2x10240x64xf32, #tpu.memory_space<hbm>>, %arg6: memref<10240x64xf32, #tpu.memory_space<vmem_shared>>, %arg7: memref<80x125xi32, #tpu.memory_space<vmem>>, %arg8: memref<80x125xi32, #tpu.memory_space<vmem>>, %arg9: memref<125x64xf32, #tpu.memory_space<vmem>>, %arg10: memref<125x64xf32, #tpu.memory_space<vmem>>, %arg11: memref<125x64xf32, #tpu.memory_space<vmem>>, %arg12: memref<125x64xf32, #tpu.memory_space<vmem>>, %arg13: memref<!tpu.dma_semaphore, #tpu.memory_space<semaphore_mem>>, %arg14: memref<!tpu.dma_semaphore, #tpu.memory_space<semaphore_mem>>, %arg15: memref<!tpu.dma_semaphore, #tpu.memory_space<semaphore_mem>>, %arg16: memref<!tpu.dma_semaphore, #tpu.memory_space<semaphore_mem>>) attributes {dimension_semantics = [#tpu.dimension_semantics<core_parallel>, #tpu.dimension_semantics<subcore_parallel>], iteration_bounds = array<i64: 2, 16>, scalar_prefetch = 0 : i64, scratch_operands = 11 : i64, tpu.core_type = #tpu.core_type<sc_vector_subcore>, window_params = [{transform_indices = #map}, {transform_indices = #map1}, {transform_indices = #map}, {transform_indices = #map2}]} {
    %mul3A = arith.constant 2 : i32
    %mul3A_0 = arith.muli %arg1, %mul3A : i32
    %add3A = arith.addi %mul3A_0, %arg0 : i32
    %mul3A_1 = arith.constant 640 : i32
    %mul3A_2 = arith.muli %arg1, %mul3A_1 : i32
    %dma_start3A = arith.constant 0 : i32
    %dma_start3A_3 = tpu.memref_slice %arg6[%mul3A_2, %dma_start3A] : memref<10240x64xf32, #tpu.memory_space<vmem_shared>> -> memref<640x64xf32, #tpu.memory_space<vmem_shared>>
    tpu.enqueue_dma source(%arg4 : memref<640x64xf32, #tpu.memory_space<hbm>>) target(%dma_start3A_3 : memref<640x64xf32, #tpu.memory_space<vmem_shared>>) target_semaphore(%arg13 : memref<!tpu.dma_semaphore, #tpu.memory_space<semaphore_mem>>)
    %dma_start3A_4 = arith.constant 0 : i32
    %dma_start3A_5 = arith.constant 0 : i32
    %dma_start3A_6 = arith.constant 0 : i32
    %dma_start3A_7 = tpu.memref_slice %arg3[%dma_start3A_4, %add3A, %dma_start3A_5, %dma_start3A_6] : memref<2x32x80x125xi32, #tpu.memory_space<hbm>> -> memref<1x1x80x125xi32, #tpu.memory_space<hbm>>
    %dma_start3A_8 = tpu.memref_squeeze %dma_start3A_7 : memref<1x1x80x125xi32, #tpu.memory_space<hbm>> -> memref<80x125xi32, #tpu.memory_space<hbm>>
    %dma_start3A_9 = arith.constant 0 : i32
    %dma_start3A_10 = arith.constant 0 : i32
    %dma_start3A_11 = tpu.memref_slice %arg3[%dma_start3A_4, %add3A, %dma_start3A_9, %dma_start3A_10] : memref<2x32x80x125xi32, #tpu.memory_space<hbm>> -> memref<1x1x80x125xi32, #tpu.memory_space<hbm>>
    %dma_start3A_12 = tpu.memref_squeeze %dma_start3A_11 : memref<1x1x80x125xi32, #tpu.memory_space<hbm>> -> memref<80x125xi32, #tpu.memory_space<hbm>>
    tpu.enqueue_dma source(%dma_start3A_12 : memref<80x125xi32, #tpu.memory_space<hbm>>) target(%arg7 : memref<80x125xi32, #tpu.memory_space<vmem>>) target_semaphore(%arg14 : memref<!tpu.dma_semaphore, #tpu.memory_space<semaphore_mem>>)
    %dma_start3A_13 = arith.constant 1 : i32
    %dma_start3A_14 = arith.constant 0 : i32
    %dma_start3A_15 = arith.constant 0 : i32
    %dma_start3A_16 = tpu.memref_slice %arg3[%dma_start3A_13, %add3A, %dma_start3A_14, %dma_start3A_15] : memref<2x32x80x125xi32, #tpu.memory_space<hbm>> -> memref<1x1x80x125xi32, #tpu.memory_space<hbm>>
    %dma_start3A_17 = tpu.memref_squeeze %dma_start3A_16 : memref<1x1x80x125xi32, #tpu.memory_space<hbm>> -> memref<80x125xi32, #tpu.memory_space<hbm>>
    %dma_start3A_18 = arith.constant 0 : i32
    %dma_start3A_19 = arith.constant 0 : i32
    %dma_start3A_20 = tpu.memref_slice %arg3[%dma_start3A_13, %add3A, %dma_start3A_18, %dma_start3A_19] : memref<2x32x80x125xi32, #tpu.memory_space<hbm>> -> memref<1x1x80x125xi32, #tpu.memory_space<hbm>>
    %dma_start3A_21 = tpu.memref_squeeze %dma_start3A_20 : memref<1x1x80x125xi32, #tpu.memory_space<hbm>> -> memref<80x125xi32, #tpu.memory_space<hbm>>
    tpu.enqueue_dma source(%dma_start3A_21 : memref<80x125xi32, #tpu.memory_space<hbm>>) target(%arg8 : memref<80x125xi32, #tpu.memory_space<vmem>>) target_semaphore(%arg15 : memref<!tpu.dma_semaphore, #tpu.memory_space<semaphore_mem>>)
    %mul3A_22 = arith.constant 640 : i32
    %mul3A_23 = arith.muli %arg1, %mul3A_22 : i32
    %dma_wait3A = arith.constant 0 : i32
    %dma_wait3A_24 = tpu.memref_slice %arg6[%mul3A_23, %dma_wait3A] : memref<10240x64xf32, #tpu.memory_space<vmem_shared>> -> memref<640x64xf32, #tpu.memory_space<vmem_shared>>
    tpu.wait_dma2 semaphore(%arg13 : memref<!tpu.dma_semaphore, #tpu.memory_space<semaphore_mem>>) src(%arg4 : memref<640x64xf32, #tpu.memory_space<hbm>>) dst(%dma_wait3A_24 : memref<640x64xf32, #tpu.memory_space<vmem_shared>>)
    %dma_wait3A_25 = arith.constant 0 : i32
    %dma_wait3A_26 = arith.constant 0 : i32
    %dma_wait3A_27 = arith.constant 0 : i32
    %dma_wait3A_28 = tpu.memref_slice %arg3[%dma_wait3A_25, %add3A, %dma_wait3A_26, %dma_wait3A_27] : memref<2x32x80x125xi32, #tpu.memory_space<hbm>> -> memref<1x1x80x125xi32, #tpu.memory_space<hbm>>
    %dma_wait3A_29 = tpu.memref_squeeze %dma_wait3A_28 : memref<1x1x80x125xi32, #tpu.memory_space<hbm>> -> memref<80x125xi32, #tpu.memory_space<hbm>>
    %dma_wait3A_30 = arith.constant 0 : i32
    %dma_wait3A_31 = arith.constant 0 : i32
    %dma_wait3A_32 = tpu.memref_slice %arg3[%dma_wait3A_25, %add3A, %dma_wait3A_30, %dma_wait3A_31] : memref<2x32x80x125xi32, #tpu.memory_space<hbm>> -> memref<1x1x80x125xi32, #tpu.memory_space<hbm>>
    %dma_wait3A_33 = tpu.memref_squeeze %dma_wait3A_32 : memref<1x1x80x125xi32, #tpu.memory_space<hbm>> -> memref<80x125xi32, #tpu.memory_space<hbm>>
    tpu.wait_dma2 semaphore(%arg14 : memref<!tpu.dma_semaphore, #tpu.memory_space<semaphore_mem>>) src(%dma_wait3A_33 : memref<80x125xi32, #tpu.memory_space<hbm>>) dst(%arg7 : memref<80x125xi32, #tpu.memory_space<vmem>>)
    %dma_wait3A_34 = arith.constant 1 : i32
    %dma_wait3A_35 = arith.constant 0 : i32
    %dma_wait3A_36 = arith.constant 0 : i32
    %dma_wait3A_37 = tpu.memref_slice %arg3[%dma_wait3A_34, %add3A, %dma_wait3A_35, %dma_wait3A_36] : memref<2x32x80x125xi32, #tpu.memory_space<hbm>> -> memref<1x1x80x125xi32, #tpu.memory_space<hbm>>
    %dma_wait3A_38 = tpu.memref_squeeze %dma_wait3A_37 : memref<1x1x80x125xi32, #tpu.memory_space<hbm>> -> memref<80x125xi32, #tpu.memory_space<hbm>>
    %dma_wait3A_39 = arith.constant 0 : i32
    %dma_wait3A_40 = arith.constant 0 : i32
    %dma_wait3A_41 = tpu.memref_slice %arg3[%dma_wait3A_34, %add3A, %dma_wait3A_39, %dma_wait3A_40] : memref<2x32x80x125xi32, #tpu.memory_space<hbm>> -> memref<1x1x80x125xi32, #tpu.memory_space<hbm>>
    %dma_wait3A_42 = tpu.memref_squeeze %dma_wait3A_41 : memref<1x1x80x125xi32, #tpu.memory_space<hbm>> -> memref<80x125xi32, #tpu.memory_space<hbm>>
    tpu.wait_dma2 semaphore(%arg15 : memref<!tpu.dma_semaphore, #tpu.memory_space<semaphore_mem>>) src(%dma_wait3A_42 : memref<80x125xi32, #tpu.memory_space<hbm>>) dst(%arg8 : memref<80x125xi32, #tpu.memory_space<vmem>>)
    %barrier3A = arith.constant 0 : index
    tpu.barrier barrier_id(%barrier3A)
    %dma_start3A_43 = arith.constant 0 : i32
    %dma_start3A_44 = arith.constant 0 : i32
    %dma_start3A_45 = tpu.memref_slice %arg7[%dma_start3A_43, %dma_start3A_44] : memref<80x125xi32, #tpu.memory_space<vmem>> -> memref<1x125xi32, #tpu.memory_space<vmem>>
    %dma_start3A_46 = tpu.memref_squeeze %dma_start3A_45 : memref<1x125xi32, #tpu.memory_space<vmem>> -> memref<125xi32, #tpu.memory_space<vmem>>
    %dma_start3A_47 = arith.constant 0 : i32
    %dma_start3A_48 = arith.constant 0 : i32
    %dma_start3A_49 = tpu.memref_slice %arg2[%dma_start3A_47, %dma_start3A_48] : memref<10000x64xf32, #tpu.memory_space<hbm>> -> memref<10000x64xf32, #tpu.memory_space<hbm>>
    tpu.enqueue_indirect_dma source(%dma_start3A_49 : memref<10000x64xf32, #tpu.memory_space<hbm>>) target(%arg9 : memref<125x64xf32, #tpu.memory_space<vmem>>) offsets(%dma_start3A_46 : memref<125xi32, #tpu.memory_space<vmem>>) semaphore(%arg13 : memref<!tpu.dma_semaphore, #tpu.memory_space<semaphore_mem>>)
    %dma_start3A_50 = arith.constant 1 : i32
    %dma_start3A_51 = arith.constant 0 : i32
    %dma_start3A_52 = tpu.memref_slice %arg7[%dma_start3A_50, %dma_start3A_51] : memref<80x125xi32, #tpu.memory_space<vmem>> -> memref<1x125xi32, #tpu.memory_space<vmem>>
    %dma_start3A_53 = tpu.memref_squeeze %dma_start3A_52 : memref<1x125xi32, #tpu.memory_space<vmem>> -> memref<125xi32, #tpu.memory_space<vmem>>
    %dma_start3A_54 = arith.constant 0 : i32
    %dma_start3A_55 = arith.constant 0 : i32
    %dma_start3A_56 = tpu.memref_slice %arg2[%dma_start3A_54, %dma_start3A_55] : memref<10000x64xf32, #tpu.memory_space<hbm>> -> memref<10000x64xf32, #tpu.memory_space<hbm>>
    tpu.enqueue_indirect_dma source(%dma_start3A_56 : memref<10000x64xf32, #tpu.memory_space<hbm>>) target(%arg10 : memref<125x64xf32, #tpu.memory_space<vmem>>) offsets(%dma_start3A_53 : memref<125xi32, #tpu.memory_space<vmem>>) semaphore(%arg14 : memref<!tpu.dma_semaphore, #tpu.memory_space<semaphore_mem>>)
    %dma_start3A_57 = arith.constant 2 : i32
    %dma_start3A_58 = arith.constant 0 : i32
    %dma_start3A_59 = tpu.memref_slice %arg7[%dma_start3A_57, %dma_start3A_58] : memref<80x125xi32, #tpu.memory_space<vmem>> -> memref<1x125xi32, #tpu.memory_space<vmem>>
    %dma_start3A_60 = tpu.memref_squeeze %dma_start3A_59 : memref<1x125xi32, #tpu.memory_space<vmem>> -> memref<125xi32, #tpu.memory_space<vmem>>
    %dma_start3A_61 = arith.constant 0 : i32
    %dma_start3A_62 = arith.constant 0 : i32
    %dma_start3A_63 = tpu.memref_slice %arg2[%dma_start3A_61, %dma_start3A_62] : memref<10000x64xf32, #tpu.memory_space<hbm>> -> memref<10000x64xf32, #tpu.memory_space<hbm>>
    tpu.enqueue_indirect_dma source(%dma_start3A_63 : memref<10000x64xf32, #tpu.memory_space<hbm>>) target(%arg11 : memref<125x64xf32, #tpu.memory_space<vmem>>) offsets(%dma_start3A_60 : memref<125xi32, #tpu.memory_space<vmem>>) semaphore(%arg15 : memref<!tpu.dma_semaphore, #tpu.memory_space<semaphore_mem>>)
    %scan3A = arith.constant 0 : i32
    %scan3A_64 = arith.constant 0 : i32
    %scan3A_65 = arith.constant 20 : i32
    %scan3A_66 = arith.addi %scan3A_64, %scan3A_65 : i32
    %scan3A_67 = arith.constant 1 : i32
    scf.for %scan3A_74 = %scan3A_64 to %scan3A_66 step %scan3A_67  : i32 {
      %mul3A_75 = arith.constant 4 : i32
      %mul3A_76 = arith.muli %mul3A_75, %scan3A_74 : i32
      %add3A_77 = arith.constant 0 : i32
      %add3A_78 = arith.addi %mul3A_76, %add3A_77 : i32
      %dma_wait3A_79 = arith.constant 0 : i32
      %dma_wait3A_80 = tpu.memref_slice %arg7[%add3A_78, %dma_wait3A_79] : memref<80x125xi32, #tpu.memory_space<vmem>> -> memref<1x125xi32, #tpu.memory_space<vmem>>
      %dma_wait3A_81 = tpu.memref_squeeze %dma_wait3A_80 : memref<1x125xi32, #tpu.memory_space<vmem>> -> memref<125xi32, #tpu.memory_space<vmem>>
      %dma_wait3A_82 = arith.constant 0 : i32
      %dma_wait3A_83 = arith.constant 0 : i32
      %dma_wait3A_84 = tpu.memref_slice %arg2[%dma_wait3A_82, %dma_wait3A_83] : memref<10000x64xf32, #tpu.memory_space<hbm>> -> memref<10000x64xf32, #tpu.memory_space<hbm>>
      tpu.wait_indirect_dma semaphore(%arg13 : memref<!tpu.dma_semaphore, #tpu.memory_space<semaphore_mem>>) src(%dma_wait3A_84 : memref<10000x64xf32, #tpu.memory_space<hbm>>) dst(%arg9 : memref<125x64xf32, #tpu.memory_space<vmem>>)
      %add3A_85 = arith.constant 3 : i32
      %add3A_86 = arith.addi %add3A_78, %add3A_85 : i32
      %lt3A = arith.constant 80 : i32
      %lt3A_87 = arith.cmpi slt, %add3A_86, %lt3A : i32
      %convert_element_type3A = arith.extui %lt3A_87 : i1 to i32
      %cond3A = arith.constant 0 : i32
      %cond3A_88 = arith.cmpi ne, %convert_element_type3A, %cond3A : i32
      scf.if %cond3A_88 {
        %add3A_134 = arith.constant 3 : i32
        %add3A_135 = arith.addi %add3A_78, %add3A_134 : i32
        %min3A = arith.constant 79 : i32
        %min3A_136 = arith.minsi %add3A_135, %min3A : i32
        %dma_start3A_137 = arith.constant 0 : i32
        %dma_start3A_138 = tpu.memref_slice %arg7[%min3A_136, %dma_start3A_137] : memref<80x125xi32, #tpu.memory_space<vmem>> -> memref<1x125xi32, #tpu.memory_space<vmem>>
        %dma_start3A_139 = tpu.memref_squeeze %dma_start3A_138 : memref<1x125xi32, #tpu.memory_space<vmem>> -> memref<125xi32, #tpu.memory_space<vmem>>
        %dma_start3A_140 = arith.constant 0 : i32
        %dma_start3A_141 = arith.constant 0 : i32
        %dma_start3A_142 = tpu.memref_slice %arg2[%dma_start3A_140, %dma_start3A_141] : memref<10000x64xf32, #tpu.memory_space<hbm>> -> memref<10000x64xf32, #tpu.memory_space<hbm>>
        tpu.enqueue_indirect_dma source(%dma_start3A_142 : memref<10000x64xf32, #tpu.memory_space<hbm>>) target(%arg12 : memref<125x64xf32, #tpu.memory_space<vmem>>) offsets(%dma_start3A_139 : memref<125xi32, #tpu.memory_space<vmem>>) semaphore(%arg16 : memref<!tpu.dma_semaphore, #tpu.memory_space<semaphore_mem>>)
      } else {
      }
      "tpu.region"() ({
        %run_scoped3A = tpu.sem_alloc : memref<!tpu.dma_semaphore, #tpu.memory_space<semaphore_mem>>
        %dma_start3A_134 = arith.constant 0 : i32
        %dma_start3A_135 = tpu.memref_slice %arg8[%add3A_78, %dma_start3A_134] : memref<80x125xi32, #tpu.memory_space<vmem>> -> memref<1x125xi32, #tpu.memory_space<vmem>>
        %dma_start3A_136 = tpu.memref_squeeze %dma_start3A_135 : memref<1x125xi32, #tpu.memory_space<vmem>> -> memref<125xi32, #tpu.memory_space<vmem>>
        %dma_start3A_137 = arith.constant 0 : i32
        %dma_start3A_138 = arith.constant 0 : i32
        %dma_start3A_139 = tpu.memref_slice %arg6[%dma_start3A_137, %dma_start3A_138] : memref<10240x64xf32, #tpu.memory_space<vmem_shared>> -> memref<10240x64xf32, #tpu.memory_space<vmem_shared>>
        tpu.enqueue_indirect_dma source(%arg9 : memref<125x64xf32, #tpu.memory_space<vmem>>) target(%dma_start3A_139 : memref<10240x64xf32, #tpu.memory_space<vmem_shared>>) offsets(%dma_start3A_136 : memref<125xi32, #tpu.memory_space<vmem>>) semaphore(%run_scoped3A : memref<!tpu.dma_semaphore, #tpu.memory_space<semaphore_mem>>) {add = true}
        %dma_wait3A_140 = arith.constant 0 : i32
        %dma_wait3A_141 = tpu.memref_slice %arg8[%add3A_78, %dma_wait3A_140] : memref<80x125xi32, #tpu.memory_space<vmem>> -> memref<1x125xi32, #tpu.memory_space<vmem>>
        %dma_wait3A_142 = tpu.memref_squeeze %dma_wait3A_141 : memref<1x125xi32, #tpu.memory_space<vmem>> -> memref<125xi32, #tpu.memory_space<vmem>>
        %dma_wait3A_143 = arith.constant 0 : i32
        %dma_wait3A_144 = arith.constant 0 : i32
        %dma_wait3A_145 = tpu.memref_slice %arg6[%dma_wait3A_143, %dma_wait3A_144] : memref<10240x64xf32, #tpu.memory_space<vmem_shared>> -> memref<10240x64xf32, #tpu.memory_space<vmem_shared>>
        tpu.wait_indirect_dma semaphore(%run_scoped3A : memref<!tpu.dma_semaphore, #tpu.memory_space<semaphore_mem>>) src(%arg9 : memref<125x64xf32, #tpu.memory_space<vmem>>) dst(%dma_wait3A_145 : memref<10240x64xf32, #tpu.memory_space<vmem_shared>>)
        tpu.yield
      }) : () -> ()
      %add3A_89 = arith.constant 1 : i32
      %add3A_90 = arith.addi %mul3A_76, %add3A_89 : i32
      %dma_wait3A_91 = arith.constant 0 : i32
      %dma_wait3A_92 = tpu.memref_slice %arg7[%add3A_90, %dma_wait3A_91] : memref<80x125xi32, #tpu.memory_space<vmem>> -> memref<1x125xi32, #tpu.memory_space<vmem>>
      %dma_wait3A_93 = tpu.memref_squeeze %dma_wait3A_92 : memref<1x125xi32, #tpu.memory_space<vmem>> -> memref<125xi32, #tpu.memory_space<vmem>>
      %dma_wait3A_94 = arith.constant 0 : i32
      %dma_wait3A_95 = arith.constant 0 : i32
      %dma_wait3A_96 = tpu.memref_slice %arg2[%dma_wait3A_94, %dma_wait3A_95] : memref<10000x64xf32, #tpu.memory_space<hbm>> -> memref<10000x64xf32, #tpu.memory_space<hbm>>
      tpu.wait_indirect_dma semaphore(%arg14 : memref<!tpu.dma_semaphore, #tpu.memory_space<semaphore_mem>>) src(%dma_wait3A_96 : memref<10000x64xf32, #tpu.memory_space<hbm>>) dst(%arg10 : memref<125x64xf32, #tpu.memory_space<vmem>>)
      %add3A_97 = arith.constant 3 : i32
      %add3A_98 = arith.addi %add3A_90, %add3A_97 : i32
      %lt3A_99 = arith.constant 80 : i32
      %lt3A_100 = arith.cmpi slt, %add3A_98, %lt3A_99 : i32
      %convert_element_type3A_101 = arith.extui %lt3A_100 : i1 to i32
      %cond3A_102 = arith.constant 0 : i32
      %cond3A_103 = arith.cmpi ne, %convert_element_type3A_101, %cond3A_102 : i32
      scf.if %cond3A_103 {
        %add3A_134 = arith.constant 3 : i32
        %add3A_135 = arith.addi %add3A_90, %add3A_134 : i32
        %min3A = arith.constant 79 : i32
        %min3A_136 = arith.minsi %add3A_135, %min3A : i32
        %dma_start3A_137 = arith.constant 0 : i32
        %dma_start3A_138 = tpu.memref_slice %arg7[%min3A_136, %dma_start3A_137] : memref<80x125xi32, #tpu.memory_space<vmem>> -> memref<1x125xi32, #tpu.memory_space<vmem>>
        %dma_start3A_139 = tpu.memref_squeeze %dma_start3A_138 : memref<1x125xi32, #tpu.memory_space<vmem>> -> memref<125xi32, #tpu.memory_space<vmem>>
        %dma_start3A_140 = arith.constant 0 : i32
        %dma_start3A_141 = arith.constant 0 : i32
        %dma_start3A_142 = tpu.memref_slice %arg2[%dma_start3A_140, %dma_start3A_141] : memref<10000x64xf32, #tpu.memory_space<hbm>> -> memref<10000x64xf32, #tpu.memory_space<hbm>>
        tpu.enqueue_indirect_dma source(%dma_start3A_142 : memref<10000x64xf32, #tpu.memory_space<hbm>>) target(%arg9 : memref<125x64xf32, #tpu.memory_space<vmem>>) offsets(%dma_start3A_139 : memref<125xi32, #tpu.memory_space<vmem>>) semaphore(%arg13 : memref<!tpu.dma_semaphore, #tpu.memory_space<semaphore_mem>>)
      } else {
      }
      "tpu.region"() ({
        %run_scoped3A = tpu.sem_alloc : memref<!tpu.dma_semaphore, #tpu.memory_space<semaphore_mem>>
        %dma_start3A_134 = arith.constant 0 : i32
        %dma_start3A_135 = tpu.memref_slice %arg8[%add3A_90, %dma_start3A_134] : memref<80x125xi32, #tpu.memory_space<vmem>> -> memref<1x125xi32, #tpu.memory_space<vmem>>
        %dma_start3A_136 = tpu.memref_squeeze %dma_start3A_135 : memref<1x125xi32, #tpu.memory_space<vmem>> -> memref<125xi32, #tpu.memory_space<vmem>>
        %dma_start3A_137 = arith.constant 0 : i32
        %dma_start3A_138 = arith.constant 0 : i32
        %dma_start3A_139 = tpu.memref_slice %arg6[%dma_start3A_137, %dma_start3A_138] : memref<10240x64xf32, #tpu.memory_space<vmem_shared>> -> memref<10240x64xf32, #tpu.memory_space<vmem_shared>>
        tpu.enqueue_indirect_dma source(%arg10 : memref<125x64xf32, #tpu.memory_space<vmem>>) target(%dma_start3A_139 : memref<10240x64xf32, #tpu.memory_space<vmem_shared>>) offsets(%dma_start3A_136 : memref<125xi32, #tpu.memory_space<vmem>>) semaphore(%run_scoped3A : memref<!tpu.dma_semaphore, #tpu.memory_space<semaphore_mem>>) {add = true}
        %dma_wait3A_140 = arith.constant 0 : i32
        %dma_wait3A_141 = tpu.memref_slice %arg8[%add3A_90, %dma_wait3A_140] : memref<80x125xi32, #tpu.memory_space<vmem>> -> memref<1x125xi32, #tpu.memory_space<vmem>>
        %dma_wait3A_142 = tpu.memref_squeeze %dma_wait3A_141 : memref<1x125xi32, #tpu.memory_space<vmem>> -> memref<125xi32, #tpu.memory_space<vmem>>
        %dma_wait3A_143 = arith.constant 0 : i32
        %dma_wait3A_144 = arith.constant 0 : i32
        %dma_wait3A_145 = tpu.memref_slice %arg6[%dma_wait3A_143, %dma_wait3A_144] : memref<10240x64xf32, #tpu.memory_space<vmem_shared>> -> memref<10240x64xf32, #tpu.memory_space<vmem_shared>>
        tpu.wait_indirect_dma semaphore(%run_scoped3A : memref<!tpu.dma_semaphore, #tpu.memory_space<semaphore_mem>>) src(%arg10 : memref<125x64xf32, #tpu.memory_space<vmem>>) dst(%dma_wait3A_145 : memref<10240x64xf32, #tpu.memory_space<vmem_shared>>)
        tpu.yield
      }) : () -> ()
      %add3A_104 = arith.constant 2 : i32
      %add3A_105 = arith.addi %mul3A_76, %add3A_104 : i32
      %dma_wait3A_106 = arith.constant 0 : i32
      %dma_wait3A_107 = tpu.memref_slice %arg7[%add3A_105, %dma_wait3A_106] : memref<80x125xi32, #tpu.memory_space<vmem>> -> memref<1x125xi32, #tpu.memory_space<vmem>>
      %dma_wait3A_108 = tpu.memref_squeeze %dma_wait3A_107 : memref<1x125xi32, #tpu.memory_space<vmem>> -> memref<125xi32, #tpu.memory_space<vmem>>
      %dma_wait3A_109 = arith.constant 0 : i32
      %dma_wait3A_110 = arith.constant 0 : i32
      %dma_wait3A_111 = tpu.memref_slice %arg2[%dma_wait3A_109, %dma_wait3A_110] : memref<10000x64xf32, #tpu.memory_space<hbm>> -> memref<10000x64xf32, #tpu.memory_space<hbm>>
      tpu.wait_indirect_dma semaphore(%arg15 : memref<!tpu.dma_semaphore, #tpu.memory_space<semaphore_mem>>) src(%dma_wait3A_111 : memref<10000x64xf32, #tpu.memory_space<hbm>>) dst(%arg11 : memref<125x64xf32, #tpu.memory_space<vmem>>)
      %add3A_112 = arith.constant 3 : i32
      %add3A_113 = arith.addi %add3A_105, %add3A_112 : i32
      %lt3A_114 = arith.constant 80 : i32
      %lt3A_115 = arith.cmpi slt, %add3A_113, %lt3A_114 : i32
      %convert_element_type3A_116 = arith.extui %lt3A_115 : i1 to i32
      %cond3A_117 = arith.constant 0 : i32
      %cond3A_118 = arith.cmpi ne, %convert_element_type3A_116, %cond3A_117 : i32
      scf.if %cond3A_118 {
        %add3A_134 = arith.constant 3 : i32
        %add3A_135 = arith.addi %add3A_105, %add3A_134 : i32
        %min3A = arith.constant 79 : i32
        %min3A_136 = arith.minsi %add3A_135, %min3A : i32
        %dma_start3A_137 = arith.constant 0 : i32
        %dma_start3A_138 = tpu.memref_slice %arg7[%min3A_136, %dma_start3A_137] : memref<80x125xi32, #tpu.memory_space<vmem>> -> memref<1x125xi32, #tpu.memory_space<vmem>>
        %dma_start3A_139 = tpu.memref_squeeze %dma_start3A_138 : memref<1x125xi32, #tpu.memory_space<vmem>> -> memref<125xi32, #tpu.memory_space<vmem>>
        %dma_start3A_140 = arith.constant 0 : i32
        %dma_start3A_141 = arith.constant 0 : i32
        %dma_start3A_142 = tpu.memref_slice %arg2[%dma_start3A_140, %dma_start3A_141] : memref<10000x64xf32, #tpu.memory_space<hbm>> -> memref<10000x64xf32, #tpu.memory_space<hbm>>
        tpu.enqueue_indirect_dma source(%dma_start3A_142 : memref<10000x64xf32, #tpu.memory_space<hbm>>) target(%arg10 : memref<125x64xf32, #tpu.memory_space<vmem>>) offsets(%dma_start3A_139 : memref<125xi32, #tpu.memory_space<vmem>>) semaphore(%arg14 : memref<!tpu.dma_semaphore, #tpu.memory_space<semaphore_mem>>)
      } else {
      }
      "tpu.region"() ({
        %run_scoped3A = tpu.sem_alloc : memref<!tpu.dma_semaphore, #tpu.memory_space<semaphore_mem>>
        %dma_start3A_134 = arith.constant 0 : i32
        %dma_start3A_135 = tpu.memref_slice %arg8[%add3A_105, %dma_start3A_134] : memref<80x125xi32, #tpu.memory_space<vmem>> -> memref<1x125xi32, #tpu.memory_space<vmem>>
        %dma_start3A_136 = tpu.memref_squeeze %dma_start3A_135 : memref<1x125xi32, #tpu.memory_space<vmem>> -> memref<125xi32, #tpu.memory_space<vmem>>
        %dma_start3A_137 = arith.constant 0 : i32
        %dma_start3A_138 = arith.constant 0 : i32
        %dma_start3A_139 = tpu.memref_slice %arg6[%dma_start3A_137, %dma_start3A_138] : memref<10240x64xf32, #tpu.memory_space<vmem_shared>> -> memref<10240x64xf32, #tpu.memory_space<vmem_shared>>
        tpu.enqueue_indirect_dma source(%arg11 : memref<125x64xf32, #tpu.memory_space<vmem>>) target(%dma_start3A_139 : memref<10240x64xf32, #tpu.memory_space<vmem_shared>>) offsets(%dma_start3A_136 : memref<125xi32, #tpu.memory_space<vmem>>) semaphore(%run_scoped3A : memref<!tpu.dma_semaphore, #tpu.memory_space<semaphore_mem>>) {add = true}
        %dma_wait3A_140 = arith.constant 0 : i32
        %dma_wait3A_141 = tpu.memref_slice %arg8[%add3A_105, %dma_wait3A_140] : memref<80x125xi32, #tpu.memory_space<vmem>> -> memref<1x125xi32, #tpu.memory_space<vmem>>
        %dma_wait3A_142 = tpu.memref_squeeze %dma_wait3A_141 : memref<1x125xi32, #tpu.memory_space<vmem>> -> memref<125xi32, #tpu.memory_space<vmem>>
        %dma_wait3A_143 = arith.constant 0 : i32
        %dma_wait3A_144 = arith.constant 0 : i32
        %dma_wait3A_145 = tpu.memref_slice %arg6[%dma_wait3A_143, %dma_wait3A_144] : memref<10240x64xf32, #tpu.memory_space<vmem_shared>> -> memref<10240x64xf32, #tpu.memory_space<vmem_shared>>
        tpu.wait_indirect_dma semaphore(%run_scoped3A : memref<!tpu.dma_semaphore, #tpu.memory_space<semaphore_mem>>) src(%arg11 : memref<125x64xf32, #tpu.memory_space<vmem>>) dst(%dma_wait3A_145 : memref<10240x64xf32, #tpu.memory_space<vmem_shared>>)
        tpu.yield
      }) : () -> ()
      %add3A_119 = arith.constant 3 : i32
      %add3A_120 = arith.addi %mul3A_76, %add3A_119 : i32
      %dma_wait3A_121 = arith.constant 0 : i32
      %dma_wait3A_122 = tpu.memref_slice %arg7[%add3A_120, %dma_wait3A_121] : memref<80x125xi32, #tpu.memory_space<vmem>> -> memref<1x125xi32, #tpu.memory_space<vmem>>
      %dma_wait3A_123 = tpu.memref_squeeze %dma_wait3A_122 : memref<1x125xi32, #tpu.memory_space<vmem>> -> memref<125xi32, #tpu.memory_space<vmem>>
      %dma_wait3A_124 = arith.constant 0 : i32
      %dma_wait3A_125 = arith.constant 0 : i32
      %dma_wait3A_126 = tpu.memref_slice %arg2[%dma_wait3A_124, %dma_wait3A_125] : memref<10000x64xf32, #tpu.memory_space<hbm>> -> memref<10000x64xf32, #tpu.memory_space<hbm>>
      tpu.wait_indirect_dma semaphore(%arg16 : memref<!tpu.dma_semaphore, #tpu.memory_space<semaphore_mem>>) src(%dma_wait3A_126 : memref<10000x64xf32, #tpu.memory_space<hbm>>) dst(%arg12 : memref<125x64xf32, #tpu.memory_space<vmem>>)
      %add3A_127 = arith.constant 3 : i32
      %add3A_128 = arith.addi %add3A_120, %add3A_127 : i32
      %lt3A_129 = arith.constant 80 : i32
      %lt3A_130 = arith.cmpi slt, %add3A_128, %lt3A_129 : i32
      %convert_element_type3A_131 = arith.extui %lt3A_130 : i1 to i32
      %cond3A_132 = arith.constant 0 : i32
      %cond3A_133 = arith.cmpi ne, %convert_element_type3A_131, %cond3A_132 : i32
      scf.if %cond3A_133 {
        %add3A_134 = arith.constant 3 : i32
        %add3A_135 = arith.addi %add3A_120, %add3A_134 : i32
        %min3A = arith.constant 79 : i32
        %min3A_136 = arith.minsi %add3A_135, %min3A : i32
        %dma_start3A_137 = arith.constant 0 : i32
        %dma_start3A_138 = tpu.memref_slice %arg7[%min3A_136, %dma_start3A_137] : memref<80x125xi32, #tpu.memory_space<vmem>> -> memref<1x125xi32, #tpu.memory_space<vmem>>
        %dma_start3A_139 = tpu.memref_squeeze %dma_start3A_138 : memref<1x125xi32, #tpu.memory_space<vmem>> -> memref<125xi32, #tpu.memory_space<vmem>>
        %dma_start3A_140 = arith.constant 0 : i32
        %dma_start3A_141 = arith.constant 0 : i32
        %dma_start3A_142 = tpu.memref_slice %arg2[%dma_start3A_140, %dma_start3A_141] : memref<10000x64xf32, #tpu.memory_space<hbm>> -> memref<10000x64xf32, #tpu.memory_space<hbm>>
        tpu.enqueue_indirect_dma source(%dma_start3A_142 : memref<10000x64xf32, #tpu.memory_space<hbm>>) target(%arg11 : memref<125x64xf32, #tpu.memory_space<vmem>>) offsets(%dma_start3A_139 : memref<125xi32, #tpu.memory_space<vmem>>) semaphore(%arg15 : memref<!tpu.dma_semaphore, #tpu.memory_space<semaphore_mem>>)
      } else {
      }
      "tpu.region"() ({
        %run_scoped3A = tpu.sem_alloc : memref<!tpu.dma_semaphore, #tpu.memory_space<semaphore_mem>>
        %dma_start3A_134 = arith.constant 0 : i32
        %dma_start3A_135 = tpu.memref_slice %arg8[%add3A_120, %dma_start3A_134] : memref<80x125xi32, #tpu.memory_space<vmem>> -> memref<1x125xi32, #tpu.memory_space<vmem>>
        %dma_start3A_136 = tpu.memref_squeeze %dma_start3A_135 : memref<1x125xi32, #tpu.memory_space<vmem>> -> memref<125xi32, #tpu.memory_space<vmem>>
        %dma_start3A_137 = arith.constant 0 : i32
        %dma_start3A_138 = arith.constant 0 : i32
        %dma_start3A_139 = tpu.memref_slice %arg6[%dma_start3A_137, %dma_start3A_138] : memref<10240x64xf32, #tpu.memory_space<vmem_shared>> -> memref<10240x64xf32, #tpu.memory_space<vmem_shared>>
        tpu.enqueue_indirect_dma source(%arg12 : memref<125x64xf32, #tpu.memory_space<vmem>>) target(%dma_start3A_139 : memref<10240x64xf32, #tpu.memory_space<vmem_shared>>) offsets(%dma_start3A_136 : memref<125xi32, #tpu.memory_space<vmem>>) semaphore(%run_scoped3A : memref<!tpu.dma_semaphore, #tpu.memory_space<semaphore_mem>>) {add = true}
        %dma_wait3A_140 = arith.constant 0 : i32
        %dma_wait3A_141 = tpu.memref_slice %arg8[%add3A_120, %dma_wait3A_140] : memref<80x125xi32, #tpu.memory_space<vmem>> -> memref<1x125xi32, #tpu.memory_space<vmem>>
        %dma_wait3A_142 = tpu.memref_squeeze %dma_wait3A_141 : memref<1x125xi32, #tpu.memory_space<vmem>> -> memref<125xi32, #tpu.memory_space<vmem>>
        %dma_wait3A_143 = arith.constant 0 : i32
        %dma_wait3A_144 = arith.constant 0 : i32
        %dma_wait3A_145 = tpu.memref_slice %arg6[%dma_wait3A_143, %dma_wait3A_144] : memref<10240x64xf32, #tpu.memory_space<vmem_shared>> -> memref<10240x64xf32, #tpu.memory_space<vmem_shared>>
        tpu.wait_indirect_dma semaphore(%run_scoped3A : memref<!tpu.dma_semaphore, #tpu.memory_space<semaphore_mem>>) src(%arg12 : memref<125x64xf32, #tpu.memory_space<vmem>>) dst(%dma_wait3A_145 : memref<10240x64xf32, #tpu.memory_space<vmem_shared>>)
        tpu.yield
      }) : () -> ()
    }
    %scan3A_68 = arith.constant 20 : i32
    %barrier3A_69 = arith.constant 0 : index
    tpu.barrier barrier_id(%barrier3A_69)
    %mul3A_70 = arith.constant 640 : i32
    %mul3A_71 = arith.muli %arg1, %mul3A_70 : i32
    %mul3A_72 = arith.constant 640 : i32
    %mul3A_73 = arith.muli %arg1, %mul3A_72 : i32
    "tpu.region"() ({
      %run_scoped3A = tpu.sem_alloc : memref<!tpu.dma_semaphore, #tpu.memory_space<semaphore_mem>>
      %dma_start3A_74 = arith.constant 0 : i32
      %dma_start3A_75 = tpu.memref_slice %arg5[%arg0, %mul3A_73, %dma_start3A_74] : memref<2x10240x64xf32, #tpu.memory_space<hbm>> -> memref<1x640x64xf32, #tpu.memory_space<hbm>>
      %dma_start3A_76 = tpu.memref_squeeze %dma_start3A_75 : memref<1x640x64xf32, #tpu.memory_space<hbm>> -> memref<640x64xf32, #tpu.memory_space<hbm>>
      %dma_start3A_77 = arith.constant 0 : i32
      %dma_start3A_78 = tpu.memref_slice %arg6[%mul3A_71, %dma_start3A_77] : memref<10240x64xf32, #tpu.memory_space<vmem_shared>> -> memref<640x64xf32, #tpu.memory_space<vmem_shared>>
      tpu.enqueue_dma source(%dma_start3A_78 : memref<640x64xf32, #tpu.memory_space<vmem_shared>>) target(%dma_start3A_76 : memref<640x64xf32, #tpu.memory_space<hbm>>) target_semaphore(%run_scoped3A : memref<!tpu.dma_semaphore, #tpu.memory_space<semaphore_mem>>)
      %dma_wait3A_79 = arith.constant 0 : i32
      %dma_wait3A_80 = tpu.memref_slice %arg5[%arg0, %mul3A_73, %dma_wait3A_79] : memref<2x10240x64xf32, #tpu.memory_space<hbm>> -> memref<1x640x64xf32, #tpu.memory_space<hbm>>
      %dma_wait3A_81 = tpu.memref_squeeze %dma_wait3A_80 : memref<1x640x64xf32, #tpu.memory_space<hbm>> -> memref<640x64xf32, #tpu.memory_space<hbm>>
      %dma_wait3A_82 = arith.constant 0 : i32
      %dma_wait3A_83 = tpu.memref_slice %arg6[%mul3A_71, %dma_wait3A_82] : memref<10240x64xf32, #tpu.memory_space<vmem_shared>> -> memref<640x64xf32, #tpu.memory_space<vmem_shared>>
      tpu.wait_dma2 semaphore(%run_scoped3A : memref<!tpu.dma_semaphore, #tpu.memory_space<semaphore_mem>>) src(%dma_wait3A_83 : memref<640x64xf32, #tpu.memory_space<vmem_shared>>) dst(%dma_wait3A_81 : memref<640x64xf32, #tpu.memory_space<hbm>>)
      tpu.yield
    }) : () -> ()
    return
  }
}

module attributes {stable_mosaic.version = 14 : i64} {
  func.func @_stage1a_body(%arg0: i32, %arg1: memref<2000x128xf32, #tpu.memory_space<vmem>>, %arg2: memref<2000x16xf32, #tpu.memory_space<vmem>>, %arg3: memref<16x32xf32, #tpu.memory_space<vmem>>, %arg4: memref<1x32xf32, #tpu.memory_space<vmem>>, %arg5: memref<32x32xf32, #tpu.memory_space<vmem>>, %arg6: memref<1x32xf32, #tpu.memory_space<vmem>>, %arg7: memref<160x64xf32, #tpu.memory_space<vmem>>, %arg8: memref<2000x64xf32, #tpu.memory_space<vmem>>) attributes {dimension_semantics = [#tpu.dimension_semantics<arbitrary>], iteration_bounds = array<i64: 5>, scalar_prefetch = 0 : i64, scratch_operands = 0 : i64, tpu.core_type = #tpu.core_type<tc>, window_params = [{transform_indices = @transform_0, window_bounds = array<i64: 2000, 128>}, {transform_indices = @transform_1, window_bounds = array<i64: 2000, 16>}, {pipeline_mode = #tpu.pipeline_mode<synchronous>, transform_indices = @transform_2, window_bounds = array<i64: 16, 32>}, {pipeline_mode = #tpu.pipeline_mode<synchronous>, transform_indices = @transform_3, window_bounds = array<i64: 1, 32>}, {pipeline_mode = #tpu.pipeline_mode<synchronous>, transform_indices = @transform_4, window_bounds = array<i64: 32, 32>}, {pipeline_mode = #tpu.pipeline_mode<synchronous>, transform_indices = @transform_5, window_bounds = array<i64: 1, 32>}, {pipeline_mode = #tpu.pipeline_mode<synchronous>, transform_indices = @transform_6, window_bounds = array<i64: 160, 64>}, {transform_indices = @transform_7, window_bounds = array<i64: 2000, 64>}]} {
    %get3A = arith.constant 0 : index
    %get3A_0 = arith.constant 0 : index
    %get3A_1 = vector.load %arg2[%get3A, %get3A_0] : memref<2000x16xf32, #tpu.memory_space<vmem>>, vector<2000x16xf32>
    %get3A_2 = arith.constant 0 : index
    %get3A_3 = arith.constant 0 : index
    %get3A_4 = vector.load %arg3[%get3A_2, %get3A_3] : memref<16x32xf32, #tpu.memory_space<vmem>>, vector<16x32xf32>
    %dot_general3A = arith.constant dense<0.000000e+00> : vector<2000x32xf32>
    %dot_general3A_5 = tpu.matmul %get3A_1, %get3A_4, %dot_general3A {dimension_numbers = #tpu.dot_dimension_numbers<[1], [0], [0], [1], [0, 0, 1, 1], [], []>, transpose_lhs_hint = false} : vector<2000x16xf32>, vector<16x32xf32>, vector<2000x32xf32> -> vector<2000x32xf32>
    %get3A_6 = arith.constant 0 : index
    %get3A_7 = arith.constant 0 : index
    %get3A_8 = vector.load %arg4[%get3A_6, %get3A_7] : memref<1x32xf32, #tpu.memory_space<vmem>>, vector<1x32xf32>
    %add3A = vector.broadcast %get3A_8 : vector<1x32xf32> to vector<2000x32xf32>
    %add3A_9 = arith.addf %dot_general3A_5, %add3A : vector<2000x32xf32>
    %max3A = arith.constant 0.000000e+00 : f32
    %max3A_10 = vector.broadcast %max3A : f32 to vector<2000x32xf32>
    %max3A_11 = arith.maximumf %add3A_9, %max3A_10 : vector<2000x32xf32>
    %get3A_12 = arith.constant 0 : index
    %get3A_13 = arith.constant 0 : index
    %get3A_14 = vector.load %arg5[%get3A_12, %get3A_13] : memref<32x32xf32, #tpu.memory_space<vmem>>, vector<32x32xf32>
    %dot_general3A_15 = arith.constant dense<0.000000e+00> : vector<2000x32xf32>
    %dot_general3A_16 = tpu.matmul %max3A_11, %get3A_14, %dot_general3A_15 {dimension_numbers = #tpu.dot_dimension_numbers<[1], [0], [0], [1], [0, 0, 1, 1], [], []>, transpose_lhs_hint = false} : vector<2000x32xf32>, vector<32x32xf32>, vector<2000x32xf32> -> vector<2000x32xf32>
    %get3A_17 = arith.constant 0 : index
    %get3A_18 = arith.constant 0 : index
    %get3A_19 = vector.load %arg6[%get3A_17, %get3A_18] : memref<1x32xf32, #tpu.memory_space<vmem>>, vector<1x32xf32>
    %add3A_20 = vector.broadcast %get3A_19 : vector<1x32xf32> to vector<2000x32xf32>
    %add3A_21 = arith.addf %dot_general3A_16, %add3A_20 : vector<2000x32xf32>
    %max3A_22 = arith.constant 0.000000e+00 : f32
    %max3A_23 = vector.broadcast %max3A_22 : f32 to vector<2000x32xf32>
    %max3A_24 = arith.maximumf %add3A_21, %max3A_23 : vector<2000x32xf32>
    %get3A_25 = arith.constant 0 : index
    %get3A_26 = arith.constant 0 : index
    %get3A_27 = vector.load %arg1[%get3A_25, %get3A_26] : memref<2000x128xf32, #tpu.memory_space<vmem>>, vector<2000x128xf32>
    %concatenate3A = tpu.concatenate %get3A_27, %max3A_24 in 1 : vector<2000x128xf32>, vector<2000x32xf32> -> vector<2000x160xf32>
    %get3A_28 = arith.constant 0 : index
    %get3A_29 = arith.constant 0 : index
    %get3A_30 = vector.load %arg7[%get3A_28, %get3A_29] : memref<160x64xf32, #tpu.memory_space<vmem>>, vector<160x64xf32>
    %dot_general3A_31 = arith.constant dense<0.000000e+00> : vector<2000x64xf32>
    %dot_general3A_32 = tpu.matmul %concatenate3A, %get3A_30, %dot_general3A_31 {dimension_numbers = #tpu.dot_dimension_numbers<[1], [0], [0], [1], [0, 0, 1, 1], [], []>, transpose_lhs_hint = false} : vector<2000x160xf32>, vector<160x64xf32>, vector<2000x64xf32> -> vector<2000x64xf32>
    %swap3A = arith.constant 0 : index
    %swap3A_33 = arith.constant 0 : index
    %swap3A_34 = vector.load %arg8[%swap3A, %swap3A_33] : memref<2000x64xf32, #tpu.memory_space<vmem>>, vector<2000x64xf32>
    tpu.vector_store %arg8[%swap3A, %swap3A_33], %dot_general3A_32 {strides = array<i32>} : memref<2000x64xf32, #tpu.memory_space<vmem>>, vector<2000x64xf32>,
    return
  }
  func.func @transform_0(%arg0: i32) -> (i32, i32) {
    %c0_i32 = arith.constant 0 : i32
    %c0_i32_0 = arith.constant 0 : i32
    return %arg0, %c0_i32 : i32, i32
  }
  func.func @transform_1(%arg0: i32) -> (i32, i32) {
    %c0_i32 = arith.constant 0 : i32
    %c0_i32_0 = arith.constant 0 : i32
    return %arg0, %c0_i32 : i32, i32
  }
  func.func @transform_2(%arg0: i32) -> (i32, i32) {
    %c0_i32 = arith.constant 0 : i32
    %c0_i32_0 = arith.constant 0 : i32
    %c0_i32_1 = arith.constant 0 : i32
    return %c0_i32, %c0_i32_0 : i32, i32
  }
  func.func @transform_3(%arg0: i32) -> (i32, i32) {
    %c0_i32 = arith.constant 0 : i32
    %c0_i32_0 = arith.constant 0 : i32
    %c0_i32_1 = arith.constant 0 : i32
    return %c0_i32, %c0_i32_0 : i32, i32
  }
  func.func @transform_4(%arg0: i32) -> (i32, i32) {
    %c0_i32 = arith.constant 0 : i32
    %c0_i32_0 = arith.constant 0 : i32
    %c0_i32_1 = arith.constant 0 : i32
    return %c0_i32, %c0_i32_0 : i32, i32
  }
  func.func @transform_5(%arg0: i32) -> (i32, i32) {
    %c0_i32 = arith.constant 0 : i32
    %c0_i32_0 = arith.constant 0 : i32
    %c0_i32_1 = arith.constant 0 : i32
    return %c0_i32, %c0_i32_0 : i32, i32
  }
  func.func @transform_6(%arg0: i32) -> (i32, i32) {
    %c0_i32 = arith.constant 0 : i32
    %c0_i32_0 = arith.constant 0 : i32
    %c0_i32_1 = arith.constant 0 : i32
    return %c0_i32, %c0_i32_0 : i32, i32
  }
  func.func @transform_7(%arg0: i32) -> (i32, i32) {
    %c0_i32 = arith.constant 0 : i32
    %c0_i32_0 = arith.constant 0 : i32
    return %arg0, %c0_i32 : i32, i32
  }
}

module attributes {stable_mosaic.version = 14 : i64} {
  func.func @_stage1b_body(%arg0: i32, %arg1: memref<2x2000x16xf32, #tpu.memory_space<vmem>>, %arg2: memref<2000x64xf32, #tpu.memory_space<vmem>>, %arg3: memref<2000x64xf32, #tpu.memory_space<vmem>>, %arg4: memref<2000x1xf32, #tpu.memory_space<vmem>>) attributes {dimension_semantics = [#tpu.dimension_semantics<arbitrary>], iteration_bounds = array<i64: 5>, scalar_prefetch = 0 : i64, scratch_operands = 0 : i64, tpu.core_type = #tpu.core_type<tc>, window_params = [{transform_indices = @transform_0, window_bounds = array<i64: 2, 2000, 16>}, {transform_indices = @transform_1, window_bounds = array<i64: 2000, 64>}, {transform_indices = @transform_2, window_bounds = array<i64: 2000, 64>}, {transform_indices = @transform_3, window_bounds = array<i64: 2000, 1>}]} {
    %get3A = arith.constant 0 : index
    %get3A_0 = arith.constant 0 : index
    %get3A_1 = arith.constant 0 : index
    %get3A_2 = vector.load %arg1[%get3A, %get3A_0, %get3A_1] : memref<2x2000x16xf32, #tpu.memory_space<vmem>>, vector<1x2000x1xf32>
    %get3A_3 = vector.shape_cast %get3A_2 : vector<1x2000x1xf32> to vector<2000x1xf32>
    %get3A_4 = arith.constant 1 : index
    %get3A_5 = arith.constant 0 : index
    %get3A_6 = arith.constant 0 : index
    %get3A_7 = vector.load %arg1[%get3A_4, %get3A_5, %get3A_6] : memref<2x2000x16xf32, #tpu.memory_space<vmem>>, vector<1x2000x1xf32>
    %get3A_8 = vector.shape_cast %get3A_7 : vector<1x2000x1xf32> to vector<2000x1xf32>
    %add3A = arith.addf %get3A_3, %get3A_8 : vector<2000x1xf32>
    %add3A_9 = arith.constant 1.000000e+00 : f32
    %add3A_10 = vector.broadcast %add3A_9 : f32 to vector<2000x1xf32>
    %add3A_11 = arith.addf %add3A, %add3A_10 : vector<2000x1xf32>
    %rsqrt3A = math.rsqrt %add3A_11 : vector<2000x1xf32>
    %get3A_12 = arith.constant 0 : index
    %get3A_13 = arith.constant 0 : index
    %get3A_14 = vector.load %arg2[%get3A_12, %get3A_13] : memref<2000x64xf32, #tpu.memory_space<vmem>>, vector<2000x64xf32>
    %mul3A = vector.broadcast %rsqrt3A : vector<2000x1xf32> to vector<2000x64xf32>
    %mul3A_15 = arith.mulf %mul3A, %get3A_14 : vector<2000x64xf32>
    %swap3A = arith.constant 0 : index
    %swap3A_16 = arith.constant 0 : index
    %swap3A_17 = vector.load %arg3[%swap3A, %swap3A_16] : memref<2000x64xf32, #tpu.memory_space<vmem>>, vector<2000x64xf32>
    tpu.vector_store %arg3[%swap3A, %swap3A_16], %mul3A_15 {strides = array<i32>} : memref<2000x64xf32, #tpu.memory_space<vmem>>, vector<2000x64xf32>,
    %swap3A_18 = arith.constant 0 : index
    %swap3A_19 = arith.constant 0 : index
    %swap3A_20 = vector.load %arg4[%swap3A_18, %swap3A_19] : memref<2000x1xf32, #tpu.memory_space<vmem>>, vector<2000x1xf32>
    tpu.vector_store %arg4[%swap3A_18, %swap3A_19], %rsqrt3A {strides = array<i32>} : memref<2000x1xf32, #tpu.memory_space<vmem>>, vector<2000x1xf32>,
    return
  }
  func.func @transform_0(%arg0: i32) -> (i32, i32, i32) {
    %c0_i32 = arith.constant 0 : i32
    %c0_i32_0 = arith.constant 0 : i32
    %c0_i32_1 = arith.constant 0 : i32
    return %c0_i32, %arg0, %c0_i32_0 : i32, i32, i32
  }
  func.func @transform_1(%arg0: i32) -> (i32, i32) {
    %c0_i32 = arith.constant 0 : i32
    %c0_i32_0 = arith.constant 0 : i32
    return %arg0, %c0_i32 : i32, i32
  }
  func.func @transform_2(%arg0: i32) -> (i32, i32) {
    %c0_i32 = arith.constant 0 : i32
    %c0_i32_0 = arith.constant 0 : i32
    return %arg0, %c0_i32 : i32, i32
  }
  func.func @transform_3(%arg0: i32) -> (i32, i32) {
    %c0_i32 = arith.constant 0 : i32
    %c0_i32_0 = arith.constant 0 : i32
    return %arg0, %c0_i32 : i32, i32
  }
}

module attributes {stable_mosaic.version = 14 : i64} {
  func.func @_stage2_body(%arg0: i32, %arg1: memref<2x2000x64xf32, #tpu.memory_space<vmem>>, %arg2: memref<2000x64xf32, #tpu.memory_space<vmem>>, %arg3: memref<2000x1xf32, #tpu.memory_space<vmem>>, %arg4: memref<64x64xf32, #tpu.memory_space<vmem>>, %arg5: memref<1x64xf32, #tpu.memory_space<vmem>>, %arg6: memref<2000x64xf32, #tpu.memory_space<vmem>>) attributes {dimension_semantics = [#tpu.dimension_semantics<arbitrary>], iteration_bounds = array<i64: 5>, scalar_prefetch = 0 : i64, scratch_operands = 0 : i64, tpu.core_type = #tpu.core_type<tc>, window_params = [{transform_indices = @transform_0, window_bounds = array<i64: 2, 2000, 64>}, {transform_indices = @transform_1, window_bounds = array<i64: 2000, 64>}, {transform_indices = @transform_2, window_bounds = array<i64: 2000, 1>}, {pipeline_mode = #tpu.pipeline_mode<synchronous>, transform_indices = @transform_3, window_bounds = array<i64: 64, 64>}, {pipeline_mode = #tpu.pipeline_mode<synchronous>, transform_indices = @transform_4, window_bounds = array<i64: 1, 64>}, {transform_indices = @transform_5, window_bounds = array<i64: 2000, 64>}]} {
    %get3A = arith.constant 0 : index
    %get3A_0 = arith.constant 0 : index
    %get3A_1 = vector.load %arg3[%get3A, %get3A_0] : memref<2000x1xf32, #tpu.memory_space<vmem>>, vector<2000x1xf32>
    %get3A_2 = arith.constant 0 : index
    %get3A_3 = arith.constant 0 : index
    %get3A_4 = arith.constant 0 : index
    %get3A_5 = vector.load %arg1[%get3A_2, %get3A_3, %get3A_4] : memref<2x2000x64xf32, #tpu.memory_space<vmem>>, vector<1x2000x64xf32>
    %get3A_6 = vector.shape_cast %get3A_5 : vector<1x2000x64xf32> to vector<2000x64xf32>
    %get3A_7 = arith.constant 1 : index
    %get3A_8 = arith.constant 0 : index
    %get3A_9 = arith.constant 0 : index
    %get3A_10 = vector.load %arg1[%get3A_7, %get3A_8, %get3A_9] : memref<2x2000x64xf32, #tpu.memory_space<vmem>>, vector<1x2000x64xf32>
    %get3A_11 = vector.shape_cast %get3A_10 : vector<1x2000x64xf32> to vector<2000x64xf32>
    %add3A = arith.addf %get3A_6, %get3A_11 : vector<2000x64xf32>
    %get3A_12 = arith.constant 0 : index
    %get3A_13 = arith.constant 0 : index
    %get3A_14 = vector.load %arg2[%get3A_12, %get3A_13] : memref<2000x64xf32, #tpu.memory_space<vmem>>, vector<2000x64xf32>
    %add3A_15 = arith.addf %add3A, %get3A_14 : vector<2000x64xf32>
    %mul3A = vector.broadcast %get3A_1 : vector<2000x1xf32> to vector<2000x64xf32>
    %mul3A_16 = arith.mulf %mul3A, %add3A_15 : vector<2000x64xf32>
    %get3A_17 = arith.constant 0 : index
    %get3A_18 = arith.constant 0 : index
    %get3A_19 = vector.load %arg5[%get3A_17, %get3A_18] : memref<1x64xf32, #tpu.memory_space<vmem>>, vector<1x64xf32>
    %add3A_20 = vector.broadcast %get3A_19 : vector<1x64xf32> to vector<2000x64xf32>
    %add3A_21 = arith.addf %mul3A_16, %add3A_20 : vector<2000x64xf32>
    %max3A = arith.constant 0.000000e+00 : f32
    %max3A_22 = vector.broadcast %max3A : f32 to vector<2000x64xf32>
    %max3A_23 = arith.maximumf %add3A_21, %max3A_22 : vector<2000x64xf32>
    %get3A_24 = arith.constant 0 : index
    %get3A_25 = arith.constant 0 : index
    %get3A_26 = vector.load %arg4[%get3A_24, %get3A_25] : memref<64x64xf32, #tpu.memory_space<vmem>>, vector<64x64xf32>
    %dot_general3A = arith.constant dense<0.000000e+00> : vector<2000x64xf32>
    %dot_general3A_27 = tpu.matmul %max3A_23, %get3A_26, %dot_general3A {dimension_numbers = #tpu.dot_dimension_numbers<[1], [0], [0], [1], [0, 0, 1, 1], [], []>, transpose_lhs_hint = false} : vector<2000x64xf32>, vector<64x64xf32>, vector<2000x64xf32> -> vector<2000x64xf32>
    %mul3A_28 = vector.broadcast %get3A_1 : vector<2000x1xf32> to vector<2000x64xf32>
    %mul3A_29 = arith.mulf %mul3A_28, %dot_general3A_27 : vector<2000x64xf32>
    %swap3A = arith.constant 0 : index
    %swap3A_30 = arith.constant 0 : index
    %swap3A_31 = vector.load %arg6[%swap3A, %swap3A_30] : memref<2000x64xf32, #tpu.memory_space<vmem>>, vector<2000x64xf32>
    tpu.vector_store %arg6[%swap3A, %swap3A_30], %mul3A_29 {strides = array<i32>} : memref<2000x64xf32, #tpu.memory_space<vmem>>, vector<2000x64xf32>,
    return
  }
  func.func @transform_0(%arg0: i32) -> (i32, i32, i32) {
    %c0_i32 = arith.constant 0 : i32
    %c0_i32_0 = arith.constant 0 : i32
    %c0_i32_1 = arith.constant 0 : i32
    return %c0_i32, %arg0, %c0_i32_0 : i32, i32, i32
  }
  func.func @transform_1(%arg0: i32) -> (i32, i32) {
    %c0_i32 = arith.constant 0 : i32
    %c0_i32_0 = arith.constant 0 : i32
    return %arg0, %c0_i32 : i32, i32
  }
  func.func @transform_2(%arg0: i32) -> (i32, i32) {
    %c0_i32 = arith.constant 0 : i32
    %c0_i32_0 = arith.constant 0 : i32
    return %arg0, %c0_i32 : i32, i32
  }
  func.func @transform_3(%arg0: i32) -> (i32, i32) {
    %c0_i32 = arith.constant 0 : i32
    %c0_i32_0 = arith.constant 0 : i32
    %c0_i32_1 = arith.constant 0 : i32
    return %c0_i32, %c0_i32_0 : i32, i32
  }
  func.func @transform_4(%arg0: i32) -> (i32, i32) {
    %c0_i32 = arith.constant 0 : i32
    %c0_i32_0 = arith.constant 0 : i32
    %c0_i32_1 = arith.constant 0 : i32
    return %c0_i32, %c0_i32_0 : i32, i32
  }
  func.func @transform_5(%arg0: i32) -> (i32, i32) {
    %c0_i32 = arith.constant 0 : i32
    %c0_i32_0 = arith.constant 0 : i32
    return %arg0, %c0_i32 : i32, i32
  }
}

module attributes {stable_mosaic.version = 14 : i64} {
  func.func @_stage3_body(%arg0: i32, %arg1: memref<2x2000x64xf32, #tpu.memory_space<vmem>>, %arg2: memref<2000x64xf32, #tpu.memory_space<vmem>>, %arg3: memref<2000x1xf32, #tpu.memory_space<vmem>>, %arg4: memref<1x64xf32, #tpu.memory_space<vmem>>, %arg5: memref<64x1xf32, #tpu.memory_space<vmem>>, %arg6: memref<1x1xf32, #tpu.memory_space<vmem>>, %arg7: memref<2000x1xf32, #tpu.memory_space<vmem>>) attributes {dimension_semantics = [#tpu.dimension_semantics<arbitrary>], iteration_bounds = array<i64: 5>, scalar_prefetch = 0 : i64, scratch_operands = 0 : i64, tpu.core_type = #tpu.core_type<tc>, window_params = [{transform_indices = @transform_0, window_bounds = array<i64: 2, 2000, 64>}, {transform_indices = @transform_1, window_bounds = array<i64: 2000, 64>}, {transform_indices = @transform_2, window_bounds = array<i64: 2000, 1>}, {pipeline_mode = #tpu.pipeline_mode<synchronous>, transform_indices = @transform_3, window_bounds = array<i64: 1, 64>}, {pipeline_mode = #tpu.pipeline_mode<synchronous>, transform_indices = @transform_4, window_bounds = array<i64: 64, 1>}, {pipeline_mode = #tpu.pipeline_mode<synchronous>, transform_indices = @transform_5, window_bounds = array<i64: 1, 1>}, {transform_indices = @transform_6, window_bounds = array<i64: 2000, 1>}]} {
    %get3A = arith.constant 0 : index
    %get3A_0 = arith.constant 0 : index
    %get3A_1 = vector.load %arg3[%get3A, %get3A_0] : memref<2000x1xf32, #tpu.memory_space<vmem>>, vector<2000x1xf32>
    %get3A_2 = arith.constant 0 : index
    %get3A_3 = arith.constant 0 : index
    %get3A_4 = arith.constant 0 : index
    %get3A_5 = vector.load %arg1[%get3A_2, %get3A_3, %get3A_4] : memref<2x2000x64xf32, #tpu.memory_space<vmem>>, vector<1x2000x64xf32>
    %get3A_6 = vector.shape_cast %get3A_5 : vector<1x2000x64xf32> to vector<2000x64xf32>
    %get3A_7 = arith.constant 1 : index
    %get3A_8 = arith.constant 0 : index
    %get3A_9 = arith.constant 0 : index
    %get3A_10 = vector.load %arg1[%get3A_7, %get3A_8, %get3A_9] : memref<2x2000x64xf32, #tpu.memory_space<vmem>>, vector<1x2000x64xf32>
    %get3A_11 = vector.shape_cast %get3A_10 : vector<1x2000x64xf32> to vector<2000x64xf32>
    %add3A = arith.addf %get3A_6, %get3A_11 : vector<2000x64xf32>
    %get3A_12 = arith.constant 0 : index
    %get3A_13 = arith.constant 0 : index
    %get3A_14 = vector.load %arg2[%get3A_12, %get3A_13] : memref<2000x64xf32, #tpu.memory_space<vmem>>, vector<2000x64xf32>
    %add3A_15 = arith.addf %add3A, %get3A_14 : vector<2000x64xf32>
    %mul3A = vector.broadcast %get3A_1 : vector<2000x1xf32> to vector<2000x64xf32>
    %mul3A_16 = arith.mulf %mul3A, %add3A_15 : vector<2000x64xf32>
    %get3A_17 = arith.constant 0 : index
    %get3A_18 = arith.constant 0 : index
    %get3A_19 = vector.load %arg4[%get3A_17, %get3A_18] : memref<1x64xf32, #tpu.memory_space<vmem>>, vector<1x64xf32>
    %add3A_20 = vector.broadcast %get3A_19 : vector<1x64xf32> to vector<2000x64xf32>
    %add3A_21 = arith.addf %mul3A_16, %add3A_20 : vector<2000x64xf32>
    %max3A = arith.constant 0.000000e+00 : f32
    %max3A_22 = vector.broadcast %max3A : f32 to vector<2000x64xf32>
    %max3A_23 = arith.maximumf %add3A_21, %max3A_22 : vector<2000x64xf32>
    %get3A_24 = arith.constant 0 : index
    %get3A_25 = arith.constant 0 : index
    %get3A_26 = vector.load %arg5[%get3A_24, %get3A_25] : memref<64x1xf32, #tpu.memory_space<vmem>>, vector<64x1xf32>
    %dot_general3A = arith.constant dense<0.000000e+00> : vector<2000x1xf32>
    %dot_general3A_27 = tpu.matmul %max3A_23, %get3A_26, %dot_general3A {dimension_numbers = #tpu.dot_dimension_numbers<[1], [0], [0], [1], [0, 0, 1, 1], [], []>, transpose_lhs_hint = false} : vector<2000x64xf32>, vector<64x1xf32>, vector<2000x1xf32> -> vector<2000x1xf32>
    %get3A_28 = arith.constant 0 : index
    %get3A_29 = arith.constant 0 : index
    %get3A_30 = vector.load %arg6[%get3A_28, %get3A_29] : memref<1x1xf32, #tpu.memory_space<vmem>>, vector<1x1xf32>
    %add3A_31 = vector.broadcast %get3A_30 : vector<1x1xf32> to vector<2000x1xf32>
    %add3A_32 = arith.addf %dot_general3A_27, %add3A_31 : vector<2000x1xf32>
    %logistic3A = arith.negf %add3A_32 : vector<2000x1xf32>
    %logistic3A_33 = math.exp %logistic3A : vector<2000x1xf32>
    %logistic3A_34 = arith.constant 1.000000e+00 : f32
    %logistic3A_35 = vector.broadcast %logistic3A_34 : f32 to vector<2000x1xf32>
    %logistic3A_36 = arith.addf %logistic3A_35, %logistic3A_33 : vector<2000x1xf32>
    %logistic3A_37 = arith.divf %logistic3A_35, %logistic3A_36 : vector<2000x1xf32>
    %swap3A = arith.constant 0 : index
    %swap3A_38 = arith.constant 0 : index
    %swap3A_39 = vector.load %arg7[%swap3A, %swap3A_38] : memref<2000x1xf32, #tpu.memory_space<vmem>>, vector<2000x1xf32>
    tpu.vector_store %arg7[%swap3A, %swap3A_38], %logistic3A_37 {strides = array<i32>} : memref<2000x1xf32, #tpu.memory_space<vmem>>, vector<2000x1xf32>,
    return
  }
  func.func @transform_0(%arg0: i32) -> (i32, i32, i32) {
    %c0_i32 = arith.constant 0 : i32
    %c0_i32_0 = arith.constant 0 : i32
    %c0_i32_1 = arith.constant 0 : i32
    return %c0_i32, %arg0, %c0_i32_0 : i32, i32, i32
  }
  func.func @transform_1(%arg0: i32) -> (i32, i32) {
    %c0_i32 = arith.constant 0 : i32
    %c0_i32_0 = arith.constant 0 : i32
    return %arg0, %c0_i32 : i32, i32
  }
  func.func @transform_2(%arg0: i32) -> (i32, i32) {
    %c0_i32 = arith.constant 0 : i32
    %c0_i32_0 = arith.constant 0 : i32
    return %arg0, %c0_i32 : i32, i32
  }
  func.func @transform_3(%arg0: i32) -> (i32, i32) {
    %c0_i32 = arith.constant 0 : i32
    %c0_i32_0 = arith.constant 0 : i32
    %c0_i32_1 = arith.constant 0 : i32
    return %c0_i32, %c0_i32_0 : i32, i32
  }
  func.func @transform_4(%arg0: i32) -> (i32, i32) {
    %c0_i32 = arith.constant 0 : i32
    %c0_i32_0 = arith.constant 0 : i32
    %c0_i32_1 = arith.constant 0 : i32
    return %c0_i32, %c0_i32_0 : i32, i32
  }
  func.func @transform_5(%arg0: i32) -> (i32, i32) {
    %c0_i32 = arith.constant 0 : i32
    %c0_i32_0 = arith.constant 0 : i32
    %c0_i32_1 = arith.constant 0 : i32
    return %c0_i32, %c0_i32_0 : i32, i32
  }
  func.func @transform_6(%arg0: i32) -> (i32, i32) {
    %c0_i32 = arith.constant 0 : i32
    %c0_i32_0 = arith.constant 0 : i32
    return %arg0, %c0_i32 : i32, i32
  }
}

</mosaic_0001>

<sc_bundles>
// kernel: kernel.12.cloned.1.call-start
scs
__scs_entry_jumppad:
0x0: {  	(pc) =	sbr.rel $0x88, $3  }
0x1: {  	(tag) =	ssettag $0x0;
	lr =	simm.s32 $0x1  }
0x2: {  	[smem:$0x3F94] =	sst lr;
	_ =	strace $0xD0000000  }
0x3: {  	_ = 	snop  }
0x4: {  	_ = 	snop  }
0x5: {  	_ = 	snop  }
0x6: {  	_ = 	snop  }
0x7: {  	_ = 	snop  }
__scs_overlays_trampoline_lowered:
0x8: {  	[smem:$0x3FA3] =	sst s0  }
0x9: {  	[smem:$0x3FA4] =	sst s1  }
0xa: {  	[smem:$0x3FA5] =	sst s2  }
0xb: {  	[smem:$0x3FA6] =	sst s3  }
0xc: {  	[smem:$0x3FA7] =	sst s4  }
0xd: {  	[smem:$0x3FA8] =	sst s5  }
0xe: {  	[smem:$0x3FA9] =	sst s6  }
0xf: {  	[smem:$0x3FAA] =	sst s7  }
0x10: {  	[smem:$0x3FAB] =	sst s8  }
0x11: {  	[smem:$0x3FAC] =	sst s9;
	s0 =	simm.s32 @!p0 $0x0  }
0x12: {  	s1 =	sld [smem:$0x3F92];
	s0 =	simm.s32 @p0 $0x1  }
0x13: {  	[smem:$0x3FAD] =	sst s0;
	s0 =	simm.s32 @!p1 $0x0  }
0x14: {  	s2 =	sld [smem:$0x3F91];
	s0 =	simm.s32 @p1 $0x1  }
0x15: {  	[smem:$0x3FAE] =	sst s0;
	s0 =	simm.s32 @!p2 $0x0  }
0x16: {  	s3 =	sld [smem:$0x3FDB];
	s0 =	simm.s32 @p2 $0x1  }
0x17: {  	s4 =	simm.s32 $0x1BF5;
	[smem:$0x3FB0] =	sst s0  }
0x18: {  	s0 =	sld [smem:$0x3F93];
	_ =	swait.ge [sflag:s4], $0x0  }
0x19: {  	s7 =	sld [smem:$0x3F94]  }
0x1a: {  	s8 =	sadd.s32 $0xFFFFE003, lr  }
0x1b: {  	s9 =	sadd.s32 $0xFFFFFEF7, lr;
	s5 =	simm.s32 $0xFFFFFFFF;
	p2 =	slt.u32 s8, $0xFFFFF086  }
0x1c: {  	p1 =	slt.u32 s9, $0xF7A;
	s5 =	simm.s32 @!p2 $0x0  }
0x1d: {  	s5 =	simm.s32 @p1 $0x1;
	p0 =	seq.s32 s7, s2  }
0x1e: {  	s7 =	smul.u32 @!p0 $0xF7A, s2;
	p2 =	seq.s32 @!p0 s5, $0x0  }
0x1f: {  	s9 =	smul.u32 $0xF7A, s1;
	s8 =	simm.s32 @!p0 $0x1BF5;
	p2 =	por !p2, p0  }
0x20: {  	[sflag:s8] =	ssyncset.s32 @!p0 $0xFFFFF086;
	s6 =	sadd.s32 @!p0 s3, s7;
	s7 =	simm.s32 @!p0 $0x108  }
0x21: {  	s3 =	sadd.s32 s3, s9;
	s6 =	sadd.s32 @!p0 $0x88, s6;
	s7 =	simm.s32 @p2 $0x1082  }
0x22: {  	[simem:s7], [sflag:s8] =	dma.local @!p0 [hbm:s6], $0xF7A  }
0x23: {  	s9 =	sor.u32 $0xD0000000, s2;
	s6 =	simm.s32 $0x108;
	_ =	swait.ge @!p0 [sflag:s8], $0x0  }
0x24: {  	s3 =	sadd.s32 $0x88, s3;
	s6 =	simm.s32 @!p1 $0x1082;
	[sflag:s4] =	ssyncset.s32 $0xFFFFF086  }
0x25: {  	[simem:s6], [sflag:s4] =	dma.local [hbm:s3], $0xF7A  }
0x26: {  	[smem:$0x3F94] =	sst s1;
	(tag) =	ssettag s2;
	_ =	strace s9  }
0x27: {  	s1 =	sld [smem:$0x3FA4]  }
0x28: {  	s2 =	sld [smem:$0x3FA5]  }
0x29: {  	s4 =	sld [smem:$0x3FA7]  }
0x2a: {  	p0 =	seq.s32 s5, $0x0;
	s5 =	sld [smem:$0x3FA8]  }
0x2b: {  	s6 =	sld [smem:$0x3FA9]  }
0x2c: {  	s7 =	sld [smem:$0x3FAA]  }
0x2d: {  	s3 =	simm.s32 $0x108;
	s8 =	sld [smem:$0x3FAB]  }
0x2e: {  	s3 =	simm.s32 @!p0 $0x1082;
	s9 =	sld [smem:$0x3FAC]  }
0x2f: {  	lr =	sadd.s32 s0, s3;
	s0 =	sld [smem:$0x3FA3]  }
0x30: {  	s3 =	sld [smem:$0x3FA6]  }
0x31: {  	[smem:$0x3FAF] =	sst s10  }
0x32: {  	s10 =	sld [smem:$0x3FAD];
	_ =	sdelay $0x3  }
0x33: {  	p0 =	seq.s32 s10, $0x1;
	s10 =	sld [smem:$0x3FAF];
	_ =	sdelay $0x3  }
0x34: {  	[smem:$0x3FAF] =	sst s10  }
0x35: {  	s10 =	sld [smem:$0x3FAE];
	_ =	sdelay $0x3  }
0x36: {  	p1 =	seq.s32 s10, $0x1;
	s10 =	sld [smem:$0x3FAF];
	_ =	sdelay $0x3  }
0x37: {  	[smem:$0x3FAF] =	sst s10  }
0x38: {  	s10 =	sld [smem:$0x3FB0]  }
0x39: {  	_ = 	snop;
	(pc) =	sbr.ind lr, $3  }
0x3a: {  	_ = 	snop  }
0x3b: {  	_ = 	snop  }
0x3c: {  	p2 =	seq.s32 s10, $0x1;
	s10 =	sld [smem:$0x3FAF]  }
0x3d: {  	_ =	shalt  }
0x3e: {  	_ =	shalt  }
0x3f: {  	_ =	shalt  }
0x40: {  	_ =	shalt  }
0x41: {  	_ =	shalt  }
0x42: {  	_ =	shalt  }
0x43: {  	_ =	shalt  }
0x44: {  	_ =	shalt  }
0x45: {  	_ =	shalt  }
0x46: {  	_ =	shalt  }
0x47: {  	_ =	shalt  }
0x48: {  	_ =	shalt  }
0x49: {  	_ =	shalt  }
0x4a: {  	_ =	shalt  }
0x4b: {  	_ =	shalt  }
0x4c: {  	_ =	shalt  }
0x4d: {  	_ =	shalt  }
0x4e: {  	_ =	shalt  }
0x4f: {  	_ =	shalt  }
0x50: {  	_ =	shalt  }
0x51: {  	_ =	shalt  }
0x52: {  	_ =	shalt  }
0x53: {  	_ =	shalt  }
0x54: {  	_ =	shalt  }
0x55: {  	_ =	shalt  }
0x56: {  	_ =	shalt  }
0x57: {  	_ =	shalt  }
0x58: {  	_ =	shalt  }
0x59: {  	_ =	shalt  }
0x5a: {  	_ =	shalt  }
0x5b: {  	_ =	shalt  }
0x5c: {  	_ =	shalt  }
0x5d: {  	_ =	shalt  }
0x5e: {  	_ =	shalt  }
0x5f: {  	_ =	shalt  }
0x60: {  	_ =	shalt  }
0x61: {  	_ =	shalt  }
0x62: {  	_ =	shalt  }
0x63: {  	_ =	shalt  }
0x64: {  	_ =	shalt  }
0x65: {  	_ =	shalt  }
0x66: {  	_ =	shalt  }
0x67: {  	_ =	shalt  }
0x68: {  	_ =	shalt  }
0x69: {  	_ =	shalt  }
0x6a: {  	_ =	shalt  }
0x6b: {  	_ =	shalt  }
0x6c: {  	_ =	shalt  }
0x6d: {  	_ =	shalt  }
0x6e: {  	_ =	shalt  }
0x6f: {  	_ =	shalt  }
0x70: {  	_ =	shalt  }
0x71: {  	_ =	shalt  }
0x72: {  	_ =	shalt  }
0x73: {  	_ =	shalt  }
0x74: {  	_ =	shalt  }
0x75: {  	_ =	shalt  }
0x76: {  	_ =	shalt  }
0x77: {  	_ =	shalt  }
0x78: {  	_ =	shalt  }
0x79: {  	_ =	shalt  }
0x7a: {  	_ =	shalt  }
0x7b: {  	_ =	shalt  }
0x7c: {  	_ =	shalt  }
0x7d: {  	_ =	shalt  }
0x7e: {  	_ =	shalt  }
0x7f: {  	_ =	shalt  }
0x80: {  	_ =	shalt  }
0x81: {  	_ =	shalt  }
0x82: {  	_ =	shalt  }
0x83: {  	_ =	shalt  }
0x84: {  	_ =	shalt  }
0x85: {  	_ =	shalt  }
0x86: {  	_ =	shalt  }
0x87: {  	_ =	shalt  }
.Lfunc_end0:
.L_simem_size_0:
called_computation.1_lowered:
.L_overlay_start_0:
0x88: {  	s2 =	sld [smem:$0x3FD9]  }
0x89: {  	s3 =	sld [smem:$0x3FFE];
	_ =	sdelay $0x1  }
0x8a: {  	s1 =	srdreg.scid  }
0x8b: {  	s0 =	sand.u32 $0x1, s1  }
0x8c: {  	s16 =	sshll.u32 s0, $0xA;
	s2 =	sadd.s32 s3, s2  }
0x8d: {  	s2 =	sadd.s32 s2, s16  }
0x8e: {  	[smem:$0x3FBB] =	sst s2  }
0x8f: {  	_ = 	snop  }
0x90: {  	(tm) =	ssettm $0x1  }
0x91: {  	s17 =	sld [smem:$0x3FFB];
	_ =	sdelay $0x3  }
0x92: {  	_ =	strace s17  }
0x93: {  	s2 =	sld [smem:$0x3FFC];
	_ =	sdelay $0x3  }
0x94: {  	_ =	strace s2  }
0x95: {  	s2 =	sld [smem:$0x3FFD];
	_ =	sdelay $0x3  }
0x96: {  	_ =	strace s2  }
0x97: {  	_ =	strace $0x8FFFFFFF  }
0x98: {  	s18 =	sld [smem:$0x3FDB];
	_ =	sdelay $0x1  }
0x99: {  	s19 =	simm.s32 $_scs_section_size  }
0x9a: {  	s4 =	simm.s32 $_size__tile_overlayer_lowered;
	s5 =	simm.s32 $_tile_overlayer_lowered  }
0x9b: {  	s22 =	simm.s32 $0x1BFF;
	s21 =	sshll.u32 s5, $0x1;
	s2 =	sadd.s32 s19, s18  }
0x9c: {  	s6 =	simm.s32 $0x0;
	s20 =	sshll.u32 s4, $0x1;
	s4 =	sadd.s32 s21, s2  }
0x9d: {  	[timem:s6], [sflag:s22] =	dma.local [hbm:s4], s20  }
0x9e: {  	_ =	swait.ge [sflag:s22], s20  }
0x9f: {  	s3 =	ssub.s32 $0x0, s20;
	[sflag:s22] =	ssyncset.done $0x0  }
0xa0: {  	[sflag:s22] =	ssyncadd.s32 s3;
	_ =	sdelay $0x1  }
0xa1: {  	s23 =	simm.s32 $0x1B8B  }
0xa2: {  	_ =	swait.ge [sflag:s23], $0x1  }
0xa3: {  	[sflag:s23] =	ssyncset.done $0x0  }
0xa4: {  	s25 =	simm.s32 $0x1B8E;
	s24 =	sld [smem:$0x3FFE];
	[sflag:s23] =	ssyncadd.s32 $0xFFFFFFFF  }
0xa5: {  	s26 =	simm.s32 $execute0_lowered;
	[smem:$0x3FD2] =	sst s25  }
0xa6: {  	s4 =	sshll.u32 s26, $0x1;
	_ =	strace $0x80000049;
	[dreg:$0x1] =	wrdreg $0xFFFFFFFF  }
0xa7: {  	s28 =	simm.s32 $_size_execute0_lowered;
	s2 =	sadd.s32 s2, s4;
	[dreg:$0x0] =	wrdreg $0x0  }
0xa8: {  	s4 =	sshll.u32 s28, $0x1;
	[dreg:$0x2] =	wrdreg s2  }
0xa9: {  	[dreg:$0x3] =	wrdreg s4  }
0xaa: {  	[dreg:$0x4] =	wrdreg $0xC0  }
0xab: {  	_ =	task [dreg:s6], $0x5FFFF  }
0xac: {  	[dreg:$0x1] =	wrdreg $0xFFFFFFFF  }
0xad: {  	[dreg:$0x0] =	wrdreg $0x60  }
0xae: {  	[dreg:$0x2] =	wrdreg s24  }
0xaf: {  	[dreg:$0x3] =	wrdreg $0x0  }
0xb0: {  	[dreg:$0x4] =	wrdreg $0x9  }
0xb1: {  	_ =	task.clear_ibuf [dreg:s6], $0x5FFFF;
	_ =	strace $0x90000049  }
0xb2: {  	s29 =	simm.s32 $0x9;
	_ =	strace $0x8000004B  }
0xb3: {  	_ =	swait.ge [sflag:s29], $0x1  }
0xb4: {  	[sflag:s29] =	ssyncadd.s32 $0xFFFFFFFF  }
0xb5: {  	_ =	strace $0x9000004B  }
0xb6: {  	_ =	sfence  }
0xb7: {  	s30 =	sld [smem:$0x0];
	_ =	sdelay $0x2  }
0xb8: {  	s31 =	sshll.u32 s1, $0xD;
	s1 =	sshrl.u32 s1, $0x2  }
0xb9: {  	s3 =	sand.u32 $0x4000, s31;
	s1 =	sadd.s32 s1, s30  }
0xba: {  	s0 =	sor.u32 s3, s0;
	s1 =	sshll.u32 s1, $0x11  }
0xbb: {  	s0 =	sor.u32 s1, s0  }
0xbc: {  	s0 =	sadd.s32 $0x8F2B, s0  }
0xbd: {  	[sflag:s0] =	ssyncadd.remote.s32 $0x1  }
0xbe: {  	_ =	sfence.sel $0xFFFF  }
0xbf: {  	[dreg:$0x0] =	wrdreg $0xFFFFFFFF;
	(pc) =	sbr.abs _section_cstart, $3  }
0xc0: {  	[dreg:$0x1] =	wrdreg $0xFFFFFFFF  }
0xc1: {  	_ =	task.clear_ibuf [dreg:s6], $0x2FFFF;
	_ =	strace $0x9FFFFFFF  }
0xc2: {  	(tm) =	ssettm $0x7FFFFFFF  }
0xc3: {  	_ =	shalt  }
tec
execute0_lowered:
.L_overlay_start_1:
0x0: {  	(tag) =	ssettag $0x1  }
0x1: {  	s0 =	srdreg.scid  }
0x2: {  	s11 =	stileid.u32;
	s6 =	rddreg [dreg:$0x0]  }
0x3: {  	s2 =	rddreg [dreg:$0x1];
	s3 =	simm.s32 $0x0;
	s13 =	simm.s32 $0xA000  }
0x4: {  	s15 =	simm.s32 $0x1;
	s16 =	simm.s32 $0x2;
	s17 =	simm.s32 $0x3  }
0x5: {  	s18 =	simm.s32 $0x7D;
	s19 =	simm.s32 $0xF000;
	s21 =	simm.s32 $0x10F40  }
0x6: {  	s23 =	simm.s32 $0x12E80;
	s24 =	simm.s32 $0x14DC0;
	s25 =	simm.s32 $0x5  }
0x7: {  	s26 =	simm.s32 $0x4;
	s28 =	simm.s32 $0xC780;
	s29 =	simm.s32 $0xEE00  }
0x8: {  	s30 =	simm.s32 $0xEE80;
	s31 =	simm.s32 $0xEF00;
	s0 =	sand.u32 $0x1, s0  }
0x9: {  	s1 =	sshll.u32 s11, $0x1;
	s7 =	smul.u32 $0xA000, s11;
	[smem:$0x7FF] =	sst s3  }
0xa: {  	s4 =	sadd.s32 $0x16A00, s6;
	s1 =	sor.u32 s0, s1;
	s5 =	smul.u32 $0xA0000, s0  }
0xb: {  	_ =	strace $0x8000004A;
	s0 =	ssub.s32 $0x2, s0;
	s1 =	smul.u32 $0x2800, s1  }
0xc: {  	s9 =	sshrl.u32 s0, $0x1;
	s12 =	sadd.s32 s7, s2;
	s8 =	sadd.s32 s7, s5  }
0xd: {  	s5 =	sadd.s32 $0x2A400, s6;
	s0 =	ssub.s32 s0, s9;
	s1 =	sshrl.u32 s1, $0x3  }
0xe: {  	s12 =	sshrl.u32 s12, $0x3;
	s8 =	sshrl.u32 s8, $0x3;
	s1 =	sadd.s32 s1, s6  }
0xf: {  	s10 =	sadd.s32 s8, s6;
	s6 =	sshll.u32 s11, $0x6;
	s11 =	smax.u32 s0, $0x1  }
0x10: {  	s0 =	simm.s32 $0x0;
	s7 =	sor.u32 $0x1C01, s6;
	s8 =	sadd.s32 $0x2A00, s1  }
0x11: {  	s9 =	sadd.s32 $0xCA00, s1;
	s10 =	sadd.s32 $0x2B800, s10;
	s1 =	simm.s32 $0xEF80  }
.LBB2_1:
0x12: {  	[spmem:s12], [sflag:s7] =	dma.local [hbm:s5], $0x1400  }
0x13: {  	[tilespmem:s13], [sflag:$0x2] =	stream.linear.gather [hbm4b:s8+s3], $0x2800, $0x38;
	[tilespmem:$0x16D00] =	vst v63  }
0x14: {  	s14 =	simm.s32 $0xC800  }
0x15: {  	[tilespmem:s14], [sflag:$0x3] =	stream.linear.gather [hbm4b:s9+s3], $0x2800, $0x38;
	[tilespmem:$0x16D00] =	vst v63  }
0x16: {  	_ =	swait.ge [sflag:s15], $0x1400  }
0x17: {  	[sflag:s15] =	ssyncset.done $0x0  }
0x18: {  	[sflag:s15] =	ssyncadd.s32 $0xFFFFEC00  }
0x19: {  	_ =	swait.ge [sflag:s16], $0x2800  }
0x1a: {  	[sflag:s16] =	ssyncset.done $0x0  }
0x1b: {  	[sflag:s16] =	ssyncadd.s32 $0xFFFFD800  }
0x1c: {  	_ =	swait.ge [sflag:s17], $0x2800  }
0x1d: {  	[sflag:s17] =	ssyncset.done $0x0  }
0x1e: {  	[sflag:s17] =	ssyncadd.s32 $0xFFFFD800  }
0x1f: {  	[bflag:$0x0] =	sbarrier.arrive $0xFFFF  }
0x20: {  	[tilespmem:s19], [sflag:$0x1] =	stream.indirect.gather [hbm4b:s4+s18], $0x40, s13, s18, $0xb8;
	[tilespmem:$0x16D00] =	vst v63  }
0x21: {  	s20 =	simm.s32 $0xA080  }
0x22: {  	[tilespmem:s21], [sflag:$0x2] =	stream.indirect.gather [hbm4b:s4+s18], $0x40, s20, s18, $0xb8;
	[tilespmem:$0x16D00] =	vst v63  }
0x23: {  	s22 =	simm.s32 $0xA100  }
0x24: {  	[tilespmem:s23], [sflag:$0x3] =	stream.indirect.gather [hbm4b:s4+s18], $0x40, s22, s18, $0xb8;
	[tilespmem:$0x16D00] =	vst v63  }
0x25: {  	_ =	swait.ge [sflag:s15], $0x1F40  }
0x26: {  	[sflag:s15] =	ssyncset.done $0x0  }
0x27: {  	s20 =	simm.s32 $0xA180;
	[sflag:s15] =	ssyncadd.s32 $0xFFFFE0C0  }
0x28: {  	[tilespmem:s24], [sflag:$0x4] =	stream.indirect.gather [hbm4b:s4+s18], $0x40, s20, s18, $0xb8;
	[tilespmem:$0x16D00] =	vst v63  }
0x29: {  	s22 =	simm.s32 $0xC800  }
0x2a: {  	[spmem:s2] =	stream.indirect.scatter.add.f32 [tilespmem:s19], [sflag:$0x5], $0x40, s22, s18, $0xb8;
	[tilespmem:$0x16D00] =	vst v63  }
0x2b: {  	_ =	swait.ge [sflag:s25], $0x1F40  }
0x2c: {  	[sflag:s25] =	ssyncset.done $0x0  }
0x2d: {  	[sflag:s25] =	ssyncadd.s32 $0xFFFFE0C0  }
0x2e: {  	_ =	swait.ge [sflag:s16], $0x1F40  }
0x2f: {  	[sflag:s16] =	ssyncset.done $0x0  }
0x30: {  	s20 =	simm.s32 $0xA200;
	[sflag:s16] =	ssyncadd.s32 $0xFFFFE0C0  }
0x31: {  	[tilespmem:s19], [sflag:$0x1] =	stream.indirect.gather [hbm4b:s4+s18], $0x40, s20, s18, $0xb8;
	[tilespmem:$0x16D00] =	vst v63  }
0x32: {  	s22 =	simm.s32 $0xC880  }
0x33: {  	[spmem:s2] =	stream.indirect.scatter.add.f32 [tilespmem:s21], [sflag:$0x5], $0x40, s22, s18, $0xb8;
	[tilespmem:$0x16D00] =	vst v63  }
0x34: {  	_ =	swait.ge [sflag:s25], $0x1F40  }
0x35: {  	[sflag:s25] =	ssyncset.done $0x0  }
0x36: {  	[sflag:s25] =	ssyncadd.s32 $0xFFFFE0C0  }
0x37: {  	_ =	swait.ge [sflag:s17], $0x1F40  }
0x38: {  	[sflag:s17] =	ssyncset.done $0x0  }
0x39: {  	s20 =	simm.s32 $0xA280;
	[sflag:s17] =	ssyncadd.s32 $0xFFFFE0C0  }
0x3a: {  	[tilespmem:s21], [sflag:$0x2] =	stream.indirect.gather [hbm4b:s4+s18], $0x40, s20, s18, $0xb8;
	[tilespmem:$0x16D00] =	vst v63  }
0x3b: {  	s22 =	simm.s32 $0xC900  }
0x3c: {  	[spmem:s2] =	stream.indirect.scatter.add.f32 [tilespmem:s23], [sflag:$0x5], $0x40, s22, s18, $0xb8;
	[tilespmem:$0x16D00] =	vst v63  }
0x3d: {  	_ =	swait.ge [sflag:s25], $0x1F40  }
0x3e: {  	[sflag:s25] =	ssyncset.done $0x0  }
0x3f: {  	[sflag:s25] =	ssyncadd.s32 $0xFFFFE0C0  }
0x40: {  	_ =	swait.ge [sflag:s26], $0x1F40  }
0x41: {  	[sflag:s26] =	ssyncset.done $0x0  }
0x42: {  	s20 =	simm.s32 $0xA300;
	[sflag:s26] =	ssyncadd.s32 $0xFFFFE0C0  }
0x43: {  	[tilespmem:s23], [sflag:$0x3] =	stream.indirect.gather [hbm4b:s4+s18], $0x40, s20, s18, $0xb8;
	[tilespmem:$0x16D00] =	vst v63  }
0x44: {  	s22 =	simm.s32 $0xC980  }
0x45: {  	[spmem:s2] =	stream.indirect.scatter.add.f32 [tilespmem:s24], [sflag:$0x5], $0x40, s22, s18, $0xb8;
	[tilespmem:$0x16D00] =	vst v63  }
0x46: {  	_ =	swait.ge [sflag:s25], $0x1F40  }
0x47: {  	s14 =	simm.s32 $0x800;
	[sflag:s25] =	ssyncset.done $0x0  }
.LBB2_2:
0x48: {  	p0 =	sne.s32 s14, $0x9000  }
0x49: {  	[sflag:s25] =	ssyncadd.s32 $0xFFFFE0C0;
	s20 =	smov.u32 s14;
	s14 =	sadd.s32 $0x800, s14  }
0x4a: {  	_ = 	snop  }
0x4b: {  	_ =	swait.ge [sflag:s15], $0x1F40  }
0x4c: {  	s20 =	sshra.s32 s20, $0x2;
	[sflag:s15] =	ssyncset.done $0x0  }
0x4d: {  	s22 =	sadd.s32 $0xA180, s20;
	[sflag:s15] =	ssyncadd.s32 $0xFFFFE0C0  }
0x4e: {  	[tilespmem:s24], [sflag:$0x4] =	stream.indirect.gather [hbm4b:s4+s18], $0x40, s22, s18, $0xb8;
	[tilespmem:$0x16D00] =	vst v63  }
0x4f: {  	s22 =	sadd.s32 $0xC800, s20  }
0x50: {  	[spmem:s2] =	stream.indirect.scatter.add.f32 [tilespmem:s19], [sflag:$0x5], $0x40, s22, s18, $0xb8;
	[tilespmem:$0x16D00] =	vst v63  }
0x51: {  	_ =	swait.ge [sflag:s25], $0x1F40  }
0x52: {  	[sflag:s25] =	ssyncset.done $0x0  }
0x53: {  	[sflag:s25] =	ssyncadd.s32 $0xFFFFE0C0  }
0x54: {  	_ =	swait.ge [sflag:s16], $0x1F40  }
0x55: {  	[sflag:s16] =	ssyncset.done $0x0  }
0x56: {  	s22 =	sadd.s32 $0xA200, s20;
	[sflag:s16] =	ssyncadd.s32 $0xFFFFE0C0  }
0x57: {  	[tilespmem:s19], [sflag:$0x1] =	stream.indirect.gather [hbm4b:s4+s18], $0x40, s22, s18, $0xb8;
	[tilespmem:$0x16D00] =	vst v63  }
0x58: {  	s22 =	sadd.s32 $0xC880, s20  }
0x59: {  	[spmem:s2] =	stream.indirect.scatter.add.f32 [tilespmem:s21], [sflag:$0x5], $0x40, s22, s18, $0xb8;
	[tilespmem:$0x16D00] =	vst v63  }
0x5a: {  	_ =	swait.ge [sflag:s25], $0x1F40  }
0x5b: {  	[sflag:s25] =	ssyncset.done $0x0  }
0x5c: {  	[sflag:s25] =	ssyncadd.s32 $0xFFFFE0C0  }
0x5d: {  	_ =	swait.ge [sflag:s17], $0x1F40  }
0x5e: {  	[sflag:s17] =	ssyncset.done $0x0  }
0x5f: {  	s22 =	sadd.s32 $0xA280, s20;
	[sflag:s17] =	ssyncadd.s32 $0xFFFFE0C0  }
0x60: {  	[tilespmem:s21], [sflag:$0x2] =	stream.indirect.gather [hbm4b:s4+s18], $0x40, s22, s18, $0xb8;
	[tilespmem:$0x16D00] =	vst v63  }
0x61: {  	s22 =	sadd.s32 $0xC900, s20  }
0x62: {  	[spmem:s2] =	stream.indirect.scatter.add.f32 [tilespmem:s23], [sflag:$0x5], $0x40, s22, s18, $0xb8;
	[tilespmem:$0x16D00] =	vst v63  }
0x63: {  	_ =	swait.ge [sflag:s25], $0x1F40  }
0x64: {  	[sflag:s25] =	ssyncset.done $0x0  }
0x65: {  	[sflag:s25] =	ssyncadd.s32 $0xFFFFE0C0  }
0x66: {  	_ =	swait.ge [sflag:s26], $0x1F40  }
0x67: {  	[sflag:s26] =	ssyncset.done $0x0  }
0x68: {  	s22 =	sadd.s32 $0xA300, s20;
	[sflag:s26] =	ssyncadd.s32 $0xFFFFE0C0  }
0x69: {  	[tilespmem:s23], [sflag:$0x3] =	stream.indirect.gather [hbm4b:s4+s18], $0x40, s22, s18, $0xb8;
	[tilespmem:$0x16D00] =	vst v63  }
.Ltmp0:
0x6a: {  	_ = 	snop;
	(pc) =	sbr.rel @p0 .LBB2_2-.Ltmp0, $4  }
0x6b: {  	s20 =	sadd.s32 $0xC980, s20  }
0x6c: {  	[spmem:s2] =	stream.indirect.scatter.add.f32 [tilespmem:s24], [sflag:$0x5], $0x40, s20, s18, $0xb8;
	[tilespmem:$0x16D00] =	vst v63  }
0x6d: {  	_ =	swait.ge [sflag:s25], $0x1F40  }
0x6e: {  	[sflag:s25] =	ssyncset.done $0x0  }
0x6f: {  	[sflag:s25] =	ssyncadd.s32 $0xFFFFE0C0  }
0x70: {  	_ =	swait.ge [sflag:s15], $0x1F40  }
0x71: {  	[sflag:s15] =	ssyncset.done $0x0  }
0x72: {  	[sflag:s15] =	ssyncadd.s32 $0xFFFFE0C0  }
0x73: {  	[tilespmem:s24], [sflag:$0x4] =	stream.indirect.gather [hbm4b:s4+s18], $0x40, s28, s18, $0xb8;
	[tilespmem:$0x16D00] =	vst v63  }
0x74: {  	_ = 	snop  }
0x75: {  	[spmem:s2] =	stream.indirect.scatter.add.f32 [tilespmem:s19], [sflag:$0x5], $0x40, s29, s18, $0xb8;
	[tilespmem:$0x16D00] =	vst v63  }
0x76: {  	_ =	swait.ge [sflag:s25], $0x1F40  }
0x77: {  	[sflag:s25] =	ssyncset.done $0x0  }
0x78: {  	[sflag:s25] =	ssyncadd.s32 $0xFFFFE0C0  }
0x79: {  	_ =	swait.ge [sflag:s16], $0x1F40  }
0x7a: {  	[sflag:s16] =	ssyncset.done $0x0  }
0x7b: {  	[sflag:s16] =	ssyncadd.s32 $0xFFFFE0C0  }
0x7c: {  	[spmem:s2] =	stream.indirect.scatter.add.f32 [tilespmem:s21], [sflag:$0x5], $0x40, s30, s18, $0xb8;
	[tilespmem:$0x16D00] =	vst v63  }
0x7d: {  	_ =	swait.ge [sflag:s25], $0x1F40  }
0x7e: {  	[sflag:s25] =	ssyncset.done $0x0  }
0x7f: {  	[sflag:s25] =	ssyncadd.s32 $0xFFFFE0C0  }
0x80: {  	_ =	swait.ge [sflag:s17], $0x1F40  }
0x81: {  	[sflag:s17] =	ssyncset.done $0x0  }
0x82: {  	[sflag:s17] =	ssyncadd.s32 $0xFFFFE0C0  }
0x83: {  	[spmem:s2] =	stream.indirect.scatter.add.f32 [tilespmem:s23], [sflag:$0x5], $0x40, s31, s18, $0xb8;
	[tilespmem:$0x16D00] =	vst v63  }
0x84: {  	_ =	swait.ge [sflag:s25], $0x1F40  }
0x85: {  	[sflag:s25] =	ssyncset.done $0x0  }
0x86: {  	[sflag:s25] =	ssyncadd.s32 $0xFFFFE0C0  }
0x87: {  	_ =	swait.ge [sflag:s26], $0x1F40  }
0x88: {  	[sflag:s26] =	ssyncset.done $0x0  }
0x89: {  	[sflag:s26] =	ssyncadd.s32 $0xFFFFE0C0  }
0x8a: {  	[spmem:s2] =	stream.indirect.scatter.add.f32 [tilespmem:s24], [sflag:$0x5], $0x40, s1, s18, $0xb8;
	[tilespmem:$0x16D00] =	vst v63  }
0x8b: {  	_ =	swait.ge [sflag:s25], $0x1F40  }
0x8c: {  	s0 =	sadd.s32 $0x1, s0;
	[sflag:s25] =	ssyncset.done $0x0  }
0x8d: {  	p0 =	sne.s32 s0, s11;
	[sflag:s25] =	ssyncadd.s32 $0xFFFFE0C0  }
.Ltmp1:
0x8e: {  	s14 =	sor.u32 $0x1C05, s6;
	[bflag:$0x0] =	sbarrier.arrive $0xFFFF;
	(pc) =	sbr.rel @p0 .LBB2_1-.Ltmp1, $4  }
0x8f: {  	[hbm:s10], [sflag:s14] =	dma.local [spmem:s12], $0x1400  }
0x90: {  	_ =	swait.ge [sflag:s25], $0x1400  }
0x91: {  	[sflag:s25] =	ssyncset.done $0x0  }
0x92: {  	[sflag:s25] =	ssyncadd.s32 $0xFFFFEC00  }
0x93: {  	_ =	sfence.sel $0x180000  }
0x94: {  	[bflag:$0x0] =	sbarrier.arrive $0xFFFF  }
0x95: {  	_ =	strace $0x9000004A  }
0x96: {  	s0 =	stileid.u32;
	[bflag:$0x2] =	sbarrier.arrive $0xFFFF  }
0x97: {  	p0 =	sne.s32 s0, $0x0;
	s0 =	rddreg [dreg:$0x2]  }
0x98: {  	s0 =	sadd.s32 @!p0 $0x100000, s0  }
0x99: {  	[sflag:s0] =	ssyncadd.tile.s32 @!p0 $0x1;
	_ =	shalt  }
.Lfunc_end2:
_tile_overlayer_lowered:
.L_overlay_start_2:
0x9a: {  	(tag) =	ssettag $0x2  }
0x9b: {  	s0 =	rddreg [dreg:$0x0];
	s2 =	stileid.u32  }
0x9c: {  	s1 =	rddreg [dreg:$0x1];
	p0 =	sne.s32 s2, $0x0  }
0x9d: {  	s3 =	rddreg [dreg:$0x2];
	[bflag:$0x3] =	sbarrier.arrive $0xFFFF;
	s2 =	simm.s32 @!p0 $0x1C05  }
0x9e: {  	[timem:s3], [sflag:s2] =	dma.local @!p0 [hbm:s0], s1  }
0x9f: {  	s0 =	simm.s32 @!p0 $0x5  }
0xa0: {  	_ =	swait.ge @!p0 [sflag:s0], s1  }
0xa1: {  	s1 =	ssub.s32 @!p0 $0x0, s1;
	[sflag:s0] =	ssyncset.done @!p0 $0x0  }
0xa2: {  	[sflag:s0] =	ssyncadd.s32 @!p0 s1  }
0xa3: {  	[bflag:$0x3] =	sbarrier.arrive $0xFFFF  }
0xa4: {  	_ =	shalt  }

// kernel: kernel.15.cloned.1.call-start
scs
__scs_entry_jumppad:
0x0: {  	(pc) =	sbr.rel $0x88, $3  }
0x1: {  	(tag) =	ssettag $0x0;
	lr =	simm.s32 $0x1  }
0x2: {  	[smem:$0x3F94] =	sst lr;
	_ =	strace $0xD0000000  }
0x3: {  	_ = 	snop  }
0x4: {  	_ = 	snop  }
0x5: {  	_ = 	snop  }
0x6: {  	_ = 	snop  }
0x7: {  	_ = 	snop  }
__scs_overlays_trampoline_lowered:
0x8: {  	[smem:$0x3FA3] =	sst s0  }
0x9: {  	[smem:$0x3FA4] =	sst s1  }
0xa: {  	[smem:$0x3FA5] =	sst s2  }
0xb: {  	[smem:$0x3FA6] =	sst s3  }
0xc: {  	[smem:$0x3FA7] =	sst s4  }
0xd: {  	[smem:$0x3FA8] =	sst s5  }
0xe: {  	[smem:$0x3FA9] =	sst s6  }
0xf: {  	[smem:$0x3FAA] =	sst s7  }
0x10: {  	[smem:$0x3FAB] =	sst s8  }
0x11: {  	[smem:$0x3FAC] =	sst s9;
	s0 =	simm.s32 @!p0 $0x0  }
0x12: {  	s1 =	sld [smem:$0x3F92];
	s0 =	simm.s32 @p0 $0x1  }
0x13: {  	[smem:$0x3FAD] =	sst s0;
	s0 =	simm.s32 @!p1 $0x0  }
0x14: {  	s2 =	sld [smem:$0x3F91];
	s0 =	simm.s32 @p1 $0x1  }
0x15: {  	[smem:$0x3FAE] =	sst s0;
	s0 =	simm.s32 @!p2 $0x0  }
0x16: {  	s3 =	sld [smem:$0x3FDB];
	s0 =	simm.s32 @p2 $0x1  }
0x17: {  	s4 =	simm.s32 $0x1BF5;
	[smem:$0x3FB0] =	sst s0  }
0x18: {  	s0 =	sld [smem:$0x3F93];
	_ =	swait.ge [sflag:s4], $0x0  }
0x19: {  	s7 =	sld [smem:$0x3F94]  }
0x1a: {  	s8 =	sadd.s32 $0xFFFFE003, lr  }
0x1b: {  	s9 =	sadd.s32 $0xFFFFFEF7, lr;
	s5 =	simm.s32 $0xFFFFFFFF;
	p2 =	slt.u32 s8, $0xFFFFF086  }
0x1c: {  	p1 =	slt.u32 s9, $0xF7A;
	s5 =	simm.s32 @!p2 $0x0  }
0x1d: {  	s5 =	simm.s32 @p1 $0x1;
	p0 =	seq.s32 s7, s2  }
0x1e: {  	s7 =	smul.u32 @!p0 $0xF7A, s2;
	p2 =	seq.s32 @!p0 s5, $0x0  }
0x1f: {  	s9 =	smul.u32 $0xF7A, s1;
	s8 =	simm.s32 @!p0 $0x1BF5;
	p2 =	por !p2, p0  }
0x20: {  	[sflag:s8] =	ssyncset.s32 @!p0 $0xFFFFF086;
	s6 =	sadd.s32 @!p0 s3, s7;
	s7 =	simm.s32 @!p0 $0x108  }
0x21: {  	s3 =	sadd.s32 s3, s9;
	s6 =	sadd.s32 @!p0 $0x88, s6;
	s7 =	simm.s32 @p2 $0x1082  }
0x22: {  	[simem:s7], [sflag:s8] =	dma.local @!p0 [hbm:s6], $0xF7A  }
0x23: {  	s9 =	sor.u32 $0xD0000000, s2;
	s6 =	simm.s32 $0x108;
	_ =	swait.ge @!p0 [sflag:s8], $0x0  }
0x24: {  	s3 =	sadd.s32 $0x88, s3;
	s6 =	simm.s32 @!p1 $0x1082;
	[sflag:s4] =	ssyncset.s32 $0xFFFFF086  }
0x25: {  	[simem:s6], [sflag:s4] =	dma.local [hbm:s3], $0xF7A  }
0x26: {  	[smem:$0x3F94] =	sst s1;
	(tag) =	ssettag s2;
	_ =	strace s9  }
0x27: {  	s1 =	sld [smem:$0x3FA4]  }
0x28: {  	s2 =	sld [smem:$0x3FA5]  }
0x29: {  	s4 =	sld [smem:$0x3FA7]  }
0x2a: {  	p0 =	seq.s32 s5, $0x0;
	s5 =	sld [smem:$0x3FA8]  }
0x2b: {  	s6 =	sld [smem:$0x3FA9]  }
0x2c: {  	s7 =	sld [smem:$0x3FAA]  }
0x2d: {  	s3 =	simm.s32 $0x108;
	s8 =	sld [smem:$0x3FAB]  }
0x2e: {  	s3 =	simm.s32 @!p0 $0x1082;
	s9 =	sld [smem:$0x3FAC]  }
0x2f: {  	lr =	sadd.s32 s0, s3;
	s0 =	sld [smem:$0x3FA3]  }
0x30: {  	s3 =	sld [smem:$0x3FA6]  }
0x31: {  	[smem:$0x3FAF] =	sst s10  }
0x32: {  	s10 =	sld [smem:$0x3FAD];
	_ =	sdelay $0x3  }
0x33: {  	p0 =	seq.s32 s10, $0x1;
	s10 =	sld [smem:$0x3FAF];
	_ =	sdelay $0x3  }
0x34: {  	[smem:$0x3FAF] =	sst s10  }
0x35: {  	s10 =	sld [smem:$0x3FAE];
	_ =	sdelay $0x3  }
0x36: {  	p1 =	seq.s32 s10, $0x1;
	s10 =	sld [smem:$0x3FAF];
	_ =	sdelay $0x3  }
0x37: {  	[smem:$0x3FAF] =	sst s10  }
0x38: {  	s10 =	sld [smem:$0x3FB0]  }
0x39: {  	_ = 	snop;
	(pc) =	sbr.ind lr, $3  }
0x3a: {  	_ = 	snop  }
0x3b: {  	_ = 	snop  }
0x3c: {  	p2 =	seq.s32 s10, $0x1;
	s10 =	sld [smem:$0x3FAF]  }
0x3d: {  	_ =	shalt  }
0x3e: {  	_ =	shalt  }
0x3f: {  	_ =	shalt  }
0x40: {  	_ =	shalt  }
0x41: {  	_ =	shalt  }
0x42: {  	_ =	shalt  }
0x43: {  	_ =	shalt  }
0x44: {  	_ =	shalt  }
0x45: {  	_ =	shalt  }
0x46: {  	_ =	shalt  }
0x47: {  	_ =	shalt  }
0x48: {  	_ =	shalt  }
0x49: {  	_ =	shalt  }
0x4a: {  	_ =	shalt  }
0x4b: {  	_ =	shalt  }
0x4c: {  	_ =	shalt  }
0x4d: {  	_ =	shalt  }
0x4e: {  	_ =	shalt  }
0x4f: {  	_ =	shalt  }
0x50: {  	_ =	shalt  }
0x51: {  	_ =	shalt  }
0x52: {  	_ =	shalt  }
0x53: {  	_ =	shalt  }
0x54: {  	_ =	shalt  }
0x55: {  	_ =	shalt  }
0x56: {  	_ =	shalt  }
0x57: {  	_ =	shalt  }
0x58: {  	_ =	shalt  }
0x59: {  	_ =	shalt  }
0x5a: {  	_ =	shalt  }
0x5b: {  	_ =	shalt  }
0x5c: {  	_ =	shalt  }
0x5d: {  	_ =	shalt  }
0x5e: {  	_ =	shalt  }
0x5f: {  	_ =	shalt  }
0x60: {  	_ =	shalt  }
0x61: {  	_ =	shalt  }
0x62: {  	_ =	shalt  }
0x63: {  	_ =	shalt  }
0x64: {  	_ =	shalt  }
0x65: {  	_ =	shalt  }
0x66: {  	_ =	shalt  }
0x67: {  	_ =	shalt  }
0x68: {  	_ =	shalt  }
0x69: {  	_ =	shalt  }
0x6a: {  	_ =	shalt  }
0x6b: {  	_ =	shalt  }
0x6c: {  	_ =	shalt  }
0x6d: {  	_ =	shalt  }
0x6e: {  	_ =	shalt  }
0x6f: {  	_ =	shalt  }
0x70: {  	_ =	shalt  }
0x71: {  	_ =	shalt  }
0x72: {  	_ =	shalt  }
0x73: {  	_ =	shalt  }
0x74: {  	_ =	shalt  }
0x75: {  	_ =	shalt  }
0x76: {  	_ =	shalt  }
0x77: {  	_ =	shalt  }
0x78: {  	_ =	shalt  }
0x79: {  	_ =	shalt  }
0x7a: {  	_ =	shalt  }
0x7b: {  	_ =	shalt  }
0x7c: {  	_ =	shalt  }
0x7d: {  	_ =	shalt  }
0x7e: {  	_ =	shalt  }
0x7f: {  	_ =	shalt  }
0x80: {  	_ =	shalt  }
0x81: {  	_ =	shalt  }
0x82: {  	_ =	shalt  }
0x83: {  	_ =	shalt  }
0x84: {  	_ =	shalt  }
0x85: {  	_ =	shalt  }
0x86: {  	_ =	shalt  }
0x87: {  	_ =	shalt  }
.Lfunc_end0:
.L_simem_size_0:
called_computation.2_lowered:
.L_overlay_start_0:
0x88: {  	s2 =	sld [smem:$0x3FD9]  }
0x89: {  	s3 =	sld [smem:$0x3FFE];
	_ =	sdelay $0x1  }
0x8a: {  	s1 =	srdreg.scid  }
0x8b: {  	s0 =	sand.u32 $0x1, s1  }
0x8c: {  	s16 =	sshll.u32 s0, $0xA;
	s2 =	sadd.s32 s3, s2  }
0x8d: {  	s2 =	sadd.s32 s2, s16  }
0x8e: {  	[smem:$0x3FBB] =	sst s2  }
0x8f: {  	_ = 	snop  }
0x90: {  	(tm) =	ssettm $0x1  }
0x91: {  	s17 =	sld [smem:$0x3FFB];
	_ =	sdelay $0x3  }
0x92: {  	_ =	strace s17  }
0x93: {  	s2 =	sld [smem:$0x3FFC];
	_ =	sdelay $0x3  }
0x94: {  	_ =	strace s2  }
0x95: {  	s2 =	sld [smem:$0x3FFD];
	_ =	sdelay $0x3  }
0x96: {  	_ =	strace s2  }
0x97: {  	_ =	strace $0x8FFFFFFF  }
0x98: {  	s18 =	sld [smem:$0x3FDB];
	_ =	sdelay $0x1  }
0x99: {  	s19 =	simm.s32 $_scs_section_size  }
0x9a: {  	s4 =	simm.s32 $_size__tile_overlayer_lowered;
	s5 =	simm.s32 $_tile_overlayer_lowered  }
0x9b: {  	s22 =	simm.s32 $0x1BFF;
	s21 =	sshll.u32 s5, $0x1;
	s2 =	sadd.s32 s19, s18  }
0x9c: {  	s6 =	simm.s32 $0x0;
	s20 =	sshll.u32 s4, $0x1;
	s4 =	sadd.s32 s21, s2  }
0x9d: {  	[timem:s6], [sflag:s22] =	dma.local [hbm:s4], s20  }
0x9e: {  	_ =	swait.ge [sflag:s22], s20  }
0x9f: {  	s3 =	ssub.s32 $0x0, s20;
	[sflag:s22] =	ssyncset.done $0x0  }
0xa0: {  	[sflag:s22] =	ssyncadd.s32 s3;
	_ =	sdelay $0x1  }
0xa1: {  	s23 =	simm.s32 $0x1B8B  }
0xa2: {  	_ =	swait.ge [sflag:s23], $0x1  }
0xa3: {  	[sflag:s23] =	ssyncset.done $0x0  }
0xa4: {  	s25 =	simm.s32 $0x1B8E;
	s24 =	sld [smem:$0x3FFE];
	[sflag:s23] =	ssyncadd.s32 $0xFFFFFFFF  }
0xa5: {  	s26 =	simm.s32 $execute0_lowered;
	[smem:$0x3FD2] =	sst s25  }
0xa6: {  	s4 =	sshll.u32 s26, $0x1;
	_ =	strace $0x8000004C;
	[dreg:$0x1] =	wrdreg $0xFFFFFFFF  }
0xa7: {  	s28 =	simm.s32 $_size_execute0_lowered;
	s2 =	sadd.s32 s2, s4;
	[dreg:$0x0] =	wrdreg $0x0  }
0xa8: {  	s4 =	sshll.u32 s28, $0x1;
	[dreg:$0x2] =	wrdreg s2  }
0xa9: {  	[dreg:$0x3] =	wrdreg s4  }
0xaa: {  	[dreg:$0x4] =	wrdreg $0xC0  }
0xab: {  	_ =	task [dreg:s6], $0x5FFFF  }
0xac: {  	[dreg:$0x1] =	wrdreg $0xFFFFFFFF  }
0xad: {  	[dreg:$0x0] =	wrdreg $0x60  }
0xae: {  	[dreg:$0x2] =	wrdreg s24  }
0xaf: {  	[dreg:$0x3] =	wrdreg $0x0  }
0xb0: {  	[dreg:$0x4] =	wrdreg $0x9  }
0xb1: {  	_ =	task.clear_ibuf [dreg:s6], $0x5FFFF;
	_ =	strace $0x9000004C  }
0xb2: {  	s29 =	simm.s32 $0x9;
	_ =	strace $0x8000004E  }
0xb3: {  	_ =	swait.ge [sflag:s29], $0x1  }
0xb4: {  	[sflag:s29] =	ssyncadd.s32 $0xFFFFFFFF  }
0xb5: {  	_ =	strace $0x9000004E  }
0xb6: {  	_ =	sfence  }
0xb7: {  	s30 =	sld [smem:$0x0];
	_ =	sdelay $0x2  }
0xb8: {  	s31 =	sshll.u32 s1, $0xD;
	s1 =	sshrl.u32 s1, $0x2  }
0xb9: {  	s3 =	sand.u32 $0x4000, s31;
	s1 =	sadd.s32 s1, s30  }
0xba: {  	s0 =	sor.u32 s3, s0;
	s1 =	sshll.u32 s1, $0x11  }
0xbb: {  	s0 =	sor.u32 s1, s0  }
0xbc: {  	s0 =	sadd.s32 $0x8F2B, s0  }
0xbd: {  	[sflag:s0] =	ssyncadd.remote.s32 $0x1  }
0xbe: {  	_ =	sfence.sel $0xFFFF  }
0xbf: {  	[dreg:$0x0] =	wrdreg $0xFFFFFFFF;
	(pc) =	sbr.abs _section_cstart, $3  }
0xc0: {  	[dreg:$0x1] =	wrdreg $0xFFFFFFFF  }
0xc1: {  	_ =	task.clear_ibuf [dreg:s6], $0x2FFFF;
	_ =	strace $0x9FFFFFFF  }
0xc2: {  	(tm) =	ssettm $0x7FFFFFFF  }
0xc3: {  	_ =	shalt  }
tec
execute0_lowered:
.L_overlay_start_1:
0x0: {  	(tag) =	ssettag $0x1  }
0x1: {  	s0 =	srdreg.scid  }
0x2: {  	s11 =	stileid.u32;
	s6 =	rddreg [dreg:$0x0]  }
0x3: {  	s2 =	rddreg [dreg:$0x1];
	s3 =	simm.s32 $0x0;
	s13 =	simm.s32 $0xA000  }
0x4: {  	s15 =	simm.s32 $0x1;
	s16 =	simm.s32 $0x2;
	s17 =	simm.s32 $0x3  }
0x5: {  	s18 =	simm.s32 $0x7D;
	s19 =	simm.s32 $0xF000;
	s21 =	simm.s32 $0x10F40  }
0x6: {  	s23 =	simm.s32 $0x12E80;
	s24 =	simm.s32 $0x14DC0;
	s25 =	simm.s32 $0x5  }
0x7: {  	s26 =	simm.s32 $0x4;
	s28 =	simm.s32 $0xC780;
	s29 =	simm.s32 $0xEE00  }
0x8: {  	s30 =	simm.s32 $0xEE80;
	s31 =	simm.s32 $0xEF00;
	s0 =	sand.u32 $0x1, s0  }
0x9: {  	s1 =	sshll.u32 s11, $0x1;
	s7 =	smul.u32 $0xA000, s11;
	[smem:$0x7FF] =	sst s3  }
0xa: {  	s4 =	sadd.s32 $0x16A00, s6;
	s1 =	sor.u32 s0, s1;
	s5 =	smul.u32 $0xA0000, s0  }
0xb: {  	_ =	strace $0x8000004D;
	s0 =	ssub.s32 $0x2, s0;
	s1 =	smul.u32 $0x2800, s1  }
0xc: {  	s9 =	sshrl.u32 s0, $0x1;
	s12 =	sadd.s32 s7, s2;
	s8 =	sadd.s32 s7, s5  }
0xd: {  	s5 =	sadd.s32 $0x2A400, s6;
	s0 =	ssub.s32 s0, s9;
	s1 =	sshrl.u32 s1, $0x3  }
0xe: {  	s12 =	sshrl.u32 s12, $0x3;
	s8 =	sshrl.u32 s8, $0x3;
	s1 =	sadd.s32 s1, s6  }
0xf: {  	s10 =	sadd.s32 s8, s6;
	s6 =	sshll.u32 s11, $0x6;
	s11 =	smax.u32 s0, $0x1  }
0x10: {  	s0 =	simm.s32 $0x0;
	s7 =	sor.u32 $0x1C01, s6;
	s8 =	sadd.s32 $0x2A00, s1  }
0x11: {  	s9 =	sadd.s32 $0xCA00, s1;
	s10 =	sadd.s32 $0x2B800, s10;
	s1 =	simm.s32 $0xEF80  }
.LBB2_1:
0x12: {  	[spmem:s12], [sflag:s7] =	dma.local [hbm:s5], $0x1400  }
0x13: {  	[tilespmem:s13], [sflag:$0x2] =	stream.linear.gather [hbm4b:s8+s3], $0x2800, $0x38;
	[tilespmem:$0x16D00] =	vst v63  }
0x14: {  	s14 =	simm.s32 $0xC800  }
0x15: {  	[tilespmem:s14], [sflag:$0x3] =	stream.linear.gather [hbm4b:s9+s3], $0x2800, $0x38;
	[tilespmem:$0x16D00] =	vst v63  }
0x16: {  	_ =	swait.ge [sflag:s15], $0x1400  }
0x17: {  	[sflag:s15] =	ssyncset.done $0x0  }
0x18: {  	[sflag:s15] =	ssyncadd.s32 $0xFFFFEC00  }
0x19: {  	_ =	swait.ge [sflag:s16], $0x2800  }
0x1a: {  	[sflag:s16] =	ssyncset.done $0x0  }
0x1b: {  	[sflag:s16] =	ssyncadd.s32 $0xFFFFD800  }
0x1c: {  	_ =	swait.ge [sflag:s17], $0x2800  }
0x1d: {  	[sflag:s17] =	ssyncset.done $0x0  }
0x1e: {  	[sflag:s17] =	ssyncadd.s32 $0xFFFFD800  }
0x1f: {  	[bflag:$0x0] =	sbarrier.arrive $0xFFFF  }
0x20: {  	[tilespmem:s19], [sflag:$0x1] =	stream.indirect.gather [hbm4b:s4+s18], $0x40, s13, s18, $0xb8;
	[tilespmem:$0x16D00] =	vst v63  }
0x21: {  	s20 =	simm.s32 $0xA080  }
0x22: {  	[tilespmem:s21], [sflag:$0x2] =	stream.indirect.gather [hbm4b:s4+s18], $0x40, s20, s18, $0xb8;
	[tilespmem:$0x16D00] =	vst v63  }
0x23: {  	s22 =	simm.s32 $0xA100  }
0x24: {  	[tilespmem:s23], [sflag:$0x3] =	stream.indirect.gather [hbm4b:s4+s18], $0x40, s22, s18, $0xb8;
	[tilespmem:$0x16D00] =	vst v63  }
0x25: {  	_ =	swait.ge [sflag:s15], $0x1F40  }
0x26: {  	[sflag:s15] =	ssyncset.done $0x0  }
0x27: {  	s20 =	simm.s32 $0xA180;
	[sflag:s15] =	ssyncadd.s32 $0xFFFFE0C0  }
0x28: {  	[tilespmem:s24], [sflag:$0x4] =	stream.indirect.gather [hbm4b:s4+s18], $0x40, s20, s18, $0xb8;
	[tilespmem:$0x16D00] =	vst v63  }
0x29: {  	s22 =	simm.s32 $0xC800  }
0x2a: {  	[spmem:s2] =	stream.indirect.scatter.add.f32 [tilespmem:s19], [sflag:$0x5], $0x40, s22, s18, $0xb8;
	[tilespmem:$0x16D00] =	vst v63  }
0x2b: {  	_ =	swait.ge [sflag:s25], $0x1F40  }
0x2c: {  	[sflag:s25] =	ssyncset.done $0x0  }
0x2d: {  	[sflag:s25] =	ssyncadd.s32 $0xFFFFE0C0  }
0x2e: {  	_ =	swait.ge [sflag:s16], $0x1F40  }
0x2f: {  	[sflag:s16] =	ssyncset.done $0x0  }
0x30: {  	s20 =	simm.s32 $0xA200;
	[sflag:s16] =	ssyncadd.s32 $0xFFFFE0C0  }
0x31: {  	[tilespmem:s19], [sflag:$0x1] =	stream.indirect.gather [hbm4b:s4+s18], $0x40, s20, s18, $0xb8;
	[tilespmem:$0x16D00] =	vst v63  }
0x32: {  	s22 =	simm.s32 $0xC880  }
0x33: {  	[spmem:s2] =	stream.indirect.scatter.add.f32 [tilespmem:s21], [sflag:$0x5], $0x40, s22, s18, $0xb8;
	[tilespmem:$0x16D00] =	vst v63  }
0x34: {  	_ =	swait.ge [sflag:s25], $0x1F40  }
0x35: {  	[sflag:s25] =	ssyncset.done $0x0  }
0x36: {  	[sflag:s25] =	ssyncadd.s32 $0xFFFFE0C0  }
0x37: {  	_ =	swait.ge [sflag:s17], $0x1F40  }
0x38: {  	[sflag:s17] =	ssyncset.done $0x0  }
0x39: {  	s20 =	simm.s32 $0xA280;
	[sflag:s17] =	ssyncadd.s32 $0xFFFFE0C0  }
0x3a: {  	[tilespmem:s21], [sflag:$0x2] =	stream.indirect.gather [hbm4b:s4+s18], $0x40, s20, s18, $0xb8;
	[tilespmem:$0x16D00] =	vst v63  }
0x3b: {  	s22 =	simm.s32 $0xC900  }
0x3c: {  	[spmem:s2] =	stream.indirect.scatter.add.f32 [tilespmem:s23], [sflag:$0x5], $0x40, s22, s18, $0xb8;
	[tilespmem:$0x16D00] =	vst v63  }
0x3d: {  	_ =	swait.ge [sflag:s25], $0x1F40  }
0x3e: {  	[sflag:s25] =	ssyncset.done $0x0  }
0x3f: {  	[sflag:s25] =	ssyncadd.s32 $0xFFFFE0C0  }
0x40: {  	_ =	swait.ge [sflag:s26], $0x1F40  }
0x41: {  	[sflag:s26] =	ssyncset.done $0x0  }
0x42: {  	s20 =	simm.s32 $0xA300;
	[sflag:s26] =	ssyncadd.s32 $0xFFFFE0C0  }
0x43: {  	[tilespmem:s23], [sflag:$0x3] =	stream.indirect.gather [hbm4b:s4+s18], $0x40, s20, s18, $0xb8;
	[tilespmem:$0x16D00] =	vst v63  }
0x44: {  	s22 =	simm.s32 $0xC980  }
0x45: {  	[spmem:s2] =	stream.indirect.scatter.add.f32 [tilespmem:s24], [sflag:$0x5], $0x40, s22, s18, $0xb8;
	[tilespmem:$0x16D00] =	vst v63  }
0x46: {  	_ =	swait.ge [sflag:s25], $0x1F40  }
0x47: {  	s14 =	simm.s32 $0x800;
	[sflag:s25] =	ssyncset.done $0x0  }
.LBB2_2:
0x48: {  	p0 =	sne.s32 s14, $0x9000  }
0x49: {  	[sflag:s25] =	ssyncadd.s32 $0xFFFFE0C0;
	s20 =	smov.u32 s14;
	s14 =	sadd.s32 $0x800, s14  }
0x4a: {  	_ = 	snop  }
0x4b: {  	_ =	swait.ge [sflag:s15], $0x1F40  }
0x4c: {  	s20 =	sshra.s32 s20, $0x2;
	[sflag:s15] =	ssyncset.done $0x0  }
0x4d: {  	s22 =	sadd.s32 $0xA180, s20;
	[sflag:s15] =	ssyncadd.s32 $0xFFFFE0C0  }
0x4e: {  	[tilespmem:s24], [sflag:$0x4] =	stream.indirect.gather [hbm4b:s4+s18], $0x40, s22, s18, $0xb8;
	[tilespmem:$0x16D00] =	vst v63  }
0x4f: {  	s22 =	sadd.s32 $0xC800, s20  }
0x50: {  	[spmem:s2] =	stream.indirect.scatter.add.f32 [tilespmem:s19], [sflag:$0x5], $0x40, s22, s18, $0xb8;
	[tilespmem:$0x16D00] =	vst v63  }
0x51: {  	_ =	swait.ge [sflag:s25], $0x1F40  }
0x52: {  	[sflag:s25] =	ssyncset.done $0x0  }
0x53: {  	[sflag:s25] =	ssyncadd.s32 $0xFFFFE0C0  }
0x54: {  	_ =	swait.ge [sflag:s16], $0x1F40  }
0x55: {  	[sflag:s16] =	ssyncset.done $0x0  }
0x56: {  	s22 =	sadd.s32 $0xA200, s20;
	[sflag:s16] =	ssyncadd.s32 $0xFFFFE0C0  }
0x57: {  	[tilespmem:s19], [sflag:$0x1] =	stream.indirect.gather [hbm4b:s4+s18], $0x40, s22, s18, $0xb8;
	[tilespmem:$0x16D00] =	vst v63  }
0x58: {  	s22 =	sadd.s32 $0xC880, s20  }
0x59: {  	[spmem:s2] =	stream.indirect.scatter.add.f32 [tilespmem:s21], [sflag:$0x5], $0x40, s22, s18, $0xb8;
	[tilespmem:$0x16D00] =	vst v63  }
0x5a: {  	_ =	swait.ge [sflag:s25], $0x1F40  }
0x5b: {  	[sflag:s25] =	ssyncset.done $0x0  }
0x5c: {  	[sflag:s25] =	ssyncadd.s32 $0xFFFFE0C0  }
0x5d: {  	_ =	swait.ge [sflag:s17], $0x1F40  }
0x5e: {  	[sflag:s17] =	ssyncset.done $0x0  }
0x5f: {  	s22 =	sadd.s32 $0xA280, s20;
	[sflag:s17] =	ssyncadd.s32 $0xFFFFE0C0  }
0x60: {  	[tilespmem:s21], [sflag:$0x2] =	stream.indirect.gather [hbm4b:s4+s18], $0x40, s22, s18, $0xb8;
	[tilespmem:$0x16D00] =	vst v63  }
0x61: {  	s22 =	sadd.s32 $0xC900, s20  }
0x62: {  	[spmem:s2] =	stream.indirect.scatter.add.f32 [tilespmem:s23], [sflag:$0x5], $0x40, s22, s18, $0xb8;
	[tilespmem:$0x16D00] =	vst v63  }
0x63: {  	_ =	swait.ge [sflag:s25], $0x1F40  }
0x64: {  	[sflag:s25] =	ssyncset.done $0x0  }
0x65: {  	[sflag:s25] =	ssyncadd.s32 $0xFFFFE0C0  }
0x66: {  	_ =	swait.ge [sflag:s26], $0x1F40  }
0x67: {  	[sflag:s26] =	ssyncset.done $0x0  }
0x68: {  	s22 =	sadd.s32 $0xA300, s20;
	[sflag:s26] =	ssyncadd.s32 $0xFFFFE0C0  }
0x69: {  	[tilespmem:s23], [sflag:$0x3] =	stream.indirect.gather [hbm4b:s4+s18], $0x40, s22, s18, $0xb8;
	[tilespmem:$0x16D00] =	vst v63  }
.Ltmp0:
0x6a: {  	_ = 	snop;
	(pc) =	sbr.rel @p0 .LBB2_2-.Ltmp0, $4  }
0x6b: {  	s20 =	sadd.s32 $0xC980, s20  }
0x6c: {  	[spmem:s2] =	stream.indirect.scatter.add.f32 [tilespmem:s24], [sflag:$0x5], $0x40, s20, s18, $0xb8;
	[tilespmem:$0x16D00] =	vst v63  }
0x6d: {  	_ =	swait.ge [sflag:s25], $0x1F40  }
0x6e: {  	[sflag:s25] =	ssyncset.done $0x0  }
0x6f: {  	[sflag:s25] =	ssyncadd.s32 $0xFFFFE0C0  }
0x70: {  	_ =	swait.ge [sflag:s15], $0x1F40  }
0x71: {  	[sflag:s15] =	ssyncset.done $0x0  }
0x72: {  	[sflag:s15] =	ssyncadd.s32 $0xFFFFE0C0  }
0x73: {  	[tilespmem:s24], [sflag:$0x4] =	stream.indirect.gather [hbm4b:s4+s18], $0x40, s28, s18, $0xb8;
	[tilespmem:$0x16D00] =	vst v63  }
0x74: {  	_ = 	snop  }
0x75: {  	[spmem:s2] =	stream.indirect.scatter.add.f32 [tilespmem:s19], [sflag:$0x5], $0x40, s29, s18, $0xb8;
	[tilespmem:$0x16D00] =	vst v63  }
0x76: {  	_ =	swait.ge [sflag:s25], $0x1F40  }
0x77: {  	[sflag:s25] =	ssyncset.done $0x0  }
0x78: {  	[sflag:s25] =	ssyncadd.s32 $0xFFFFE0C0  }
0x79: {  	_ =	swait.ge [sflag:s16], $0x1F40  }
0x7a: {  	[sflag:s16] =	ssyncset.done $0x0  }
0x7b: {  	[sflag:s16] =	ssyncadd.s32 $0xFFFFE0C0  }
0x7c: {  	[spmem:s2] =	stream.indirect.scatter.add.f32 [tilespmem:s21], [sflag:$0x5], $0x40, s30, s18, $0xb8;
	[tilespmem:$0x16D00] =	vst v63  }
0x7d: {  	_ =	swait.ge [sflag:s25], $0x1F40  }
0x7e: {  	[sflag:s25] =	ssyncset.done $0x0  }
0x7f: {  	[sflag:s25] =	ssyncadd.s32 $0xFFFFE0C0  }
0x80: {  	_ =	swait.ge [sflag:s17], $0x1F40  }
0x81: {  	[sflag:s17] =	ssyncset.done $0x0  }
0x82: {  	[sflag:s17] =	ssyncadd.s32 $0xFFFFE0C0  }
0x83: {  	[spmem:s2] =	stream.indirect.scatter.add.f32 [tilespmem:s23], [sflag:$0x5], $0x40, s31, s18, $0xb8;
	[tilespmem:$0x16D00] =	vst v63  }
0x84: {  	_ =	swait.ge [sflag:s25], $0x1F40  }
0x85: {  	[sflag:s25] =	ssyncset.done $0x0  }
0x86: {  	[sflag:s25] =	ssyncadd.s32 $0xFFFFE0C0  }
0x87: {  	_ =	swait.ge [sflag:s26], $0x1F40  }
0x88: {  	[sflag:s26] =	ssyncset.done $0x0  }
0x89: {  	[sflag:s26] =	ssyncadd.s32 $0xFFFFE0C0  }
0x8a: {  	[spmem:s2] =	stream.indirect.scatter.add.f32 [tilespmem:s24], [sflag:$0x5], $0x40, s1, s18, $0xb8;
	[tilespmem:$0x16D00] =	vst v63  }
0x8b: {  	_ =	swait.ge [sflag:s25], $0x1F40  }
0x8c: {  	s0 =	sadd.s32 $0x1, s0;
	[sflag:s25] =	ssyncset.done $0x0  }
0x8d: {  	p0 =	sne.s32 s0, s11;
	[sflag:s25] =	ssyncadd.s32 $0xFFFFE0C0  }
.Ltmp1:
0x8e: {  	s14 =	sor.u32 $0x1C05, s6;
	[bflag:$0x0] =	sbarrier.arrive $0xFFFF;
	(pc) =	sbr.rel @p0 .LBB2_1-.Ltmp1, $4  }
0x8f: {  	[hbm:s10], [sflag:s14] =	dma.local [spmem:s12], $0x1400  }
0x90: {  	_ =	swait.ge [sflag:s25], $0x1400  }
0x91: {  	[sflag:s25] =	ssyncset.done $0x0  }
0x92: {  	[sflag:s25] =	ssyncadd.s32 $0xFFFFEC00  }
0x93: {  	_ =	sfence.sel $0x180000  }
0x94: {  	[bflag:$0x0] =	sbarrier.arrive $0xFFFF  }
0x95: {  	_ =	strace $0x9000004D  }
0x96: {  	s0 =	stileid.u32;
	[bflag:$0x2] =	sbarrier.arrive $0xFFFF  }
0x97: {  	p0 =	sne.s32 s0, $0x0;
	s0 =	rddreg [dreg:$0x2]  }
0x98: {  	s0 =	sadd.s32 @!p0 $0x100000, s0  }
0x99: {  	[sflag:s0] =	ssyncadd.tile.s32 @!p0 $0x1;
	_ =	shalt  }
.Lfunc_end2:
_tile_overlayer_lowered:
.L_overlay_start_2:
0x9a: {  	(tag) =	ssettag $0x2  }
0x9b: {  	s0 =	rddreg [dreg:$0x0];
	s2 =	stileid.u32  }
0x9c: {  	s1 =	rddreg [dreg:$0x1];
	p0 =	sne.s32 s2, $0x0  }
0x9d: {  	s3 =	rddreg [dreg:$0x2];
	[bflag:$0x3] =	sbarrier.arrive $0xFFFF;
	s2 =	simm.s32 @!p0 $0x1C05  }
0x9e: {  	[timem:s3], [sflag:s2] =	dma.local @!p0 [hbm:s0], s1  }
0x9f: {  	s0 =	simm.s32 @!p0 $0x5  }
0xa0: {  	_ =	swait.ge @!p0 [sflag:s0], s1  }
0xa1: {  	s1 =	ssub.s32 @!p0 $0x0, s1;
	[sflag:s0] =	ssyncset.done @!p0 $0x0  }
0xa2: {  	[sflag:s0] =	ssyncadd.s32 @!p0 s1  }
0xa3: {  	[bflag:$0x3] =	sbarrier.arrive $0xFFFF  }
0xa4: {  	_ =	shalt  }

// kernel: kernel.9.cloned.1.call-start
scs
__scs_entry_jumppad:
0x0: {  	(pc) =	sbr.rel $0x88, $3  }
0x1: {  	(tag) =	ssettag $0x0;
	lr =	simm.s32 $0x1  }
0x2: {  	[smem:$0x3F94] =	sst lr;
	_ =	strace $0xD0000000  }
0x3: {  	_ = 	snop  }
0x4: {  	_ = 	snop  }
0x5: {  	_ = 	snop  }
0x6: {  	_ = 	snop  }
0x7: {  	_ = 	snop  }
__scs_overlays_trampoline_lowered:
0x8: {  	[smem:$0x3FA3] =	sst s0  }
0x9: {  	[smem:$0x3FA4] =	sst s1  }
0xa: {  	[smem:$0x3FA5] =	sst s2  }
0xb: {  	[smem:$0x3FA6] =	sst s3  }
0xc: {  	[smem:$0x3FA7] =	sst s4  }
0xd: {  	[smem:$0x3FA8] =	sst s5  }
0xe: {  	[smem:$0x3FA9] =	sst s6  }
0xf: {  	[smem:$0x3FAA] =	sst s7  }
0x10: {  	[smem:$0x3FAB] =	sst s8  }
0x11: {  	[smem:$0x3FAC] =	sst s9;
	s0 =	simm.s32 @!p0 $0x0  }
0x12: {  	s1 =	sld [smem:$0x3F92];
	s0 =	simm.s32 @p0 $0x1  }
0x13: {  	[smem:$0x3FAD] =	sst s0;
	s0 =	simm.s32 @!p1 $0x0  }
0x14: {  	s2 =	sld [smem:$0x3F91];
	s0 =	simm.s32 @p1 $0x1  }
0x15: {  	[smem:$0x3FAE] =	sst s0;
	s0 =	simm.s32 @!p2 $0x0  }
0x16: {  	s3 =	sld [smem:$0x3FDB];
	s0 =	simm.s32 @p2 $0x1  }
0x17: {  	s4 =	simm.s32 $0x1BF5;
	[smem:$0x3FB0] =	sst s0  }
0x18: {  	s0 =	sld [smem:$0x3F93];
	_ =	swait.ge [sflag:s4], $0x0  }
0x19: {  	s7 =	sld [smem:$0x3F94]  }
0x1a: {  	s8 =	sadd.s32 $0xFFFFE003, lr  }
0x1b: {  	s9 =	sadd.s32 $0xFFFFFEF7, lr;
	s5 =	simm.s32 $0xFFFFFFFF;
	p2 =	slt.u32 s8, $0xFFFFF086  }
0x1c: {  	p1 =	slt.u32 s9, $0xF7A;
	s5 =	simm.s32 @!p2 $0x0  }
0x1d: {  	s5 =	simm.s32 @p1 $0x1;
	p0 =	seq.s32 s7, s2  }
0x1e: {  	s7 =	smul.u32 @!p0 $0xF7A, s2;
	p2 =	seq.s32 @!p0 s5, $0x0  }
0x1f: {  	s9 =	smul.u32 $0xF7A, s1;
	s8 =	simm.s32 @!p0 $0x1BF5;
	p2 =	por !p2, p0  }
0x20: {  	[sflag:s8] =	ssyncset.s32 @!p0 $0xFFFFF086;
	s6 =	sadd.s32 @!p0 s3, s7;
	s7 =	simm.s32 @!p0 $0x108  }
0x21: {  	s3 =	sadd.s32 s3, s9;
	s6 =	sadd.s32 @!p0 $0x88, s6;
	s7 =	simm.s32 @p2 $0x1082  }
0x22: {  	[simem:s7], [sflag:s8] =	dma.local @!p0 [hbm:s6], $0xF7A  }
0x23: {  	s9 =	sor.u32 $0xD0000000, s2;
	s6 =	simm.s32 $0x108;
	_ =	swait.ge @!p0 [sflag:s8], $0x0  }
0x24: {  	s3 =	sadd.s32 $0x88, s3;
	s6 =	simm.s32 @!p1 $0x1082;
	[sflag:s4] =	ssyncset.s32 $0xFFFFF086  }
0x25: {  	[simem:s6], [sflag:s4] =	dma.local [hbm:s3], $0xF7A  }
0x26: {  	[smem:$0x3F94] =	sst s1;
	(tag) =	ssettag s2;
	_ =	strace s9  }
0x27: {  	s1 =	sld [smem:$0x3FA4]  }
0x28: {  	s2 =	sld [smem:$0x3FA5]  }
0x29: {  	s4 =	sld [smem:$0x3FA7]  }
0x2a: {  	p0 =	seq.s32 s5, $0x0;
	s5 =	sld [smem:$0x3FA8]  }
0x2b: {  	s6 =	sld [smem:$0x3FA9]  }
0x2c: {  	s7 =	sld [smem:$0x3FAA]  }
0x2d: {  	s3 =	simm.s32 $0x108;
	s8 =	sld [smem:$0x3FAB]  }
0x2e: {  	s3 =	simm.s32 @!p0 $0x1082;
	s9 =	sld [smem:$0x3FAC]  }
0x2f: {  	lr =	sadd.s32 s0, s3;
	s0 =	sld [smem:$0x3FA3]  }
0x30: {  	s3 =	sld [smem:$0x3FA6]  }
0x31: {  	[smem:$0x3FAF] =	sst s10  }
0x32: {  	s10 =	sld [smem:$0x3FAD];
	_ =	sdelay $0x3  }
0x33: {  	p0 =	seq.s32 s10, $0x1;
	s10 =	sld [smem:$0x3FAF];
	_ =	sdelay $0x3  }
0x34: {  	[smem:$0x3FAF] =	sst s10  }
0x35: {  	s10 =	sld [smem:$0x3FAE];
	_ =	sdelay $0x3  }
0x36: {  	p1 =	seq.s32 s10, $0x1;
	s10 =	sld [smem:$0x3FAF];
	_ =	sdelay $0x3  }
0x37: {  	[smem:$0x3FAF] =	sst s10  }
0x38: {  	s10 =	sld [smem:$0x3FB0]  }
0x39: {  	_ = 	snop;
	(pc) =	sbr.ind lr, $3  }
0x3a: {  	_ = 	snop  }
0x3b: {  	_ = 	snop  }
0x3c: {  	p2 =	seq.s32 s10, $0x1;
	s10 =	sld [smem:$0x3FAF]  }
0x3d: {  	_ =	shalt  }
0x3e: {  	_ =	shalt  }
0x3f: {  	_ =	shalt  }
0x40: {  	_ =	shalt  }
0x41: {  	_ =	shalt  }
0x42: {  	_ =	shalt  }
0x43: {  	_ =	shalt  }
0x44: {  	_ =	shalt  }
0x45: {  	_ =	shalt  }
0x46: {  	_ =	shalt  }
0x47: {  	_ =	shalt  }
0x48: {  	_ =	shalt  }
0x49: {  	_ =	shalt  }
0x4a: {  	_ =	shalt  }
0x4b: {  	_ =	shalt  }
0x4c: {  	_ =	shalt  }
0x4d: {  	_ =	shalt  }
0x4e: {  	_ =	shalt  }
0x4f: {  	_ =	shalt  }
0x50: {  	_ =	shalt  }
0x51: {  	_ =	shalt  }
0x52: {  	_ =	shalt  }
0x53: {  	_ =	shalt  }
0x54: {  	_ =	shalt  }
0x55: {  	_ =	shalt  }
0x56: {  	_ =	shalt  }
0x57: {  	_ =	shalt  }
0x58: {  	_ =	shalt  }
0x59: {  	_ =	shalt  }
0x5a: {  	_ =	shalt  }
0x5b: {  	_ =	shalt  }
0x5c: {  	_ =	shalt  }
0x5d: {  	_ =	shalt  }
0x5e: {  	_ =	shalt  }
0x5f: {  	_ =	shalt  }
0x60: {  	_ =	shalt  }
0x61: {  	_ =	shalt  }
0x62: {  	_ =	shalt  }
0x63: {  	_ =	shalt  }
0x64: {  	_ =	shalt  }
0x65: {  	_ =	shalt  }
0x66: {  	_ =	shalt  }
0x67: {  	_ =	shalt  }
0x68: {  	_ =	shalt  }
0x69: {  	_ =	shalt  }
0x6a: {  	_ =	shalt  }
0x6b: {  	_ =	shalt  }
0x6c: {  	_ =	shalt  }
0x6d: {  	_ =	shalt  }
0x6e: {  	_ =	shalt  }
0x6f: {  	_ =	shalt  }
0x70: {  	_ =	shalt  }
0x71: {  	_ =	shalt  }
0x72: {  	_ =	shalt  }
0x73: {  	_ =	shalt  }
0x74: {  	_ =	shalt  }
0x75: {  	_ =	shalt  }
0x76: {  	_ =	shalt  }
0x77: {  	_ =	shalt  }
0x78: {  	_ =	shalt  }
0x79: {  	_ =	shalt  }
0x7a: {  	_ =	shalt  }
0x7b: {  	_ =	shalt  }
0x7c: {  	_ =	shalt  }
0x7d: {  	_ =	shalt  }
0x7e: {  	_ =	shalt  }
0x7f: {  	_ =	shalt  }
0x80: {  	_ =	shalt  }
0x81: {  	_ =	shalt  }
0x82: {  	_ =	shalt  }
0x83: {  	_ =	shalt  }
0x84: {  	_ =	shalt  }
0x85: {  	_ =	shalt  }
0x86: {  	_ =	shalt  }
0x87: {  	_ =	shalt  }
.Lfunc_end0:
.L_simem_size_0:
called_computation_lowered:
.L_overlay_start_0:
0x88: {  	s2 =	sld [smem:$0x3FD9]  }
0x89: {  	s3 =	sld [smem:$0x3FFE];
	_ =	sdelay $0x1  }
0x8a: {  	s1 =	srdreg.scid  }
0x8b: {  	s0 =	sand.u32 $0x1, s1  }
0x8c: {  	s17 =	sshll.u32 s0, $0xA;
	s2 =	sadd.s32 s3, s2  }
0x8d: {  	s2 =	sadd.s32 s2, s17  }
0x8e: {  	[smem:$0x3FBB] =	sst s2  }
0x8f: {  	_ = 	snop  }
0x90: {  	s2 =	sld [smem:$0x3FD0];
	(tm) =	ssettm $0x1  }
0x91: {  	s18 =	sld [smem:$0x3FFB];
	_ =	sdelay $0x3  }
0x92: {  	_ =	strace s18  }
0x93: {  	s3 =	sld [smem:$0x3FFC];
	_ =	sdelay $0x3  }
0x94: {  	_ =	strace s3  }
0x95: {  	s3 =	sld [smem:$0x3FFD];
	_ =	sdelay $0x3  }
0x96: {  	_ =	strace s3  }
0x97: {  	_ =	strace $0x8FFFFFFF  }
0x98: {  	s19 =	sld [smem:$0x3FDB];
	_ =	sdelay $0x1  }
0x99: {  	s4 =	simm.s32 $_scs_section_size  }
0x9a: {  	s5 =	simm.s32 $_size__tile_overlayer_lowered;
	s6 =	simm.s32 $_tile_overlayer_lowered  }
0x9b: {  	s22 =	simm.s32 $0x1BFF;
	s21 =	sshll.u32 s6, $0x1;
	s3 =	sadd.s32 s4, s19  }
0x9c: {  	s7 =	simm.s32 $0x0;
	s20 =	sshll.u32 s5, $0x1;
	s5 =	sadd.s32 s21, s3  }
0x9d: {  	[timem:s7], [sflag:s22] =	dma.local [hbm:s5], s20  }
0x9e: {  	_ =	swait.ge [sflag:s22], s20  }
0x9f: {  	s4 =	ssub.s32 $0x0, s20;
	[sflag:s22] =	ssyncset.done $0x0  }
0xa0: {  	[sflag:s22] =	ssyncadd.s32 s4;
	_ =	sdelay $0x1  }
0xa1: {  	s23 =	simm.s32 $0x1B8B  }
0xa2: {  	_ =	swait.ge [sflag:s23], $0x1  }
0xa3: {  	[sflag:s23] =	ssyncset.done $0x0  }
0xa4: {  	s25 =	simm.s32 $0x1B8E;
	s24 =	sld [smem:$0x3FFE];
	[sflag:s23] =	ssyncadd.s32 $0xFFFFFFFF  }
0xa5: {  	s26 =	simm.s32 $execute0_lowered;
	[smem:$0x3FD2] =	sst s25  }
0xa6: {  	s5 =	sshll.u32 s26, $0x1;
	_ =	strace $0x80000046;
	[dreg:$0x1] =	wrdreg $0xFFFFFFFF  }
0xa7: {  	s28 =	simm.s32 $_size_execute0_lowered;
	s3 =	sadd.s32 s3, s5;
	[dreg:$0x0] =	wrdreg $0x0  }
0xa8: {  	s5 =	sshll.u32 s28, $0x1;
	[dreg:$0x2] =	wrdreg s3  }
0xa9: {  	[dreg:$0x3] =	wrdreg s5  }
0xaa: {  	[dreg:$0x4] =	wrdreg $0xC0  }
0xab: {  	_ =	task [dreg:s7], $0x5FFFF  }
0xac: {  	[dreg:$0x1] =	wrdreg $0xFFFFFFFF  }
0xad: {  	[dreg:$0x0] =	wrdreg $0x60  }
0xae: {  	[dreg:$0x2] =	wrdreg s24  }
0xaf: {  	[dreg:$0x3] =	wrdreg s2  }
0xb0: {  	[dreg:$0x4] =	wrdreg $0x0  }
0xb1: {  	[dreg:$0x5] =	wrdreg $0x9  }
0xb2: {  	_ =	task.clear_ibuf [dreg:s7], $0x6FFFF;
	_ =	strace $0x90000046  }
0xb3: {  	s29 =	simm.s32 $0x9;
	_ =	strace $0x80000048  }
0xb4: {  	_ =	swait.ge [sflag:s29], $0x1  }
0xb5: {  	[sflag:s29] =	ssyncadd.s32 $0xFFFFFFFF  }
0xb6: {  	_ =	strace $0x90000048  }
0xb7: {  	_ =	sfence  }
0xb8: {  	s30 =	sld [smem:$0x0];
	_ =	sdelay $0x2  }
0xb9: {  	s31 =	sshll.u32 s1, $0xD;
	s1 =	sshrl.u32 s1, $0x2  }
0xba: {  	s3 =	sand.u32 $0x4000, s31;
	s1 =	sadd.s32 s1, s30  }
0xbb: {  	s0 =	sor.u32 s3, s0;
	s1 =	sshll.u32 s1, $0x11  }
0xbc: {  	s0 =	sor.u32 s1, s0  }
0xbd: {  	s0 =	sadd.s32 $0x8F2B, s0  }
0xbe: {  	[sflag:s0] =	ssyncadd.remote.s32 $0x1  }
0xbf: {  	_ =	sfence.sel $0xFFFF  }
0xc0: {  	[dreg:$0x0] =	wrdreg $0xFFFFFFFF;
	(pc) =	sbr.abs _section_cstart, $3  }
0xc1: {  	[dreg:$0x1] =	wrdreg $0xFFFFFFFF  }
0xc2: {  	_ =	task.clear_ibuf [dreg:s7], $0x2FFFF;
	_ =	strace $0x9FFFFFFF  }
0xc3: {  	(tm) =	ssettm $0x7FFFFFFF  }
tec
execute0_lowered:
.L_overlay_start_1:
0x0: {  	(tag) =	ssettag $0x1  }
0x1: {  	s7 =	rddreg [dreg:$0x0]  }
0x2: {  	s2 =	rddreg [dreg:$0x1];
	s1 =	srdreg.scid  }
0x3: {  	s0 =	stileid.u32;
	s3 =	rddreg [dreg:$0x2];
	s4 =	simm.s32 $0x0  }
0x4: {  	s12 =	simm.s32 $0x2800;
	s13 =	simm.s32 $0x2;
	s14 =	simm.s32 $0x7D  }
0x5: {  	s15 =	simm.s32 $0x1;
	s17 =	simm.s32 $0x3;
	s18 =	simm.s32 $0x0  }
0x6: {  	s5 =	sand.u32 $0x1, s1;
	s6 =	smul.u32 $0x2800, s0;
	s1 =	rddreg [dreg:$0x3]  }
0x7: {  	[smem:$0x7FF] =	sst s4;
	s9 =	sshll.u32 s0, $0x1;
	s16 =	sshll.u32 s0, $0x6  }
0x8: {  	s8 =	smul.u32 $0x28000, s5;
	_ =	strace $0x80000047;
	s9 =	sor.u32 s5, s9  }
0x9: {  	s10 =	ssub.s32 $0x2, s5;
	s5 =	sadd.s32 $0x16A00, s7;
	s9 =	smul.u32 $0x2800, s9  }
0xa: {  	s11 =	sshrl.u32 s10, $0x1;
	s31 =	sadd.s32 s6, s3;
	s8 =	sadd.s32 s6, s8  }
0xb: {  	s10 =	ssub.s32 s10, s11;
	s6 =	sor.u32 $0x1C02, s16;
	s11 =	simm.s32 $0x5000  }
0xc: {  	s16 =	sor.u32 $0x1C03, s16;
	s8 =	sshrl.u32 s8, $0x3;
	s9 =	sshrl.u32 s9, $0x3  }
0xd: {  	s8 =	sadd.s32 s8, s7;
	s7 =	sadd.s32 s7, s9;
	s9 =	smax.u32 s10, $0x1  }
0xe: {  	s10 =	sshrl.u32 s31, $0x3;
	s7 =	sadd.s32 $0xCA00, s7;
	s8 =	sadd.s32 $0x17000, s8  }
.LBB2_1:
0xf: {  	[spmem:s10], [sflag:s6] =	dma.local [hbm:s5], $0x500  }
0x10: {  	[tilespmem:s11], [sflag:$0x2] =	stream.linear.gather [hbm4b:s2+s4], $0x7D0, $0x38;
	[tilespmem:$0x57D0] =	vst v63  }
0x11: {  	_ = 	snop  }
0x12: {  	[tilespmem:s12], [sflag:$0x2] =	stream.linear.gather [hbm4b:s7+s4], $0x2800, $0x38;
	[tilespmem:$0x57D0] =	vst v63  }
0x13: {  	_ =	swait.ge [sflag:s13], $0x500  }
0x14: {  	[sflag:s13] =	ssyncset.done $0x0  }
0x15: {  	[sflag:s13] =	ssyncadd.s32 $0xFFFFFB00  }
0x16: {  	_ =	swait.ge [sflag:s13], $0x7D0  }
0x17: {  	[sflag:s13] =	ssyncset.done $0x0  }
0x18: {  	[sflag:s13] =	ssyncadd.s32 $0xFFFFF830  }
0x19: {  	_ =	swait.ge [sflag:s13], $0x2800  }
0x1a: {  	[sflag:s13] =	ssyncset.done $0x0  }
0x1b: {  	[sflag:s13] =	ssyncadd.s32 $0xFFFFD800  }
0x1c: {  	s19 =	simm.s32 $0x2800;
	[bflag:$0x0] =	sbarrier.arrive $0xFFFF  }
0x1d: {  	[spmem:s3] =	stream.indirect.scatter.add.f32 [tilespmem:s11], [sflag:$0x1], $0x10, s19, s14, $0xb8;
	[tilespmem:$0x57D0] =	vst v63  }
0x1e: {  	s28 =	simm.s32 $0x2880  }
0x1f: {  	[spmem:s3] =	stream.indirect.scatter.add.f32 [tilespmem:s11], [sflag:$0x1], $0x10, s28, s14, $0xb8;
	[tilespmem:$0x57D0] =	vst v63  }
0x20: {  	s29 =	simm.s32 $0x2900  }
0x21: {  	[spmem:s3] =	stream.indirect.scatter.add.f32 [tilespmem:s11], [sflag:$0x1], $0x10, s29, s14, $0xb8;
	[tilespmem:$0x57D0] =	vst v63  }
0x22: {  	s30 =	simm.s32 $0x2980  }
0x23: {  	[spmem:s3] =	stream.indirect.scatter.add.f32 [tilespmem:s11], [sflag:$0x1], $0x10, s30, s14, $0xb8;
	[tilespmem:$0x57D0] =	vst v63  }
0x24: {  	s31 =	simm.s32 $0x2A00  }
0x25: {  	[spmem:s3] =	stream.indirect.scatter.add.f32 [tilespmem:s11], [sflag:$0x1], $0x10, s31, s14, $0xb8;
	[tilespmem:$0x57D0] =	vst v63  }
0x26: {  	s20 =	simm.s32 $0x2A80  }
0x27: {  	[spmem:s3] =	stream.indirect.scatter.add.f32 [tilespmem:s11], [sflag:$0x1], $0x10, s20, s14, $0xb8;
	[tilespmem:$0x57D0] =	vst v63  }
0x28: {  	s21 =	simm.s32 $0x2B00  }
0x29: {  	[spmem:s3] =	stream.indirect.scatter.add.f32 [tilespmem:s11], [sflag:$0x1], $0x10, s21, s14, $0xb8;
	[tilespmem:$0x57D0] =	vst v63  }
0x2a: {  	s22 =	simm.s32 $0x2B80  }
0x2b: {  	[spmem:s3] =	stream.indirect.scatter.add.f32 [tilespmem:s11], [sflag:$0x1], $0x10, s22, s14, $0xb8;
	[tilespmem:$0x57D0] =	vst v63  }
0x2c: {  	s23 =	simm.s32 $0x2C00  }
0x2d: {  	[spmem:s3] =	stream.indirect.scatter.add.f32 [tilespmem:s11], [sflag:$0x1], $0x10, s23, s14, $0xb8;
	[tilespmem:$0x57D0] =	vst v63  }
0x2e: {  	s24 =	simm.s32 $0x2C80  }
0x2f: {  	[spmem:s3] =	stream.indirect.scatter.add.f32 [tilespmem:s11], [sflag:$0x1], $0x10, s24, s14, $0xb8;
	[tilespmem:$0x57D0] =	vst v63  }
0x30: {  	s25 =	simm.s32 $0x2D00  }
0x31: {  	[spmem:s3] =	stream.indirect.scatter.add.f32 [tilespmem:s11], [sflag:$0x1], $0x10, s25, s14, $0xb8;
	[tilespmem:$0x57D0] =	vst v63  }
0x32: {  	s26 =	simm.s32 $0x2D80  }
0x33: {  	[spmem:s3] =	stream.indirect.scatter.add.f32 [tilespmem:s11], [sflag:$0x1], $0x10, s26, s14, $0xb8;
	[tilespmem:$0x57D0] =	vst v63  }
0x34: {  	s28 =	simm.s32 $0x2E00  }
0x35: {  	[spmem:s3] =	stream.indirect.scatter.add.f32 [tilespmem:s11], [sflag:$0x1], $0x10, s28, s14, $0xb8;
	[tilespmem:$0x57D0] =	vst v63  }
0x36: {  	s29 =	simm.s32 $0x2E80  }
0x37: {  	[spmem:s3] =	stream.indirect.scatter.add.f32 [tilespmem:s11], [sflag:$0x1], $0x10, s29, s14, $0xb8;
	[tilespmem:$0x57D0] =	vst v63  }
0x38: {  	s30 =	simm.s32 $0x2F00  }
0x39: {  	[spmem:s3] =	stream.indirect.scatter.add.f32 [tilespmem:s11], [sflag:$0x1], $0x10, s30, s14, $0xb8;
	[tilespmem:$0x57D0] =	vst v63  }
0x3a: {  	s31 =	simm.s32 $0x2F80  }
0x3b: {  	[spmem:s3] =	stream.indirect.scatter.add.f32 [tilespmem:s11], [sflag:$0x1], $0x10, s31, s14, $0xb8;
	[tilespmem:$0x57D0] =	vst v63  }
0x3c: {  	_ =	swait.ge [sflag:s15], $0x7D0  }
0x3d: {  	[sflag:s15] =	ssyncset.done $0x0  }
0x3e: {  	[sflag:s15] =	ssyncadd.s32 $0xFFFFF830  }
0x3f: {  	_ =	swait.ge [sflag:s15], $0x7D0  }
0x40: {  	[sflag:s15] =	ssyncset.done $0x0  }
0x41: {  	[sflag:s15] =	ssyncadd.s32 $0xFFFFF830  }
0x42: {  	_ =	swait.ge [sflag:s15], $0x7D0  }
0x43: {  	[sflag:s15] =	ssyncset.done $0x0  }
0x44: {  	[sflag:s15] =	ssyncadd.s32 $0xFFFFF830  }
0x45: {  	_ =	swait.ge [sflag:s15], $0x7D0  }
0x46: {  	[sflag:s15] =	ssyncset.done $0x0  }
0x47: {  	[sflag:s15] =	ssyncadd.s32 $0xFFFFF830  }
0x48: {  	_ =	swait.ge [sflag:s15], $0x7D0  }
0x49: {  	[sflag:s15] =	ssyncset.done $0x0  }
0x4a: {  	[sflag:s15] =	ssyncadd.s32 $0xFFFFF830  }
0x4b: {  	_ =	swait.ge [sflag:s15], $0x7D0  }
0x4c: {  	[sflag:s15] =	ssyncset.done $0x0  }
0x4d: {  	[sflag:s15] =	ssyncadd.s32 $0xFFFFF830  }
0x4e: {  	_ =	swait.ge [sflag:s15], $0x7D0  }
0x4f: {  	[sflag:s15] =	ssyncset.done $0x0  }
0x50: {  	[sflag:s15] =	ssyncadd.s32 $0xFFFFF830  }
0x51: {  	_ =	swait.ge [sflag:s15], $0x7D0  }
0x52: {  	[sflag:s15] =	ssyncset.done $0x0  }
0x53: {  	[sflag:s15] =	ssyncadd.s32 $0xFFFFF830  }
0x54: {  	_ =	swait.ge [sflag:s15], $0x7D0  }
0x55: {  	[sflag:s15] =	ssyncset.done $0x0  }
0x56: {  	[sflag:s15] =	ssyncadd.s32 $0xFFFFF830  }
0x57: {  	_ =	swait.ge [sflag:s15], $0x7D0  }
0x58: {  	[sflag:s15] =	ssyncset.done $0x0  }
0x59: {  	[sflag:s15] =	ssyncadd.s32 $0xFFFFF830  }
0x5a: {  	_ =	swait.ge [sflag:s15], $0x7D0  }
0x5b: {  	[sflag:s15] =	ssyncset.done $0x0  }
0x5c: {  	[sflag:s15] =	ssyncadd.s32 $0xFFFFF830  }
0x5d: {  	_ =	swait.ge [sflag:s15], $0x7D0  }
0x5e: {  	[sflag:s15] =	ssyncset.done $0x0  }
0x5f: {  	[sflag:s15] =	ssyncadd.s32 $0xFFFFF830  }
0x60: {  	_ =	swait.ge [sflag:s15], $0x7D0  }
0x61: {  	[sflag:s15] =	ssyncset.done $0x0  }
0x62: {  	[sflag:s15] =	ssyncadd.s32 $0xFFFFF830  }
0x63: {  	_ =	swait.ge [sflag:s15], $0x7D0  }
0x64: {  	[sflag:s15] =	ssyncset.done $0x0  }
0x65: {  	[sflag:s15] =	ssyncadd.s32 $0xFFFFF830  }
0x66: {  	_ =	swait.ge [sflag:s15], $0x7D0  }
0x67: {  	[sflag:s15] =	ssyncset.done $0x0  }
0x68: {  	[sflag:s15] =	ssyncadd.s32 $0xFFFFF830  }
0x69: {  	_ =	swait.ge [sflag:s15], $0x7D0  }
0x6a: {  	s21 =	simm.s32 $0x800;
	s22 =	simm.s32 $0x4000;
	[sflag:s15] =	ssyncset.done $0x0  }
.LBB2_2:
0x6b: {  	s23 =	sadd.s32 $0x2800, s21  }
0x6c: {  	[sflag:s15] =	ssyncadd.s32 $0xFFFFF830;
	s20 =	smov.u32 s22;
	s19 =	sadd.s32 $0x2000, s22  }
0x6d: {  	[spmem:s3] =	stream.indirect.scatter.add.f32 [tilespmem:s11], [sflag:$0x1], $0x10, s23, s14, $0xb8;
	[tilespmem:$0x57D0] =	vst v63  }
0x6e: {  	p0 =	sne.s32 s22, $0x8000;
	s22 =	sadd.s32 $0x2880, s21  }
0x6f: {  	[spmem:s3] =	stream.indirect.scatter.add.f32 [tilespmem:s11], [sflag:$0x1], $0x10, s22, s14, $0xb8;
	[tilespmem:$0x57D0] =	vst v63  }
0x70: {  	s22 =	sadd.s32 $0x2900, s21  }
0x71: {  	[spmem:s3] =	stream.indirect.scatter.add.f32 [tilespmem:s11], [sflag:$0x1], $0x10, s22, s14, $0xb8;
	[tilespmem:$0x57D0] =	vst v63  }
0x72: {  	s22 =	sadd.s32 $0x2980, s21  }
0x73: {  	[spmem:s3] =	stream.indirect.scatter.add.f32 [tilespmem:s11], [sflag:$0x1], $0x10, s22, s14, $0xb8;
	[tilespmem:$0x57D0] =	vst v63  }
0x74: {  	s22 =	sadd.s32 $0x2A00, s21  }
0x75: {  	[spmem:s3] =	stream.indirect.scatter.add.f32 [tilespmem:s11], [sflag:$0x1], $0x10, s22, s14, $0xb8;
	[tilespmem:$0x57D0] =	vst v63  }
0x76: {  	s22 =	sadd.s32 $0x2A80, s21  }
0x77: {  	[spmem:s3] =	stream.indirect.scatter.add.f32 [tilespmem:s11], [sflag:$0x1], $0x10, s22, s14, $0xb8;
	[tilespmem:$0x57D0] =	vst v63  }
0x78: {  	s22 =	sadd.s32 $0x2B00, s21  }
0x79: {  	[spmem:s3] =	stream.indirect.scatter.add.f32 [tilespmem:s11], [sflag:$0x1], $0x10, s22, s14, $0xb8;
	[tilespmem:$0x57D0] =	vst v63  }
0x7a: {  	s22 =	sadd.s32 $0x2B80, s21  }
0x7b: {  	[spmem:s3] =	stream.indirect.scatter.add.f32 [tilespmem:s11], [sflag:$0x1], $0x10, s22, s14, $0xb8;
	[tilespmem:$0x57D0] =	vst v63  }
0x7c: {  	s22 =	sadd.s32 $0x2C00, s21  }
0x7d: {  	[spmem:s3] =	stream.indirect.scatter.add.f32 [tilespmem:s11], [sflag:$0x1], $0x10, s22, s14, $0xb8;
	[tilespmem:$0x57D0] =	vst v63  }
0x7e: {  	s22 =	sadd.s32 $0x2C80, s21  }
0x7f: {  	[spmem:s3] =	stream.indirect.scatter.add.f32 [tilespmem:s11], [sflag:$0x1], $0x10, s22, s14, $0xb8;
	[tilespmem:$0x57D0] =	vst v63  }
0x80: {  	s22 =	sadd.s32 $0x2D00, s21  }
0x81: {  	[spmem:s3] =	stream.indirect.scatter.add.f32 [tilespmem:s11], [sflag:$0x1], $0x10, s22, s14, $0xb8;
	[tilespmem:$0x57D0] =	vst v63  }
0x82: {  	s22 =	sadd.s32 $0x2D80, s21  }
0x83: {  	[spmem:s3] =	stream.indirect.scatter.add.f32 [tilespmem:s11], [sflag:$0x1], $0x10, s22, s14, $0xb8;
	[tilespmem:$0x57D0] =	vst v63  }
0x84: {  	s22 =	sadd.s32 $0x2E00, s21  }
0x85: {  	[spmem:s3] =	stream.indirect.scatter.add.f32 [tilespmem:s11], [sflag:$0x1], $0x10, s22, s14, $0xb8;
	[tilespmem:$0x57D0] =	vst v63  }
0x86: {  	s22 =	sadd.s32 $0x2E80, s21  }
0x87: {  	[spmem:s3] =	stream.indirect.scatter.add.f32 [tilespmem:s11], [sflag:$0x1], $0x10, s22, s14, $0xb8;
	[tilespmem:$0x57D0] =	vst v63  }
0x88: {  	s22 =	sadd.s32 $0x2F00, s21  }
0x89: {  	[spmem:s3] =	stream.indirect.scatter.add.f32 [tilespmem:s11], [sflag:$0x1], $0x10, s22, s14, $0xb8;
	[tilespmem:$0x57D0] =	vst v63  }
0x8a: {  	s21 =	sadd.s32 $0x2F80, s21  }
0x8b: {  	[spmem:s3] =	stream.indirect.scatter.add.f32 [tilespmem:s11], [sflag:$0x1], $0x10, s21, s14, $0xb8;
	[tilespmem:$0x57D0] =	vst v63  }
0x8c: {  	_ =	swait.ge [sflag:s15], $0x7D0  }
0x8d: {  	[sflag:s15] =	ssyncset.done $0x0  }
0x8e: {  	[sflag:s15] =	ssyncadd.s32 $0xFFFFF830  }
0x8f: {  	_ =	swait.ge [sflag:s15], $0x7D0  }
0x90: {  	[sflag:s15] =	ssyncset.done $0x0  }
0x91: {  	[sflag:s15] =	ssyncadd.s32 $0xFFFFF830  }
0x92: {  	_ =	swait.ge [sflag:s15], $0x7D0  }
0x93: {  	[sflag:s15] =	ssyncset.done $0x0  }
0x94: {  	[sflag:s15] =	ssyncadd.s32 $0xFFFFF830  }
0x95: {  	_ =	swait.ge [sflag:s15], $0x7D0  }
0x96: {  	[sflag:s15] =	ssyncset.done $0x0  }
0x97: {  	[sflag:s15] =	ssyncadd.s32 $0xFFFFF830  }
0x98: {  	_ =	swait.ge [sflag:s15], $0x7D0  }
0x99: {  	[sflag:s15] =	ssyncset.done $0x0  }
0x9a: {  	[sflag:s15] =	ssyncadd.s32 $0xFFFFF830  }
0x9b: {  	_ =	swait.ge [sflag:s15], $0x7D0  }
0x9c: {  	[sflag:s15] =	ssyncset.done $0x0  }
0x9d: {  	[sflag:s15] =	ssyncadd.s32 $0xFFFFF830  }
0x9e: {  	_ =	swait.ge [sflag:s15], $0x7D0  }
0x9f: {  	[sflag:s15] =	ssyncset.done $0x0  }
0xa0: {  	[sflag:s15] =	ssyncadd.s32 $0xFFFFF830  }
0xa1: {  	_ =	swait.ge [sflag:s15], $0x7D0  }
0xa2: {  	[sflag:s15] =	ssyncset.done $0x0  }
0xa3: {  	[sflag:s15] =	ssyncadd.s32 $0xFFFFF830  }
0xa4: {  	_ =	swait.ge [sflag:s15], $0x7D0  }
0xa5: {  	[sflag:s15] =	ssyncset.done $0x0  }
0xa6: {  	[sflag:s15] =	ssyncadd.s32 $0xFFFFF830  }
0xa7: {  	_ =	swait.ge [sflag:s15], $0x7D0  }
0xa8: {  	[sflag:s15] =	ssyncset.done $0x0  }
0xa9: {  	[sflag:s15] =	ssyncadd.s32 $0xFFFFF830  }
0xaa: {  	_ =	swait.ge [sflag:s15], $0x7D0  }
0xab: {  	[sflag:s15] =	ssyncset.done $0x0  }
0xac: {  	[sflag:s15] =	ssyncadd.s32 $0xFFFFF830  }
0xad: {  	_ =	swait.ge [sflag:s15], $0x7D0  }
0xae: {  	[sflag:s15] =	ssyncset.done $0x0  }
0xaf: {  	[sflag:s15] =	ssyncadd.s32 $0xFFFFF830  }
0xb0: {  	_ =	swait.ge [sflag:s15], $0x7D0  }
0xb1: {  	[sflag:s15] =	ssyncset.done $0x0  }
0xb2: {  	[sflag:s15] =	ssyncadd.s32 $0xFFFFF830  }
0xb3: {  	_ =	swait.ge [sflag:s15], $0x7D0  }
0xb4: {  	[sflag:s15] =	ssyncset.done $0x0  }
0xb5: {  	[sflag:s15] =	ssyncadd.s32 $0xFFFFF830  }
.Ltmp0:
0xb6: {  	_ =	swait.ge [sflag:s15], $0x7D0;
	(pc) =	sbr.rel @p0 .LBB2_2-.Ltmp0, $4  }
0xb7: {  	[sflag:s15] =	ssyncset.done $0x0  }
0xb8: {  	[sflag:s15] =	ssyncadd.s32 $0xFFFFF830  }
0xb9: {  	_ =	swait.ge [sflag:s15], $0x7D0  }
0xba: {  	s22 =	smov.u32 s19;
	s21 =	sshra.s32 s20, $0x2;
	[sflag:s15] =	ssyncset.done $0x0  }
0xbb: {  	s19 =	sadd.s32 $0x2800, s21;
	[sflag:s15] =	ssyncadd.s32 $0xFFFFF830  }
0xbc: {  	[spmem:s3] =	stream.indirect.scatter.add.f32 [tilespmem:s11], [sflag:$0x1], $0x10, s19, s14, $0xb8;
	[tilespmem:$0x57D0] =	vst v63  }
0xbd: {  	s26 =	sadd.s32 $0x2880, s21  }
0xbe: {  	[spmem:s3] =	stream.indirect.scatter.add.f32 [tilespmem:s11], [sflag:$0x1], $0x10, s26, s14, $0xb8;
	[tilespmem:$0x57D0] =	vst v63  }
0xbf: {  	s28 =	sadd.s32 $0x2900, s21  }
0xc0: {  	[spmem:s3] =	stream.indirect.scatter.add.f32 [tilespmem:s11], [sflag:$0x1], $0x10, s28, s14, $0xb8;
	[tilespmem:$0x57D0] =	vst v63  }
0xc1: {  	s29 =	sadd.s32 $0x2980, s21  }
0xc2: {  	[spmem:s3] =	stream.indirect.scatter.add.f32 [tilespmem:s11], [sflag:$0x1], $0x10, s29, s14, $0xb8;
	[tilespmem:$0x57D0] =	vst v63  }
0xc3: {  	s30 =	sadd.s32 $0x2A00, s21  }
0xc4: {  	[spmem:s3] =	stream.indirect.scatter.add.f32 [tilespmem:s11], [sflag:$0x1], $0x10, s30, s14, $0xb8;
	[tilespmem:$0x57D0] =	vst v63  }
0xc5: {  	s31 =	sadd.s32 $0x2A80, s21  }
0xc6: {  	[spmem:s3] =	stream.indirect.scatter.add.f32 [tilespmem:s11], [sflag:$0x1], $0x10, s31, s14, $0xb8;
	[tilespmem:$0x57D0] =	vst v63  }
0xc7: {  	s20 =	sadd.s32 $0x2B00, s21  }
0xc8: {  	[spmem:s3] =	stream.indirect.scatter.add.f32 [tilespmem:s11], [sflag:$0x1], $0x10, s20, s14, $0xb8;
	[tilespmem:$0x57D0] =	vst v63  }
0xc9: {  	s22 =	sadd.s32 $0x2B80, s21  }
0xca: {  	[spmem:s3] =	stream.indirect.scatter.add.f32 [tilespmem:s11], [sflag:$0x1], $0x10, s22, s14, $0xb8;
	[tilespmem:$0x57D0] =	vst v63  }
0xcb: {  	s23 =	sadd.s32 $0x2C00, s21  }
0xcc: {  	[spmem:s3] =	stream.indirect.scatter.add.f32 [tilespmem:s11], [sflag:$0x1], $0x10, s23, s14, $0xb8;
	[tilespmem:$0x57D0] =	vst v63  }
0xcd: {  	s24 =	sadd.s32 $0x2C80, s21  }
0xce: {  	[spmem:s3] =	stream.indirect.scatter.add.f32 [tilespmem:s11], [sflag:$0x1], $0x10, s24, s14, $0xb8;
	[tilespmem:$0x57D0] =	vst v63  }
0xcf: {  	s25 =	sadd.s32 $0x2D00, s21  }
0xd0: {  	[spmem:s3] =	stream.indirect.scatter.add.f32 [tilespmem:s11], [sflag:$0x1], $0x10, s25, s14, $0xb8;
	[tilespmem:$0x57D0] =	vst v63  }
0xd1: {  	s26 =	sadd.s32 $0x2D80, s21  }
0xd2: {  	[spmem:s3] =	stream.indirect.scatter.add.f32 [tilespmem:s11], [sflag:$0x1], $0x10, s26, s14, $0xb8;
	[tilespmem:$0x57D0] =	vst v63  }
0xd3: {  	s28 =	sadd.s32 $0x2E00, s21  }
0xd4: {  	[spmem:s3] =	stream.indirect.scatter.add.f32 [tilespmem:s11], [sflag:$0x1], $0x10, s28, s14, $0xb8;
	[tilespmem:$0x57D0] =	vst v63  }
0xd5: {  	s29 =	sadd.s32 $0x2E80, s21  }
0xd6: {  	[spmem:s3] =	stream.indirect.scatter.add.f32 [tilespmem:s11], [sflag:$0x1], $0x10, s29, s14, $0xb8;
	[tilespmem:$0x57D0] =	vst v63  }
0xd7: {  	s30 =	sadd.s32 $0x2F00, s21  }
0xd8: {  	[spmem:s3] =	stream.indirect.scatter.add.f32 [tilespmem:s11], [sflag:$0x1], $0x10, s30, s14, $0xb8;
	[tilespmem:$0x57D0] =	vst v63  }
0xd9: {  	s31 =	sadd.s32 $0x2F80, s21  }
0xda: {  	[spmem:s3] =	stream.indirect.scatter.add.f32 [tilespmem:s11], [sflag:$0x1], $0x10, s31, s14, $0xb8;
	[tilespmem:$0x57D0] =	vst v63  }
0xdb: {  	_ =	swait.ge [sflag:s15], $0x7D0  }
0xdc: {  	[sflag:s15] =	ssyncset.done $0x0  }
0xdd: {  	[sflag:s15] =	ssyncadd.s32 $0xFFFFF830  }
0xde: {  	_ =	swait.ge [sflag:s15], $0x7D0  }
0xdf: {  	[sflag:s15] =	ssyncset.done $0x0  }
0xe0: {  	[sflag:s15] =	ssyncadd.s32 $0xFFFFF830  }
0xe1: {  	_ =	swait.ge [sflag:s15], $0x7D0  }
0xe2: {  	[sflag:s15] =	ssyncset.done $0x0  }
0xe3: {  	[sflag:s15] =	ssyncadd.s32 $0xFFFFF830  }
0xe4: {  	_ =	swait.ge [sflag:s15], $0x7D0  }
0xe5: {  	[sflag:s15] =	ssyncset.done $0x0  }
0xe6: {  	[sflag:s15] =	ssyncadd.s32 $0xFFFFF830  }
0xe7: {  	_ =	swait.ge [sflag:s15], $0x7D0  }
0xe8: {  	[sflag:s15] =	ssyncset.done $0x0  }
0xe9: {  	[sflag:s15] =	ssyncadd.s32 $0xFFFFF830  }
0xea: {  	_ =	swait.ge [sflag:s15], $0x7D0  }
0xeb: {  	[sflag:s15] =	ssyncset.done $0x0  }
0xec: {  	[sflag:s15] =	ssyncadd.s32 $0xFFFFF830  }
0xed: {  	_ =	swait.ge [sflag:s15], $0x7D0  }
0xee: {  	[sflag:s15] =	ssyncset.done $0x0  }
0xef: {  	[sflag:s15] =	ssyncadd.s32 $0xFFFFF830  }
0xf0: {  	_ =	swait.ge [sflag:s15], $0x7D0  }
0xf1: {  	[sflag:s15] =	ssyncset.done $0x0  }
0xf2: {  	[sflag:s15] =	ssyncadd.s32 $0xFFFFF830  }
0xf3: {  	_ =	swait.ge [sflag:s15], $0x7D0  }
0xf4: {  	[sflag:s15] =	ssyncset.done $0x0  }
0xf5: {  	[sflag:s15] =	ssyncadd.s32 $0xFFFFF830  }
0xf6: {  	_ =	swait.ge [sflag:s15], $0x7D0  }
0xf7: {  	[sflag:s15] =	ssyncset.done $0x0  }
0xf8: {  	[sflag:s15] =	ssyncadd.s32 $0xFFFFF830  }
0xf9: {  	_ =	swait.ge [sflag:s15], $0x7D0  }
0xfa: {  	[sflag:s15] =	ssyncset.done $0x0  }
0xfb: {  	[sflag:s15] =	ssyncadd.s32 $0xFFFFF830  }
0xfc: {  	_ =	swait.ge [sflag:s15], $0x7D0  }
0xfd: {  	[sflag:s15] =	ssyncset.done $0x0  }
0xfe: {  	[sflag:s15] =	ssyncadd.s32 $0xFFFFF830  }
0xff: {  	_ =	swait.ge [sflag:s15], $0x7D0  }
0x100: {  	[sflag:s15] =	ssyncset.done $0x0  }
0x101: {  	[sflag:s15] =	ssyncadd.s32 $0xFFFFF830  }
0x102: {  	_ =	swait.ge [sflag:s15], $0x7D0  }
0x103: {  	[sflag:s15] =	ssyncset.done $0x0  }
0x104: {  	[sflag:s15] =	ssyncadd.s32 $0xFFFFF830  }
0x105: {  	_ =	swait.ge [sflag:s15], $0x7D0  }
0x106: {  	[sflag:s15] =	ssyncset.done $0x0  }
0x107: {  	[sflag:s15] =	ssyncadd.s32 $0xFFFFF830  }
0x108: {  	_ =	swait.ge [sflag:s15], $0x7D0  }
0x109: {  	s18 =	sadd.s32 $0x1, s18;
	[sflag:s15] =	ssyncset.done $0x0  }
0x10a: {  	p0 =	sne.s32 s18, s9;
	[sflag:s15] =	ssyncadd.s32 $0xFFFFF830  }
.Ltmp1:
0x10b: {  	[bflag:$0x0] =	sbarrier.arrive $0xFFFF;
	(pc) =	sbr.rel @p0 .LBB2_1-.Ltmp1, $4  }
0x10c: {  	[hbm:s8], [sflag:s16] =	dma.local [spmem:s10], $0x500  }
0x10d: {  	_ =	swait.ge [sflag:s17], $0x500  }
0x10e: {  	[sflag:s17] =	ssyncset.done $0x0  }
0x10f: {  	[sflag:s17] =	ssyncadd.s32 $0xFFFFFB00  }
0x110: {  	_ =	sfence.sel $0x180000  }
0x111: {  	[bflag:$0x0] =	sbarrier.arrive $0xFFFF  }
0x112: {  	p0 =	sne.s32 s0, $0x0;
	_ =	strace $0x90000047  }
0x113: {  	s0 =	sadd.s32 @!p0 $0x100000, s1;
	[bflag:$0x2] =	sbarrier.arrive $0xFFFF  }
0x114: {  	[sflag:s0] =	ssyncadd.tile.s32 @!p0 $0x1;
	_ =	shalt  }
.Lfunc_end2:
_tile_overlayer_lowered:
.L_overlay_start_2:
0x115: {  	(tag) =	ssettag $0x2  }
0x116: {  	s0 =	rddreg [dreg:$0x0];
	s2 =	stileid.u32  }
0x117: {  	s1 =	rddreg [dreg:$0x1];
	p0 =	sne.s32 s2, $0x0  }
0x118: {  	s3 =	rddreg [dreg:$0x2];
	[bflag:$0x3] =	sbarrier.arrive $0xFFFF;
	s2 =	simm.s32 @!p0 $0x1C03  }
0x119: {  	[timem:s3], [sflag:s2] =	dma.local @!p0 [hbm:s0], s1  }
0x11a: {  	s0 =	simm.s32 @!p0 $0x3  }
0x11b: {  	_ =	swait.ge @!p0 [sflag:s0], s1  }
0x11c: {  	s1 =	ssub.s32 @!p0 $0x0, s1;
	[sflag:s0] =	ssyncset.done @!p0 $0x0  }
0x11d: {  	[sflag:s0] =	ssyncadd.s32 @!p0 s1  }
0x11e: {  	[bflag:$0x3] =	sbarrier.arrive $0xFFFF  }
0x11f: {  	_ =	shalt  }

</sc_bundles>
